<compile_context>
chip_gen: v7x
topology: tpu7x:2x2x1
jax: 0.10.2.dev20260603
libtpu: 0.0.44.dev20260713+nightly
codegen_flags: <defaults>
</compile_context>

<pallas_src>
import functools

import jax
import jax.numpy as jnp
import numpy as np
from jax import lax
from jax.experimental import pallas as pl
from jax.experimental.pallas import tpu as pltpu
from jax.experimental.pallas import tpu_sc as plsc

_N = 10000
_E = 320000
_FIN = 128
_HID = 32
_NCH = 8
_CST = 1e-05

_HALF = (_HID * _NCH + _HID) // 2
_CHUNK = 80
_NSUB = 16
_C = 80
_CPS = 16
_SLAB = _C * _CPS
_NCHK = 3 * -(-_E // (_NSUB * _C * 3))
_EPT = _NCHK * _C
_EPAD = _NSUB * _EPT
_EARR = _EPAD + _SLAB
_EPW = _EPAD // (2 * _NSUB)
_NPAD = 640 * _NSUB
_RPT = _NPAD // _NSUB

_BN = 1000
_GRID = _N // _BN


def _sc_mesh():
    return plsc.VectorSubcoreMesh(core_axis_name="c", subcore_axis_name="s",
                                  num_cores=2, num_subcores=_NSUB)



@functools.cache
def _get_deg_kernel():
    return functools.partial(
        pl.kernel,
        out_type=jax.ShapeDtypeStruct((2, _NPAD), jnp.float32),
        mesh=_sc_mesh(),
        scratch_types=[
            pltpu.VMEM((_EPW,), jnp.int32),
            pltpu.VMEM((_CHUNK,), jnp.int32),
            pltpu.VMEM((_CHUNK,), jnp.float32),
            pltpu.VMEM((_RPT,), jnp.float32),
            pltpu.VMEM_SHARED((_NPAD,), jnp.float32),
        ],
        compiler_params=pltpu.CompilerParams(use_tc_tiling_on_sc=False),
    )(_deg_body)


def _deg_body(colp, out, slab, cidx, ones, zbuf, accd):
    c = lax.axis_index("c")
    s = lax.axis_index("s")
    w = s * 2 + c
    pltpu.sync_copy(colp.at[pl.ds(w * _EPW, _EPW)], slab)
    for j in range(_CHUNK // 16):
        ones[pl.ds(j * 16, 16)] = jnp.full((16,), 1.0, jnp.float32)
    for i in range(_RPT // 16):
        zbuf[pl.ds(i * 16, 16)] = jnp.zeros((16,), jnp.float32)
    pltpu.sync_copy(zbuf, accd.at[pl.ds(s * _RPT, _RPT)])
    plsc.subcore_barrier()

    def chunk(k, carry):
        e0 = k * _CHUNK
        for j in range(_CHUNK // 16):
            cidx[pl.ds(j * 16, 16)] = slab[pl.ds(e0 + j * 16, 16)]
        pltpu.sync_copy(ones, accd.at[cidx], add=True)
        return carry

    lax.fori_loop(0, _EPW // _CHUNK, chunk, 0)
    plsc.subcore_barrier()
    pltpu.sync_copy(accd.at[pl.ds(s * _RPT, _RPT)], out.at[c, pl.ds(s * _RPT, _RPT)])



@functools.cache
def _get_hop_kernel():
    return functools.partial(
        pl.kernel,
        out_type=jax.ShapeDtypeStruct((2, _NPAD, _HALF), jnp.float32),
        mesh=_sc_mesh(),
        scratch_types=[
            pltpu.VMEM((_SLAB,), jnp.int32),
            pltpu.VMEM((_SLAB,), jnp.int32),
            pltpu.VMEM((_C,), jnp.int32),
            pltpu.VMEM((_C,), jnp.int32),
            pltpu.VMEM((_C,), jnp.int32),
            pltpu.VMEM((_C,), jnp.int32),
            pltpu.VMEM((_C,), jnp.int32),
            pltpu.VMEM((_C,), jnp.int32),
            pltpu.VMEM((_C, _HALF), jnp.float32),
            pltpu.VMEM((_C, _HALF), jnp.float32),
            pltpu.VMEM((_C, _HALF), jnp.float32),
            pltpu.VMEM_SHARED((_NPAD, _HALF), jnp.float32),
            pltpu.SemaphoreType.DMA,
            pltpu.SemaphoreType.DMA,
            pltpu.SemaphoreType.DMA,
            pltpu.SemaphoreType.DMA,
            pltpu.SemaphoreType.DMA,
            pltpu.SemaphoreType.DMA,
        ],
        compiler_params=pltpu.CompilerParams(use_tc_tiling_on_sc=False),
    )(_hop_body)


def _hop_body(ztab, rowp, colp, out, erow, ecol, g0, g1, g2, x0, x1, x2,
              b0, b1, b2, acc, s0, s1, s2, t0, t1, t2):
    c = lax.axis_index("c")
    s = lax.axis_index("s")
    gx, cx, bf = (g0, g1, g2), (x0, x1, x2), (b0, b1, b2)
    gsm, ssm = (s0, s1, s2), (t0, t1, t2)

    nb = s * _RPT
    nq = _RPT // _C

    def init_idx(q, g):
        base = nb + q * _C
        for j in range(_C // 16):
            idxv = base + j * 16 + lax.iota(jnp.int32, 16)
            idxv = jnp.minimum(idxv, _N - 1)
            g[pl.ds(j * 16, 16)] = idxv * 2 + c

    di = [None, None, None]
    for q in range(min(3, nq)):
        init_idx(q, gx[q])
        di[q] = pltpu.async_copy(ztab.at[gx[q]], bf[q], gsm[q])
    for q in range(nq):
        p = q % 3
        di[p].wait()
        pltpu.sync_copy(bf[p], acc.at[pl.ds(nb + q * _C, _C)])
        if q + 3 < nq:
            init_idx(q + 3, gx[p])
            di[p] = pltpu.async_copy(ztab.at[gx[p]], bf[p], gsm[p])
    plsc.subcore_barrier()

    ebase = s * _EPT

    def build(kloc, g, x):
        k0 = kloc * _C
        for j in range(_C // 16):
            rv = erow[pl.ds(k0 + j * 16, 16)]
            g[pl.ds(j * 16, 16)] = rv * 2 + c
            x[pl.ds(j * 16, 16)] = ecol[pl.ds(k0 + j * 16, 16)]

    def wait_gather(p):
        pltpu.make_async_copy(ztab.at[gx[p]], bf[p], gsm[p]).wait()

    def wait_scatter(p):
        pltpu.make_async_copy(bf[p], acc.at[cx[p]], ssm[p]).wait()

    def group_fn(gi, carry):
        for u in range(3):
            k = gi * 3 + u

            @pl.when(k % _CPS == 0)
            def _():
                e0 = ebase + (k // _CPS) * _SLAB
                pltpu.sync_copy(rowp.at[pl.ds(e0, _SLAB)], erow)
                pltpu.sync_copy(colp.at[pl.ds(e0, _SLAB)], ecol)

            @pl.when(gi >= 1)
            def _():
                wait_scatter(u)
            build(k % _CPS, gx[u], cx[u])
            pltpu.async_copy(ztab.at[gx[u]], bf[u], gsm[u])
            q = (u - 1) % 3
            if u == 0:
                @pl.when(gi >= 1)
                def _():
                    wait_gather(2)
                    pltpu.async_copy(bf[2], acc.at[cx[2]], ssm[2], add=True)
            else:
                wait_gather(q)
                pltpu.async_copy(bf[q], acc.at[cx[q]], ssm[q], add=True)
        return carry

    lax.fori_loop(0, _NCHK // 3, group_fn, 0)
    wait_gather(2)
    pltpu.async_copy(bf[2], acc.at[cx[2]], ssm[2], add=True)
    for p in range(3):
        wait_scatter(p)
    plsc.subcore_barrier()

    last = _N - (_NSUB - 1) * _RPT

    @pl.when(s < _NSUB - 1)
    def _():
        pltpu.sync_copy(acc.at[pl.ds(s * _RPT, _RPT)],
                        out.at[c, pl.ds(s * _RPT, _RPT)])

    @pl.when(s == _NSUB - 1)
    def _():
        pltpu.sync_copy(acc.at[pl.ds((_NSUB - 1) * _RPT, last)],
                        out.at[c, pl.ds((_NSUB - 1) * _RPT, last)])



def _elu1(z):
    return 1.0 + jnp.where(z > 0, z, jnp.exp(z) - 1.0)


def _prep_body(x, wi, bi, wq, bq, wk, bk, wv, bv, rr, tt, d0, d1, tmp,
               z_o, q_o, h0_o, dis_o):
    h = jnp.maximum(jnp.dot(x[...], wi[...], preferred_element_type=jnp.float32)
                    + bi[...], 0.0)
    q = _elu1(jnp.dot(h, wq[...], preferred_element_type=jnp.float32) + bq[...])
    kf = _elu1(jnp.dot(h, wk[...], preferred_element_type=jnp.float32) + bk[...])
    v = jnp.dot(h, wv[...], preferred_element_type=jnp.float32) + bv[...]
    deg = d0[...] + d1[...] + 1.0
    dis = lax.rsqrt(deg)
    zm = (jnp.dot(kf, rr[...], preferred_element_type=jnp.float32)
          * jnp.dot(v, tt[...], preferred_element_type=jnp.float32))
    z_o[...] = jnp.concatenate([zm, kf], axis=1) * dis
    q_o[...] = q
    h0_o[...] = v * tmp[0, 0]
    dis_o[...] = dis


def _prep_call(x, wi, bi, wq, bq, wk, bk, wv, bv, rr, tt, d0, d1, tmp):
    full = lambda shape: pl.BlockSpec(shape, lambda i: (0, 0))
    rowb = lambda w: pl.BlockSpec((_BN, w), lambda i: (i, 0))
    return pl.pallas_call(
        _prep_body,
        grid=(_GRID,),
        in_specs=[
            rowb(_FIN), full((_FIN, _HID)), full((1, _HID)),
            full((_HID, _HID)), full((1, _HID)),
            full((_HID, _HID)), full((1, _HID)),
            full((_HID, _NCH)), full((1, _NCH)),
            full((_HID, _HID * _NCH)), full((_NCH, _HID * _NCH)),
            rowb(1), rowb(1), full((1, 3)),
        ],
        out_specs=[rowb(2 * _HALF), rowb(_HID), rowb(_NCH), rowb(1)],
        out_shape=[
            jax.ShapeDtypeStruct((_N, 2 * _HALF), jnp.float32),
            jax.ShapeDtypeStruct((_N, _HID), jnp.float32),
            jax.ShapeDtypeStruct((_N, _NCH), jnp.float32),
            jax.ShapeDtypeStruct((_N, 1), jnp.float32),
        ],
    )(x, wi, bi, wq, bq, wk, bk, wv, bv, rr, tt, d0, d1, tmp)



def _post_body(ya, yb, q, dis, hid, rr, ttt, tmp, ho_o, z_o):
    y = jnp.concatenate([ya[0], yb[0]], axis=1)
    d = dis[...]
    m = y[:, : _HID * _NCH] * d
    kf = y[:, _HID * _NCH:] * d
    qb = q[...]
    hh = jnp.dot(jnp.dot(qb, rr[...], preferred_element_type=jnp.float32) * m,
                 ttt[...], preferred_element_type=jnp.float32)
    cd = jnp.sum(qb * kf, axis=1, keepdims=True) + _CST
    ho_o[...] = hid[...] + tmp[0, 0] * (hh / cd)
    z_o[...] = y * (d * d)


def _post_call(y, q, dis, hid, rr, ttt, tmp):
    full = lambda shape: pl.BlockSpec(shape, lambda i: (0, 0))
    rowb = lambda w: pl.BlockSpec((_BN, w), lambda i: (i, 0))
    ya_spec = pl.BlockSpec((1, _BN, _HALF), lambda i: (0, i, 0))
    yb_spec = pl.BlockSpec((1, _BN, _HALF), lambda i: (1, i, 0))
    return pl.pallas_call(
        _post_body,
        grid=(_GRID,),
        in_specs=[
            ya_spec, yb_spec, rowb(_HID), rowb(1), rowb(_NCH),
            full((_HID, _HID * _NCH)), full((_HID * _NCH, _NCH)), full((1, 1)),
        ],
        out_specs=[rowb(_NCH), rowb(2 * _HALF)],
        out_shape=[
            jax.ShapeDtypeStruct((_N, _NCH), jnp.float32),
            jax.ShapeDtypeStruct((_N, 2 * _HALF), jnp.float32),
        ],
    )(y, y, q, dis, hid, rr, ttt, tmp)



_R_EXPAND = np.kron(np.eye(_HID), np.ones((1, _NCH))).astype(np.float32)
_T_EXPAND = np.kron(np.ones((1, _HID)), np.eye(_NCH)).astype(np.float32)


def kernel(x, edge_index, W_in, b_in, WQ, bQ, WK, bK, WV, bV, temp):
    row = edge_index[0]
    col = edge_index[1]
    npad = _EARR - _E
    rowp = jnp.concatenate([row, jnp.zeros((npad,), jnp.int32)])
    colp = jnp.concatenate([col, jnp.full((npad,), _N, jnp.int32)])

    degp = _get_deg_kernel()(colp)
    d0 = degp[0, :_N, None]
    d1 = degp[1, :_N, None]

    tmp = temp.reshape(1, 3)
    z0, q, hid0, dis = _prep_call(
        x, W_in.T, b_in.reshape(1, _HID), WQ.T, bQ.reshape(1, _HID),
        WK.T, bK.reshape(1, _HID), WV.T, bV.reshape(1, _NCH),
        _R_EXPAND, _T_EXPAND, d0, d1, tmp)

    ttt = np.ascontiguousarray(_T_EXPAND.T)
    t_steps = temp[1:].reshape(2, 1, 1)

    def body(carry, t_h):
        hid, z = carry
        y = _get_hop_kernel()(z.reshape(2 * _N, _HALF), rowp, colp)
        hid_n, z_n = _post_call(y, q, dis, hid, _R_EXPAND, ttt, t_h)
        return (hid_n, z_n), None

    (hid_f, _), _ = lax.scan(body, (hid0, z0), t_steps)
    return hid_f

# --- scband reference (transcript-rebuilt; emitter-appended) ---
"""Pipeline reference for scband-pfgt-33517924778183 (READ-ONLY COPY).

The authoritative reference and input builder live on the scoring server;
editing this copy changes nothing except your own understanding.
"""

import jax, jax.numpy as jnp
import numpy as np

N = 10000
E = 320000
F_IN = 128
HID = 32
NC = 8
KHOPS = 2
ALPHA = 0.1
CST = 1e-05


def _temp_init():
    t = ALPHA * (1.0 - ALPHA) ** np.arange(KHOPS + 1)
    t[-1] = (1.0 - ALPHA) ** KHOPS
    return jnp.asarray(t, dtype=jnp.float32)


def setup_inputs(seed: int = 0):
    key = jax.random.key(seed)
    ks = jax.random.split(key, 10)
    x = jax.random.normal(ks[0], (N, F_IN), dtype=jnp.float32)
    edge_index = jax.random.randint(ks[1], (2, E), 0, N, dtype=jnp.int32)

    def lin(k, out_d, in_d):
        return jax.random.normal(k, (out_d, in_d), dtype=jnp.float32) / jnp.sqrt(float(in_d))

    W_in = lin(ks[2], HID, F_IN)
    b_in = jnp.zeros((HID,), jnp.float32)
    WQ = lin(ks[3], HID, HID)
    bQ = jnp.zeros((HID,), jnp.float32)
    WK = lin(ks[4], HID, HID)
    bK = jnp.zeros((HID,), jnp.float32)
    WV = lin(ks[5], NC, HID)
    bV = jnp.zeros((NC,), jnp.float32)
    temp = _temp_init()
    return {"x": x, "edge_index": edge_index, "W_in": W_in, "b_in": b_in,
            "WQ": WQ, "bQ": bQ, "WK": WK, "bK": bK, "WV": WV, "bV": bV,
            "temp": temp}


def reference(x, edge_index, W_in, b_in, WQ, bQ, WK, bK, WV, bV, temp):
    # add self loops
    ar = jnp.arange(N, dtype=edge_index.dtype)
    ei = jnp.concatenate([edge_index, jnp.stack([ar, ar])], axis=1)
    row, col = ei[0], ei[1]
    # symmetric normalization (degree of target nodes)
    deg = jax.ops.segment_sum(jnp.ones((ei.shape[1],), x.dtype), col, num_segments=N)
    safe = jnp.where(deg > 0, deg, 1.0)
    dis = jnp.where(deg > 0, 1.0 / jnp.sqrt(safe), 0.0)
    norm = dis[row] * dis[col]
    # input transform (dropout is identity in eval / dropout=0.0)
    h = jax.nn.relu(x @ W_in.T + b_in)
    Q = 1.0 + jax.nn.elu(h @ WQ.T + bQ)
    Kf = 1.0 + jax.nn.elu(h @ WK.T + bK)
    V = h @ WV.T + bV
    M = jnp.einsum('ni,nj->nij', Kf, V)
    hidden = V * temp[0]
    for hop in range(KHOPS):
        # propM: scatter-add of normalized outer-product messages
        M = jax.ops.segment_sum(M[row] * norm[:, None, None], col, num_segments=N)
        # propK
        Kf = jax.ops.segment_sum(Kf[row] * norm[:, None], col, num_segments=N)
        H = jnp.einsum('ni,nij->nj', Q, M)
        Cd = jnp.sum(Q * Kf, axis=-1, keepdims=True) + CST
        hidden = hidden + temp[hop + 1] * (H / Cd)
    return hidden

if __name__ == "__main__":
    import jax
    _d = setup_inputs()
    print(jax.jit(kernel)(*tuple(_d.values())))

</pallas_src>

<mosaic_0001>
#map = affine_map<(d0, d1) -> (0, 0)>
#map1 = affine_map<(d0, d1) -> (0)>
#map2 = affine_map<(d0, d1) -> (0, 0, 0)>
module attributes {stable_mosaic.version = 14 : i64} {
  func.func @_hop_body(%arg0: i32, %arg1: i32, %arg2: memref<20000x144xf32, #tpu.memory_space<hbm>>, %arg3: memref<323840xi32, #tpu.memory_space<hbm>>, %arg4: memref<323840xi32, #tpu.memory_space<hbm>>, %arg5: memref<2x10240x144xf32, #tpu.memory_space<hbm>>, %arg6: memref<1280xi32, #tpu.memory_space<vmem>>, %arg7: memref<1280xi32, #tpu.memory_space<vmem>>, %arg8: memref<80xi32, #tpu.memory_space<vmem>>, %arg9: memref<80xi32, #tpu.memory_space<vmem>>, %arg10: memref<80xi32, #tpu.memory_space<vmem>>, %arg11: memref<80xi32, #tpu.memory_space<vmem>>, %arg12: memref<80xi32, #tpu.memory_space<vmem>>, %arg13: memref<80xi32, #tpu.memory_space<vmem>>, %arg14: memref<80x144xf32, #tpu.memory_space<vmem>>, %arg15: memref<80x144xf32, #tpu.memory_space<vmem>>, %arg16: memref<80x144xf32, #tpu.memory_space<vmem>>, %arg17: memref<10240x144xf32, #tpu.memory_space<vmem_shared>>, %arg18: memref<!tpu.dma_semaphore, #tpu.memory_space<semaphore_mem>>, %arg19: memref<!tpu.dma_semaphore, #tpu.memory_space<semaphore_mem>>, %arg20: memref<!tpu.dma_semaphore, #tpu.memory_space<semaphore_mem>>, %arg21: memref<!tpu.dma_semaphore, #tpu.memory_space<semaphore_mem>>, %arg22: memref<!tpu.dma_semaphore, #tpu.memory_space<semaphore_mem>>, %arg23: memref<!tpu.dma_semaphore, #tpu.memory_space<semaphore_mem>>) attributes {dimension_semantics = [#tpu.dimension_semantics<core_parallel>, #tpu.dimension_semantics<subcore_parallel>], iteration_bounds = array<i64: 2, 16>, scalar_prefetch = 0 : i64, scratch_operands = 18 : i64, tpu.core_type = #tpu.core_type<sc_vector_subcore>, window_params = [{transform_indices = #map}, {transform_indices = #map1}, {transform_indices = #map1}, {transform_indices = #map2}]} {
    %mul3A = arith.constant 640 : i32
    %mul3A_0 = arith.muli %arg1, %mul3A : i32
    %add3A = arith.constant 0 : i32
    %add3A_1 = arith.addi %mul3A_0, %add3A : i32
    %add3A_2 = arith.constant 0 : i32
    %add3A_3 = arith.addi %add3A_1, %add3A_2 : i32
    %iota3A = tpu.iota {dimensions = array<i32: 0>} : vector<16xi32>
    %add3A_4 = vector.broadcast %add3A_3 : i32 to vector<16xi32>
    %add3A_5 = arith.addi %add3A_4, %iota3A : vector<16xi32>
    %min3A = arith.constant 9999 : i32
    %min3A_6 = vector.broadcast %min3A : i32 to vector<16xi32>
    %min3A_7 = arith.minsi %add3A_5, %min3A_6 : vector<16xi32>
    %mul3A_8 = arith.constant 2 : i32
    %mul3A_9 = vector.broadcast %mul3A_8 : i32 to vector<16xi32>
    %mul3A_10 = arith.muli %min3A_7, %mul3A_9 : vector<16xi32>
    %add3A_11 = vector.broadcast %arg0 : i32 to vector<16xi32>
    %add3A_12 = arith.addi %mul3A_10, %add3A_11 : vector<16xi32>
    %swap3A = arith.constant 0 : index
    %swap3A_13 = tpu.vector_load %arg8[%swap3A] {strides = array<i32>} : memref<80xi32, #tpu.memory_space<vmem>>, vector<16xi32>,
    %swap3A_14 = vector.shape_cast %swap3A_13 : vector<16xi32> to vector<16xi32>
    %swap3A_15 = vector.shape_cast %add3A_12 : vector<16xi32> to vector<16xi32>
    tpu.vector_store %arg8[%swap3A], %swap3A_15 {strides = array<i32>} : memref<80xi32, #tpu.memory_space<vmem>>, vector<16xi32>,
    %add3A_16 = arith.constant 16 : i32
    %add3A_17 = arith.addi %add3A_1, %add3A_16 : i32
    %iota3A_18 = tpu.iota {dimensions = array<i32: 0>} : vector<16xi32>
    %add3A_19 = vector.broadcast %add3A_17 : i32 to vector<16xi32>
    %add3A_20 = arith.addi %add3A_19, %iota3A_18 : vector<16xi32>
    %min3A_21 = arith.constant 9999 : i32
    %min3A_22 = vector.broadcast %min3A_21 : i32 to vector<16xi32>
    %min3A_23 = arith.minsi %add3A_20, %min3A_22 : vector<16xi32>
    %mul3A_24 = arith.constant 2 : i32
    %mul3A_25 = vector.broadcast %mul3A_24 : i32 to vector<16xi32>
    %mul3A_26 = arith.muli %min3A_23, %mul3A_25 : vector<16xi32>
    %add3A_27 = vector.broadcast %arg0 : i32 to vector<16xi32>
    %add3A_28 = arith.addi %mul3A_26, %add3A_27 : vector<16xi32>
    %swap3A_29 = arith.constant 16 : index
    %swap3A_30 = tpu.vector_load %arg8[%swap3A_29] {strides = array<i32>} : memref<80xi32, #tpu.memory_space<vmem>>, vector<16xi32>,
    %swap3A_31 = vector.shape_cast %swap3A_30 : vector<16xi32> to vector<16xi32>
    %swap3A_32 = vector.shape_cast %add3A_28 : vector<16xi32> to vector<16xi32>
    tpu.vector_store %arg8[%swap3A_29], %swap3A_32 {strides = array<i32>} : memref<80xi32, #tpu.memory_space<vmem>>, vector<16xi32>,
    %add3A_33 = arith.constant 32 : i32
    %add3A_34 = arith.addi %add3A_1, %add3A_33 : i32
    %iota3A_35 = tpu.iota {dimensions = array<i32: 0>} : vector<16xi32>
    %add3A_36 = vector.broadcast %add3A_34 : i32 to vector<16xi32>
    %add3A_37 = arith.addi %add3A_36, %iota3A_35 : vector<16xi32>
    %min3A_38 = arith.constant 9999 : i32
    %min3A_39 = vector.broadcast %min3A_38 : i32 to vector<16xi32>
    %min3A_40 = arith.minsi %add3A_37, %min3A_39 : vector<16xi32>
    %mul3A_41 = arith.constant 2 : i32
    %mul3A_42 = vector.broadcast %mul3A_41 : i32 to vector<16xi32>
    %mul3A_43 = arith.muli %min3A_40, %mul3A_42 : vector<16xi32>
    %add3A_44 = vector.broadcast %arg0 : i32 to vector<16xi32>
    %add3A_45 = arith.addi %mul3A_43, %add3A_44 : vector<16xi32>
    %swap3A_46 = arith.constant 32 : index
    %swap3A_47 = tpu.vector_load %arg8[%swap3A_46] {strides = array<i32>} : memref<80xi32, #tpu.memory_space<vmem>>, vector<16xi32>,
    %swap3A_48 = vector.shape_cast %swap3A_47 : vector<16xi32> to vector<16xi32>
    %swap3A_49 = vector.shape_cast %add3A_45 : vector<16xi32> to vector<16xi32>
    tpu.vector_store %arg8[%swap3A_46], %swap3A_49 {strides = array<i32>} : memref<80xi32, #tpu.memory_space<vmem>>, vector<16xi32>,
    %add3A_50 = arith.constant 48 : i32
    %add3A_51 = arith.addi %add3A_1, %add3A_50 : i32
    %iota3A_52 = tpu.iota {dimensions = array<i32: 0>} : vector<16xi32>
    %add3A_53 = vector.broadcast %add3A_51 : i32 to vector<16xi32>
    %add3A_54 = arith.addi %add3A_53, %iota3A_52 : vector<16xi32>
    %min3A_55 = arith.constant 9999 : i32
    %min3A_56 = vector.broadcast %min3A_55 : i32 to vector<16xi32>
    %min3A_57 = arith.minsi %add3A_54, %min3A_56 : vector<16xi32>
    %mul3A_58 = arith.constant 2 : i32
    %mul3A_59 = vector.broadcast %mul3A_58 : i32 to vector<16xi32>
    %mul3A_60 = arith.muli %min3A_57, %mul3A_59 : vector<16xi32>
    %add3A_61 = vector.broadcast %arg0 : i32 to vector<16xi32>
    %add3A_62 = arith.addi %mul3A_60, %add3A_61 : vector<16xi32>
    %swap3A_63 = arith.constant 48 : index
    %swap3A_64 = tpu.vector_load %arg8[%swap3A_63] {strides = array<i32>} : memref<80xi32, #tpu.memory_space<vmem>>, vector<16xi32>,
    %swap3A_65 = vector.shape_cast %swap3A_64 : vector<16xi32> to vector<16xi32>
    %swap3A_66 = vector.shape_cast %add3A_62 : vector<16xi32> to vector<16xi32>
    tpu.vector_store %arg8[%swap3A_63], %swap3A_66 {strides = array<i32>} : memref<80xi32, #tpu.memory_space<vmem>>, vector<16xi32>,
    %add3A_67 = arith.constant 64 : i32
    %add3A_68 = arith.addi %add3A_1, %add3A_67 : i32
    %iota3A_69 = tpu.iota {dimensions = array<i32: 0>} : vector<16xi32>
    %add3A_70 = vector.broadcast %add3A_68 : i32 to vector<16xi32>
    %add3A_71 = arith.addi %add3A_70, %iota3A_69 : vector<16xi32>
    %min3A_72 = arith.constant 9999 : i32
    %min3A_73 = vector.broadcast %min3A_72 : i32 to vector<16xi32>
    %min3A_74 = arith.minsi %add3A_71, %min3A_73 : vector<16xi32>
    %mul3A_75 = arith.constant 2 : i32
    %mul3A_76 = vector.broadcast %mul3A_75 : i32 to vector<16xi32>
    %mul3A_77 = arith.muli %min3A_74, %mul3A_76 : vector<16xi32>
    %add3A_78 = vector.broadcast %arg0 : i32 to vector<16xi32>
    %add3A_79 = arith.addi %mul3A_77, %add3A_78 : vector<16xi32>
    %swap3A_80 = arith.constant 64 : index
    %swap3A_81 = tpu.vector_load %arg8[%swap3A_80] {strides = array<i32>} : memref<80xi32, #tpu.memory_space<vmem>>, vector<16xi32>,
    %swap3A_82 = vector.shape_cast %swap3A_81 : vector<16xi32> to vector<16xi32>
    %swap3A_83 = vector.shape_cast %add3A_79 : vector<16xi32> to vector<16xi32>
    tpu.vector_store %arg8[%swap3A_80], %swap3A_83 {strides = array<i32>} : memref<80xi32, #tpu.memory_space<vmem>>, vector<16xi32>,
    %dma_start3A = arith.constant 0 : i32
    %dma_start3A_84 = arith.constant 0 : i32
    %dma_start3A_85 = tpu.memref_slice %arg2[%dma_start3A, %dma_start3A_84] : memref<20000x144xf32, #tpu.memory_space<hbm>> -> memref<20000x144xf32, #tpu.memory_space<hbm>>
    tpu.enqueue_indirect_dma source(%dma_start3A_85 : memref<20000x144xf32, #tpu.memory_space<hbm>>) target(%arg14 : memref<80x144xf32, #tpu.memory_space<vmem>>) offsets(%arg8 : memref<80xi32, #tpu.memory_space<vmem>>) semaphore(%arg18 : memref<!tpu.dma_semaphore, #tpu.memory_space<semaphore_mem>>)
    %add3A_86 = arith.constant 80 : i32
    %add3A_87 = arith.addi %mul3A_0, %add3A_86 : i32
    %add3A_88 = arith.constant 0 : i32
    %add3A_89 = arith.addi %add3A_87, %add3A_88 : i32
    %iota3A_90 = tpu.iota {dimensions = array<i32: 0>} : vector<16xi32>
    %add3A_91 = vector.broadcast %add3A_89 : i32 to vector<16xi32>
    %add3A_92 = arith.addi %add3A_91, %iota3A_90 : vector<16xi32>
    %min3A_93 = arith.constant 9999 : i32
    %min3A_94 = vector.broadcast %min3A_93 : i32 to vector<16xi32>
    %min3A_95 = arith.minsi %add3A_92, %min3A_94 : vector<16xi32>
    %mul3A_96 = arith.constant 2 : i32
    %mul3A_97 = vector.broadcast %mul3A_96 : i32 to vector<16xi32>
    %mul3A_98 = arith.muli %min3A_95, %mul3A_97 : vector<16xi32>
    %add3A_99 = vector.broadcast %arg0 : i32 to vector<16xi32>
    %add3A_100 = arith.addi %mul3A_98, %add3A_99 : vector<16xi32>
    %swap3A_101 = arith.constant 0 : index
    %swap3A_102 = tpu.vector_load %arg9[%swap3A_101] {strides = array<i32>} : memref<80xi32, #tpu.memory_space<vmem>>, vector<16xi32>,
    %swap3A_103 = vector.shape_cast %swap3A_102 : vector<16xi32> to vector<16xi32>
    %swap3A_104 = vector.shape_cast %add3A_100 : vector<16xi32> to vector<16xi32>
    tpu.vector_store %arg9[%swap3A_101], %swap3A_104 {strides = array<i32>} : memref<80xi32, #tpu.memory_space<vmem>>, vector<16xi32>,
    %add3A_105 = arith.constant 16 : i32
    %add3A_106 = arith.addi %add3A_87, %add3A_105 : i32
    %iota3A_107 = tpu.iota {dimensions = array<i32: 0>} : vector<16xi32>
    %add3A_108 = vector.broadcast %add3A_106 : i32 to vector<16xi32>
    %add3A_109 = arith.addi %add3A_108, %iota3A_107 : vector<16xi32>
    %min3A_110 = arith.constant 9999 : i32
    %min3A_111 = vector.broadcast %min3A_110 : i32 to vector<16xi32>
    %min3A_112 = arith.minsi %add3A_109, %min3A_111 : vector<16xi32>
    %mul3A_113 = arith.constant 2 : i32
    %mul3A_114 = vector.broadcast %mul3A_113 : i32 to vector<16xi32>
    %mul3A_115 = arith.muli %min3A_112, %mul3A_114 : vector<16xi32>
    %add3A_116 = vector.broadcast %arg0 : i32 to vector<16xi32>
    %add3A_117 = arith.addi %mul3A_115, %add3A_116 : vector<16xi32>
    %swap3A_118 = arith.constant 16 : index
    %swap3A_119 = tpu.vector_load %arg9[%swap3A_118] {strides = array<i32>} : memref<80xi32, #tpu.memory_space<vmem>>, vector<16xi32>,
    %swap3A_120 = vector.shape_cast %swap3A_119 : vector<16xi32> to vector<16xi32>
    %swap3A_121 = vector.shape_cast %add3A_117 : vector<16xi32> to vector<16xi32>
    tpu.vector_store %arg9[%swap3A_118], %swap3A_121 {strides = array<i32>} : memref<80xi32, #tpu.memory_space<vmem>>, vector<16xi32>,
    %add3A_122 = arith.constant 32 : i32
    %add3A_123 = arith.addi %add3A_87, %add3A_122 : i32
    %iota3A_124 = tpu.iota {dimensions = array<i32: 0>} : vector<16xi32>
    %add3A_125 = vector.broadcast %add3A_123 : i32 to vector<16xi32>
    %add3A_126 = arith.addi %add3A_125, %iota3A_124 : vector<16xi32>
    %min3A_127 = arith.constant 9999 : i32
    %min3A_128 = vector.broadcast %min3A_127 : i32 to vector<16xi32>
    %min3A_129 = arith.minsi %add3A_126, %min3A_128 : vector<16xi32>
    %mul3A_130 = arith.constant 2 : i32
    %mul3A_131 = vector.broadcast %mul3A_130 : i32 to vector<16xi32>
    %mul3A_132 = arith.muli %min3A_129, %mul3A_131 : vector<16xi32>
    %add3A_133 = vector.broadcast %arg0 : i32 to vector<16xi32>
    %add3A_134 = arith.addi %mul3A_132, %add3A_133 : vector<16xi32>
    %swap3A_135 = arith.constant 32 : index
    %swap3A_136 = tpu.vector_load %arg9[%swap3A_135] {strides = array<i32>} : memref<80xi32, #tpu.memory_space<vmem>>, vector<16xi32>,
    %swap3A_137 = vector.shape_cast %swap3A_136 : vector<16xi32> to vector<16xi32>
    %swap3A_138 = vector.shape_cast %add3A_134 : vector<16xi32> to vector<16xi32>
    tpu.vector_store %arg9[%swap3A_135], %swap3A_138 {strides = array<i32>} : memref<80xi32, #tpu.memory_space<vmem>>, vector<16xi32>,
    %add3A_139 = arith.constant 48 : i32
    %add3A_140 = arith.addi %add3A_87, %add3A_139 : i32
    %iota3A_141 = tpu.iota {dimensions = array<i32: 0>} : vector<16xi32>
    %add3A_142 = vector.broadcast %add3A_140 : i32 to vector<16xi32>
    %add3A_143 = arith.addi %add3A_142, %iota3A_141 : vector<16xi32>
    %min3A_144 = arith.constant 9999 : i32
    %min3A_145 = vector.broadcast %min3A_144 : i32 to vector<16xi32>
    %min3A_146 = arith.minsi %add3A_143, %min3A_145 : vector<16xi32>
    %mul3A_147 = arith.constant 2 : i32
    %mul3A_148 = vector.broadcast %mul3A_147 : i32 to vector<16xi32>
    %mul3A_149 = arith.muli %min3A_146, %mul3A_148 : vector<16xi32>
    %add3A_150 = vector.broadcast %arg0 : i32 to vector<16xi32>
    %add3A_151 = arith.addi %mul3A_149, %add3A_150 : vector<16xi32>
    %swap3A_152 = arith.constant 48 : index
    %swap3A_153 = tpu.vector_load %arg9[%swap3A_152] {strides = array<i32>} : memref<80xi32, #tpu.memory_space<vmem>>, vector<16xi32>,
    %swap3A_154 = vector.shape_cast %swap3A_153 : vector<16xi32> to vector<16xi32>
    %swap3A_155 = vector.shape_cast %add3A_151 : vector<16xi32> to vector<16xi32>
    tpu.vector_store %arg9[%swap3A_152], %swap3A_155 {strides = array<i32>} : memref<80xi32, #tpu.memory_space<vmem>>, vector<16xi32>,
    %add3A_156 = arith.constant 64 : i32
    %add3A_157 = arith.addi %add3A_87, %add3A_156 : i32
    %iota3A_158 = tpu.iota {dimensions = array<i32: 0>} : vector<16xi32>
    %add3A_159 = vector.broadcast %add3A_157 : i32 to vector<16xi32>
    %add3A_160 = arith.addi %add3A_159, %iota3A_158 : vector<16xi32>
    %min3A_161 = arith.constant 9999 : i32
    %min3A_162 = vector.broadcast %min3A_161 : i32 to vector<16xi32>
    %min3A_163 = arith.minsi %add3A_160, %min3A_162 : vector<16xi32>
    %mul3A_164 = arith.constant 2 : i32
    %mul3A_165 = vector.broadcast %mul3A_164 : i32 to vector<16xi32>
    %mul3A_166 = arith.muli %min3A_163, %mul3A_165 : vector<16xi32>
    %add3A_167 = vector.broadcast %arg0 : i32 to vector<16xi32>
    %add3A_168 = arith.addi %mul3A_166, %add3A_167 : vector<16xi32>
    %swap3A_169 = arith.constant 64 : index
    %swap3A_170 = tpu.vector_load %arg9[%swap3A_169] {strides = array<i32>} : memref<80xi32, #tpu.memory_space<vmem>>, vector<16xi32>,
    %swap3A_171 = vector.shape_cast %swap3A_170 : vector<16xi32> to vector<16xi32>
    %swap3A_172 = vector.shape_cast %add3A_168 : vector<16xi32> to vector<16xi32>
    tpu.vector_store %arg9[%swap3A_169], %swap3A_172 {strides = array<i32>} : memref<80xi32, #tpu.memory_space<vmem>>, vector<16xi32>,
    %dma_start3A_173 = arith.constant 0 : i32
    %dma_start3A_174 = arith.constant 0 : i32
    %dma_start3A_175 = tpu.memref_slice %arg2[%dma_start3A_173, %dma_start3A_174] : memref<20000x144xf32, #tpu.memory_space<hbm>> -> memref<20000x144xf32, #tpu.memory_space<hbm>>
    tpu.enqueue_indirect_dma source(%dma_start3A_175 : memref<20000x144xf32, #tpu.memory_space<hbm>>) target(%arg15 : memref<80x144xf32, #tpu.memory_space<vmem>>) offsets(%arg9 : memref<80xi32, #tpu.memory_space<vmem>>) semaphore(%arg19 : memref<!tpu.dma_semaphore, #tpu.memory_space<semaphore_mem>>)
    %add3A_176 = arith.constant 160 : i32
    %add3A_177 = arith.addi %mul3A_0, %add3A_176 : i32
    %add3A_178 = arith.constant 0 : i32
    %add3A_179 = arith.addi %add3A_177, %add3A_178 : i32
    %iota3A_180 = tpu.iota {dimensions = array<i32: 0>} : vector<16xi32>
    %add3A_181 = vector.broadcast %add3A_179 : i32 to vector<16xi32>
    %add3A_182 = arith.addi %add3A_181, %iota3A_180 : vector<16xi32>
    %min3A_183 = arith.constant 9999 : i32
    %min3A_184 = vector.broadcast %min3A_183 : i32 to vector<16xi32>
    %min3A_185 = arith.minsi %add3A_182, %min3A_184 : vector<16xi32>
    %mul3A_186 = arith.constant 2 : i32
    %mul3A_187 = vector.broadcast %mul3A_186 : i32 to vector<16xi32>
    %mul3A_188 = arith.muli %min3A_185, %mul3A_187 : vector<16xi32>
    %add3A_189 = vector.broadcast %arg0 : i32 to vector<16xi32>
    %add3A_190 = arith.addi %mul3A_188, %add3A_189 : vector<16xi32>
    %swap3A_191 = arith.constant 0 : index
    %swap3A_192 = tpu.vector_load %arg10[%swap3A_191] {strides = array<i32>} : memref<80xi32, #tpu.memory_space<vmem>>, vector<16xi32>,
    %swap3A_193 = vector.shape_cast %swap3A_192 : vector<16xi32> to vector<16xi32>
    %swap3A_194 = vector.shape_cast %add3A_190 : vector<16xi32> to vector<16xi32>
    tpu.vector_store %arg10[%swap3A_191], %swap3A_194 {strides = array<i32>} : memref<80xi32, #tpu.memory_space<vmem>>, vector<16xi32>,
    %add3A_195 = arith.constant 16 : i32
    %add3A_196 = arith.addi %add3A_177, %add3A_195 : i32
    %iota3A_197 = tpu.iota {dimensions = array<i32: 0>} : vector<16xi32>
    %add3A_198 = vector.broadcast %add3A_196 : i32 to vector<16xi32>
    %add3A_199 = arith.addi %add3A_198, %iota3A_197 : vector<16xi32>
    %min3A_200 = arith.constant 9999 : i32
    %min3A_201 = vector.broadcast %min3A_200 : i32 to vector<16xi32>
    %min3A_202 = arith.minsi %add3A_199, %min3A_201 : vector<16xi32>
    %mul3A_203 = arith.constant 2 : i32
    %mul3A_204 = vector.broadcast %mul3A_203 : i32 to vector<16xi32>
    %mul3A_205 = arith.muli %min3A_202, %mul3A_204 : vector<16xi32>
    %add3A_206 = vector.broadcast %arg0 : i32 to vector<16xi32>
    %add3A_207 = arith.addi %mul3A_205, %add3A_206 : vector<16xi32>
    %swap3A_208 = arith.constant 16 : index
    %swap3A_209 = tpu.vector_load %arg10[%swap3A_208] {strides = array<i32>} : memref<80xi32, #tpu.memory_space<vmem>>, vector<16xi32>,
    %swap3A_210 = vector.shape_cast %swap3A_209 : vector<16xi32> to vector<16xi32>
    %swap3A_211 = vector.shape_cast %add3A_207 : vector<16xi32> to vector<16xi32>
    tpu.vector_store %arg10[%swap3A_208], %swap3A_211 {strides = array<i32>} : memref<80xi32, #tpu.memory_space<vmem>>, vector<16xi32>,
    %add3A_212 = arith.constant 32 : i32
    %add3A_213 = arith.addi %add3A_177, %add3A_212 : i32
    %iota3A_214 = tpu.iota {dimensions = array<i32: 0>} : vector<16xi32>
    %add3A_215 = vector.broadcast %add3A_213 : i32 to vector<16xi32>
    %add3A_216 = arith.addi %add3A_215, %iota3A_214 : vector<16xi32>
    %min3A_217 = arith.constant 9999 : i32
    %min3A_218 = vector.broadcast %min3A_217 : i32 to vector<16xi32>
    %min3A_219 = arith.minsi %add3A_216, %min3A_218 : vector<16xi32>
    %mul3A_220 = arith.constant 2 : i32
    %mul3A_221 = vector.broadcast %mul3A_220 : i32 to vector<16xi32>
    %mul3A_222 = arith.muli %min3A_219, %mul3A_221 : vector<16xi32>
    %add3A_223 = vector.broadcast %arg0 : i32 to vector<16xi32>
    %add3A_224 = arith.addi %mul3A_222, %add3A_223 : vector<16xi32>
    %swap3A_225 = arith.constant 32 : index
    %swap3A_226 = tpu.vector_load %arg10[%swap3A_225] {strides = array<i32>} : memref<80xi32, #tpu.memory_space<vmem>>, vector<16xi32>,
    %swap3A_227 = vector.shape_cast %swap3A_226 : vector<16xi32> to vector<16xi32>
    %swap3A_228 = vector.shape_cast %add3A_224 : vector<16xi32> to vector<16xi32>
    tpu.vector_store %arg10[%swap3A_225], %swap3A_228 {strides = array<i32>} : memref<80xi32, #tpu.memory_space<vmem>>, vector<16xi32>,
    %add3A_229 = arith.constant 48 : i32
    %add3A_230 = arith.addi %add3A_177, %add3A_229 : i32
    %iota3A_231 = tpu.iota {dimensions = array<i32: 0>} : vector<16xi32>
    %add3A_232 = vector.broadcast %add3A_230 : i32 to vector<16xi32>
    %add3A_233 = arith.addi %add3A_232, %iota3A_231 : vector<16xi32>
    %min3A_234 = arith.constant 9999 : i32
    %min3A_235 = vector.broadcast %min3A_234 : i32 to vector<16xi32>
    %min3A_236 = arith.minsi %add3A_233, %min3A_235 : vector<16xi32>
    %mul3A_237 = arith.constant 2 : i32
    %mul3A_238 = vector.broadcast %mul3A_237 : i32 to vector<16xi32>
    %mul3A_239 = arith.muli %min3A_236, %mul3A_238 : vector<16xi32>
    %add3A_240 = vector.broadcast %arg0 : i32 to vector<16xi32>
    %add3A_241 = arith.addi %mul3A_239, %add3A_240 : vector<16xi32>
    %swap3A_242 = arith.constant 48 : index
    %swap3A_243 = tpu.vector_load %arg10[%swap3A_242] {strides = array<i32>} : memref<80xi32, #tpu.memory_space<vmem>>, vector<16xi32>,
    %swap3A_244 = vector.shape_cast %swap3A_243 : vector<16xi32> to vector<16xi32>
    %swap3A_245 = vector.shape_cast %add3A_241 : vector<16xi32> to vector<16xi32>
    tpu.vector_store %arg10[%swap3A_242], %swap3A_245 {strides = array<i32>} : memref<80xi32, #tpu.memory_space<vmem>>, vector<16xi32>,
    %add3A_246 = arith.constant 64 : i32
    %add3A_247 = arith.addi %add3A_177, %add3A_246 : i32
    %iota3A_248 = tpu.iota {dimensions = array<i32: 0>} : vector<16xi32>
    %add3A_249 = vector.broadcast %add3A_247 : i32 to vector<16xi32>
    %add3A_250 = arith.addi %add3A_249, %iota3A_248 : vector<16xi32>
    %min3A_251 = arith.constant 9999 : i32
    %min3A_252 = vector.broadcast %min3A_251 : i32 to vector<16xi32>
    %min3A_253 = arith.minsi %add3A_250, %min3A_252 : vector<16xi32>
    %mul3A_254 = arith.constant 2 : i32
    %mul3A_255 = vector.broadcast %mul3A_254 : i32 to vector<16xi32>
    %mul3A_256 = arith.muli %min3A_253, %mul3A_255 : vector<16xi32>
    %add3A_257 = vector.broadcast %arg0 : i32 to vector<16xi32>
    %add3A_258 = arith.addi %mul3A_256, %add3A_257 : vector<16xi32>
    %swap3A_259 = arith.constant 64 : index
    %swap3A_260 = tpu.vector_load %arg10[%swap3A_259] {strides = array<i32>} : memref<80xi32, #tpu.memory_space<vmem>>, vector<16xi32>,
    %swap3A_261 = vector.shape_cast %swap3A_260 : vector<16xi32> to vector<16xi32>
    %swap3A_262 = vector.shape_cast %add3A_258 : vector<16xi32> to vector<16xi32>
    tpu.vector_store %arg10[%swap3A_259], %swap3A_262 {strides = array<i32>} : memref<80xi32, #tpu.memory_space<vmem>>, vector<16xi32>,
    %dma_start3A_263 = arith.constant 0 : i32
    %dma_start3A_264 = arith.constant 0 : i32
    %dma_start3A_265 = tpu.memref_slice %arg2[%dma_start3A_263, %dma_start3A_264] : memref<20000x144xf32, #tpu.memory_space<hbm>> -> memref<20000x144xf32, #tpu.memory_space<hbm>>
    tpu.enqueue_indirect_dma source(%dma_start3A_265 : memref<20000x144xf32, #tpu.memory_space<hbm>>) target(%arg16 : memref<80x144xf32, #tpu.memory_space<vmem>>) offsets(%arg10 : memref<80xi32, #tpu.memory_space<vmem>>) semaphore(%arg20 : memref<!tpu.dma_semaphore, #tpu.memory_space<semaphore_mem>>)
    %dma_wait3A = arith.constant 0 : i32
    %dma_wait3A_266 = arith.constant 0 : i32
    %dma_wait3A_267 = tpu.memref_slice %arg2[%dma_wait3A, %dma_wait3A_266] : memref<20000x144xf32, #tpu.memory_space<hbm>> -> memref<20000x144xf32, #tpu.memory_space<hbm>>
    tpu.wait_indirect_dma semaphore(%arg18 : memref<!tpu.dma_semaphore, #tpu.memory_space<semaphore_mem>>) src(%dma_wait3A_267 : memref<20000x144xf32, #tpu.memory_space<hbm>>) dst(%arg14 : memref<80x144xf32, #tpu.memory_space<vmem>>)
    %add3A_268 = arith.constant 0 : i32
    %add3A_269 = arith.addi %mul3A_0, %add3A_268 : i32
    "tpu.region"() ({
      %run_scoped3A = tpu.sem_alloc : memref<!tpu.dma_semaphore, #tpu.memory_space<semaphore_mem>>
      %dma_start3A_784 = arith.constant 0 : i32
      %dma_start3A_785 = tpu.memref_slice %arg17[%add3A_269, %dma_start3A_784] : memref<10240x144xf32, #tpu.memory_space<vmem_shared>> -> memref<80x144xf32, #tpu.memory_space<vmem_shared>>
      %dma_start3A_786 = arith.constant 0 : i32
      %dma_start3A_787 = tpu.memref_slice %arg17[%add3A_269, %dma_start3A_786] : memref<10240x144xf32, #tpu.memory_space<vmem_shared>> -> memref<80x144xf32, #tpu.memory_space<vmem_shared>>
      tpu.enqueue_dma source(%arg14 : memref<80x144xf32, #tpu.memory_space<vmem>>) target(%dma_start3A_787 : memref<80x144xf32, #tpu.memory_space<vmem_shared>>) target_semaphore(%run_scoped3A : memref<!tpu.dma_semaphore, #tpu.memory_space<semaphore_mem>>)
      %dma_wait3A_788 = arith.constant 0 : i32
      %dma_wait3A_789 = tpu.memref_slice %arg17[%add3A_269, %dma_wait3A_788] : memref<10240x144xf32, #tpu.memory_space<vmem_shared>> -> memref<80x144xf32, #tpu.memory_space<vmem_shared>>
      %dma_wait3A_790 = arith.constant 0 : i32
      %dma_wait3A_791 = tpu.memref_slice %arg17[%add3A_269, %dma_wait3A_790] : memref<10240x144xf32, #tpu.memory_space<vmem_shared>> -> memref<80x144xf32, #tpu.memory_space<vmem_shared>>
      tpu.wait_dma2 semaphore(%run_scoped3A : memref<!tpu.dma_semaphore, #tpu.memory_space<semaphore_mem>>) src(%arg14 : memref<80x144xf32, #tpu.memory_space<vmem>>) dst(%dma_wait3A_791 : memref<80x144xf32, #tpu.memory_space<vmem_shared>>)
      tpu.yield
    }) : () -> ()
    %add3A_270 = arith.constant 240 : i32
    %add3A_271 = arith.addi %mul3A_0, %add3A_270 : i32
    %add3A_272 = arith.constant 0 : i32
    %add3A_273 = arith.addi %add3A_271, %add3A_272 : i32
    %iota3A_274 = tpu.iota {dimensions = array<i32: 0>} : vector<16xi32>
    %add3A_275 = vector.broadcast %add3A_273 : i32 to vector<16xi32>
    %add3A_276 = arith.addi %add3A_275, %iota3A_274 : vector<16xi32>
    %min3A_277 = arith.constant 9999 : i32
    %min3A_278 = vector.broadcast %min3A_277 : i32 to vector<16xi32>
    %min3A_279 = arith.minsi %add3A_276, %min3A_278 : vector<16xi32>
    %mul3A_280 = arith.constant 2 : i32
    %mul3A_281 = vector.broadcast %mul3A_280 : i32 to vector<16xi32>
    %mul3A_282 = arith.muli %min3A_279, %mul3A_281 : vector<16xi32>
    %add3A_283 = vector.broadcast %arg0 : i32 to vector<16xi32>
    %add3A_284 = arith.addi %mul3A_282, %add3A_283 : vector<16xi32>
    %swap3A_285 = arith.constant 0 : index
    %swap3A_286 = tpu.vector_load %arg8[%swap3A_285] {strides = array<i32>} : memref<80xi32, #tpu.memory_space<vmem>>, vector<16xi32>,
    %swap3A_287 = vector.shape_cast %swap3A_286 : vector<16xi32> to vector<16xi32>
    %swap3A_288 = vector.shape_cast %add3A_284 : vector<16xi32> to vector<16xi32>
    tpu.vector_store %arg8[%swap3A_285], %swap3A_288 {strides = array<i32>} : memref<80xi32, #tpu.memory_space<vmem>>, vector<16xi32>,
    %add3A_289 = arith.constant 16 : i32
    %add3A_290 = arith.addi %add3A_271, %add3A_289 : i32
    %iota3A_291 = tpu.iota {dimensions = array<i32: 0>} : vector<16xi32>
    %add3A_292 = vector.broadcast %add3A_290 : i32 to vector<16xi32>
    %add3A_293 = arith.addi %add3A_292, %iota3A_291 : vector<16xi32>
    %min3A_294 = arith.constant 9999 : i32
    %min3A_295 = vector.broadcast %min3A_294 : i32 to vector<16xi32>
    %min3A_296 = arith.minsi %add3A_293, %min3A_295 : vector<16xi32>
    %mul3A_297 = arith.constant 2 : i32
    %mul3A_298 = vector.broadcast %mul3A_297 : i32 to vector<16xi32>
    %mul3A_299 = arith.muli %min3A_296, %mul3A_298 : vector<16xi32>
    %add3A_300 = vector.broadcast %arg0 : i32 to vector<16xi32>
    %add3A_301 = arith.addi %mul3A_299, %add3A_300 : vector<16xi32>
    %swap3A_302 = arith.constant 16 : index
    %swap3A_303 = tpu.vector_load %arg8[%swap3A_302] {strides = array<i32>} : memref<80xi32, #tpu.memory_space<vmem>>, vector<16xi32>,
    %swap3A_304 = vector.shape_cast %swap3A_303 : vector<16xi32> to vector<16xi32>
    %swap3A_305 = vector.shape_cast %add3A_301 : vector<16xi32> to vector<16xi32>
    tpu.vector_store %arg8[%swap3A_302], %swap3A_305 {strides = array<i32>} : memref<80xi32, #tpu.memory_space<vmem>>, vector<16xi32>,
    %add3A_306 = arith.constant 32 : i32
    %add3A_307 = arith.addi %add3A_271, %add3A_306 : i32
    %iota3A_308 = tpu.iota {dimensions = array<i32: 0>} : vector<16xi32>
    %add3A_309 = vector.broadcast %add3A_307 : i32 to vector<16xi32>
    %add3A_310 = arith.addi %add3A_309, %iota3A_308 : vector<16xi32>
    %min3A_311 = arith.constant 9999 : i32
    %min3A_312 = vector.broadcast %min3A_311 : i32 to vector<16xi32>
    %min3A_313 = arith.minsi %add3A_310, %min3A_312 : vector<16xi32>
    %mul3A_314 = arith.constant 2 : i32
    %mul3A_315 = vector.broadcast %mul3A_314 : i32 to vector<16xi32>
    %mul3A_316 = arith.muli %min3A_313, %mul3A_315 : vector<16xi32>
    %add3A_317 = vector.broadcast %arg0 : i32 to vector<16xi32>
    %add3A_318 = arith.addi %mul3A_316, %add3A_317 : vector<16xi32>
    %swap3A_319 = arith.constant 32 : index
    %swap3A_320 = tpu.vector_load %arg8[%swap3A_319] {strides = array<i32>} : memref<80xi32, #tpu.memory_space<vmem>>, vector<16xi32>,
    %swap3A_321 = vector.shape_cast %swap3A_320 : vector<16xi32> to vector<16xi32>
    %swap3A_322 = vector.shape_cast %add3A_318 : vector<16xi32> to vector<16xi32>
    tpu.vector_store %arg8[%swap3A_319], %swap3A_322 {strides = array<i32>} : memref<80xi32, #tpu.memory_space<vmem>>, vector<16xi32>,
    %add3A_323 = arith.constant 48 : i32
    %add3A_324 = arith.addi %add3A_271, %add3A_323 : i32
    %iota3A_325 = tpu.iota {dimensions = array<i32: 0>} : vector<16xi32>
    %add3A_326 = vector.broadcast %add3A_324 : i32 to vector<16xi32>
    %add3A_327 = arith.addi %add3A_326, %iota3A_325 : vector<16xi32>
    %min3A_328 = arith.constant 9999 : i32
    %min3A_329 = vector.broadcast %min3A_328 : i32 to vector<16xi32>
    %min3A_330 = arith.minsi %add3A_327, %min3A_329 : vector<16xi32>
    %mul3A_331 = arith.constant 2 : i32
    %mul3A_332 = vector.broadcast %mul3A_331 : i32 to vector<16xi32>
    %mul3A_333 = arith.muli %min3A_330, %mul3A_332 : vector<16xi32>
    %add3A_334 = vector.broadcast %arg0 : i32 to vector<16xi32>
    %add3A_335 = arith.addi %mul3A_333, %add3A_334 : vector<16xi32>
    %swap3A_336 = arith.constant 48 : index
    %swap3A_337 = tpu.vector_load %arg8[%swap3A_336] {strides = array<i32>} : memref<80xi32, #tpu.memory_space<vmem>>, vector<16xi32>,
    %swap3A_338 = vector.shape_cast %swap3A_337 : vector<16xi32> to vector<16xi32>
    %swap3A_339 = vector.shape_cast %add3A_335 : vector<16xi32> to vector<16xi32>
    tpu.vector_store %arg8[%swap3A_336], %swap3A_339 {strides = array<i32>} : memref<80xi32, #tpu.memory_space<vmem>>, vector<16xi32>,
    %add3A_340 = arith.constant 64 : i32
    %add3A_341 = arith.addi %add3A_271, %add3A_340 : i32
    %iota3A_342 = tpu.iota {dimensions = array<i32: 0>} : vector<16xi32>
    %add3A_343 = vector.broadcast %add3A_341 : i32 to vector<16xi32>
    %add3A_344 = arith.addi %add3A_343, %iota3A_342 : vector<16xi32>
    %min3A_345 = arith.constant 9999 : i32
    %min3A_346 = vector.broadcast %min3A_345 : i32 to vector<16xi32>
    %min3A_347 = arith.minsi %add3A_344, %min3A_346 : vector<16xi32>
    %mul3A_348 = arith.constant 2 : i32
    %mul3A_349 = vector.broadcast %mul3A_348 : i32 to vector<16xi32>
    %mul3A_350 = arith.muli %min3A_347, %mul3A_349 : vector<16xi32>
    %add3A_351 = vector.broadcast %arg0 : i32 to vector<16xi32>
    %add3A_352 = arith.addi %mul3A_350, %add3A_351 : vector<16xi32>
    %swap3A_353 = arith.constant 64 : index
    %swap3A_354 = tpu.vector_load %arg8[%swap3A_353] {strides = array<i32>} : memref<80xi32, #tpu.memory_space<vmem>>, vector<16xi32>,
    %swap3A_355 = vector.shape_cast %swap3A_354 : vector<16xi32> to vector<16xi32>
    %swap3A_356 = vector.shape_cast %add3A_352 : vector<16xi32> to vector<16xi32>
    tpu.vector_store %arg8[%swap3A_353], %swap3A_356 {strides = array<i32>} : memref<80xi32, #tpu.memory_space<vmem>>, vector<16xi32>,
    %dma_start3A_357 = arith.constant 0 : i32
    %dma_start3A_358 = arith.constant 0 : i32
    %dma_start3A_359 = tpu.memref_slice %arg2[%dma_start3A_357, %dma_start3A_358] : memref<20000x144xf32, #tpu.memory_space<hbm>> -> memref<20000x144xf32, #tpu.memory_space<hbm>>
    tpu.enqueue_indirect_dma source(%dma_start3A_359 : memref<20000x144xf32, #tpu.memory_space<hbm>>) target(%arg14 : memref<80x144xf32, #tpu.memory_space<vmem>>) offsets(%arg8 : memref<80xi32, #tpu.memory_space<vmem>>) semaphore(%arg18 : memref<!tpu.dma_semaphore, #tpu.memory_space<semaphore_mem>>)
    %dma_wait3A_360 = arith.constant 0 : i32
    %dma_wait3A_361 = arith.constant 0 : i32
    %dma_wait3A_362 = tpu.memref_slice %arg2[%dma_wait3A_360, %dma_wait3A_361] : memref<20000x144xf32, #tpu.memory_space<hbm>> -> memref<20000x144xf32, #tpu.memory_space<hbm>>
    tpu.wait_indirect_dma semaphore(%arg19 : memref<!tpu.dma_semaphore, #tpu.memory_space<semaphore_mem>>) src(%dma_wait3A_362 : memref<20000x144xf32, #tpu.memory_space<hbm>>) dst(%arg15 : memref<80x144xf32, #tpu.memory_space<vmem>>)
    %add3A_363 = arith.constant 80 : i32
    %add3A_364 = arith.addi %mul3A_0, %add3A_363 : i32
    "tpu.region"() ({
      %run_scoped3A = tpu.sem_alloc : memref<!tpu.dma_semaphore, #tpu.memory_space<semaphore_mem>>
      %dma_start3A_784 = arith.constant 0 : i32
      %dma_start3A_785 = tpu.memref_slice %arg17[%add3A_364, %dma_start3A_784] : memref<10240x144xf32, #tpu.memory_space<vmem_shared>> -> memref<80x144xf32, #tpu.memory_space<vmem_shared>>
      %dma_start3A_786 = arith.constant 0 : i32
      %dma_start3A_787 = tpu.memref_slice %arg17[%add3A_364, %dma_start3A_786] : memref<10240x144xf32, #tpu.memory_space<vmem_shared>> -> memref<80x144xf32, #tpu.memory_space<vmem_shared>>
      tpu.enqueue_dma source(%arg15 : memref<80x144xf32, #tpu.memory_space<vmem>>) target(%dma_start3A_787 : memref<80x144xf32, #tpu.memory_space<vmem_shared>>) target_semaphore(%run_scoped3A : memref<!tpu.dma_semaphore, #tpu.memory_space<semaphore_mem>>)
      %dma_wait3A_788 = arith.constant 0 : i32
      %dma_wait3A_789 = tpu.memref_slice %arg17[%add3A_364, %dma_wait3A_788] : memref<10240x144xf32, #tpu.memory_space<vmem_shared>> -> memref<80x144xf32, #tpu.memory_space<vmem_shared>>
      %dma_wait3A_790 = arith.constant 0 : i32
      %dma_wait3A_791 = tpu.memref_slice %arg17[%add3A_364, %dma_wait3A_790] : memref<10240x144xf32, #tpu.memory_space<vmem_shared>> -> memref<80x144xf32, #tpu.memory_space<vmem_shared>>
      tpu.wait_dma2 semaphore(%run_scoped3A : memref<!tpu.dma_semaphore, #tpu.memory_space<semaphore_mem>>) src(%arg15 : memref<80x144xf32, #tpu.memory_space<vmem>>) dst(%dma_wait3A_791 : memref<80x144xf32, #tpu.memory_space<vmem_shared>>)
      tpu.yield
    }) : () -> ()
    %add3A_365 = arith.constant 320 : i32
    %add3A_366 = arith.addi %mul3A_0, %add3A_365 : i32
    %add3A_367 = arith.constant 0 : i32
    %add3A_368 = arith.addi %add3A_366, %add3A_367 : i32
    %iota3A_369 = tpu.iota {dimensions = array<i32: 0>} : vector<16xi32>
    %add3A_370 = vector.broadcast %add3A_368 : i32 to vector<16xi32>
    %add3A_371 = arith.addi %add3A_370, %iota3A_369 : vector<16xi32>
    %min3A_372 = arith.constant 9999 : i32
    %min3A_373 = vector.broadcast %min3A_372 : i32 to vector<16xi32>
    %min3A_374 = arith.minsi %add3A_371, %min3A_373 : vector<16xi32>
    %mul3A_375 = arith.constant 2 : i32
    %mul3A_376 = vector.broadcast %mul3A_375 : i32 to vector<16xi32>
    %mul3A_377 = arith.muli %min3A_374, %mul3A_376 : vector<16xi32>
    %add3A_378 = vector.broadcast %arg0 : i32 to vector<16xi32>
    %add3A_379 = arith.addi %mul3A_377, %add3A_378 : vector<16xi32>
    %swap3A_380 = arith.constant 0 : index
    %swap3A_381 = tpu.vector_load %arg9[%swap3A_380] {strides = array<i32>} : memref<80xi32, #tpu.memory_space<vmem>>, vector<16xi32>,
    %swap3A_382 = vector.shape_cast %swap3A_381 : vector<16xi32> to vector<16xi32>
    %swap3A_383 = vector.shape_cast %add3A_379 : vector<16xi32> to vector<16xi32>
    tpu.vector_store %arg9[%swap3A_380], %swap3A_383 {strides = array<i32>} : memref<80xi32, #tpu.memory_space<vmem>>, vector<16xi32>,
    %add3A_384 = arith.constant 16 : i32
    %add3A_385 = arith.addi %add3A_366, %add3A_384 : i32
    %iota3A_386 = tpu.iota {dimensions = array<i32: 0>} : vector<16xi32>
    %add3A_387 = vector.broadcast %add3A_385 : i32 to vector<16xi32>
    %add3A_388 = arith.addi %add3A_387, %iota3A_386 : vector<16xi32>
    %min3A_389 = arith.constant 9999 : i32
    %min3A_390 = vector.broadcast %min3A_389 : i32 to vector<16xi32>
    %min3A_391 = arith.minsi %add3A_388, %min3A_390 : vector<16xi32>
    %mul3A_392 = arith.constant 2 : i32
    %mul3A_393 = vector.broadcast %mul3A_392 : i32 to vector<16xi32>
    %mul3A_394 = arith.muli %min3A_391, %mul3A_393 : vector<16xi32>
    %add3A_395 = vector.broadcast %arg0 : i32 to vector<16xi32>
    %add3A_396 = arith.addi %mul3A_394, %add3A_395 : vector<16xi32>
    %swap3A_397 = arith.constant 16 : index
    %swap3A_398 = tpu.vector_load %arg9[%swap3A_397] {strides = array<i32>} : memref<80xi32, #tpu.memory_space<vmem>>, vector<16xi32>,
    %swap3A_399 = vector.shape_cast %swap3A_398 : vector<16xi32> to vector<16xi32>
    %swap3A_400 = vector.shape_cast %add3A_396 : vector<16xi32> to vector<16xi32>
    tpu.vector_store %arg9[%swap3A_397], %swap3A_400 {strides = array<i32>} : memref<80xi32, #tpu.memory_space<vmem>>, vector<16xi32>,
    %add3A_401 = arith.constant 32 : i32
    %add3A_402 = arith.addi %add3A_366, %add3A_401 : i32
    %iota3A_403 = tpu.iota {dimensions = array<i32: 0>} : vector<16xi32>
    %add3A_404 = vector.broadcast %add3A_402 : i32 to vector<16xi32>
    %add3A_405 = arith.addi %add3A_404, %iota3A_403 : vector<16xi32>
    %min3A_406 = arith.constant 9999 : i32
    %min3A_407 = vector.broadcast %min3A_406 : i32 to vector<16xi32>
    %min3A_408 = arith.minsi %add3A_405, %min3A_407 : vector<16xi32>
    %mul3A_409 = arith.constant 2 : i32
    %mul3A_410 = vector.broadcast %mul3A_409 : i32 to vector<16xi32>
    %mul3A_411 = arith.muli %min3A_408, %mul3A_410 : vector<16xi32>
    %add3A_412 = vector.broadcast %arg0 : i32 to vector<16xi32>
    %add3A_413 = arith.addi %mul3A_411, %add3A_412 : vector<16xi32>
    %swap3A_414 = arith.constant 32 : index
    %swap3A_415 = tpu.vector_load %arg9[%swap3A_414] {strides = array<i32>} : memref<80xi32, #tpu.memory_space<vmem>>, vector<16xi32>,
    %swap3A_416 = vector.shape_cast %swap3A_415 : vector<16xi32> to vector<16xi32>
    %swap3A_417 = vector.shape_cast %add3A_413 : vector<16xi32> to vector<16xi32>
    tpu.vector_store %arg9[%swap3A_414], %swap3A_417 {strides = array<i32>} : memref<80xi32, #tpu.memory_space<vmem>>, vector<16xi32>,
    %add3A_418 = arith.constant 48 : i32
    %add3A_419 = arith.addi %add3A_366, %add3A_418 : i32
    %iota3A_420 = tpu.iota {dimensions = array<i32: 0>} : vector<16xi32>
    %add3A_421 = vector.broadcast %add3A_419 : i32 to vector<16xi32>
    %add3A_422 = arith.addi %add3A_421, %iota3A_420 : vector<16xi32>
    %min3A_423 = arith.constant 9999 : i32
    %min3A_424 = vector.broadcast %min3A_423 : i32 to vector<16xi32>
    %min3A_425 = arith.minsi %add3A_422, %min3A_424 : vector<16xi32>
    %mul3A_426 = arith.constant 2 : i32
    %mul3A_427 = vector.broadcast %mul3A_426 : i32 to vector<16xi32>
    %mul3A_428 = arith.muli %min3A_425, %mul3A_427 : vector<16xi32>
    %add3A_429 = vector.broadcast %arg0 : i32 to vector<16xi32>
    %add3A_430 = arith.addi %mul3A_428, %add3A_429 : vector<16xi32>
    %swap3A_431 = arith.constant 48 : index
    %swap3A_432 = tpu.vector_load %arg9[%swap3A_431] {strides = array<i32>} : memref<80xi32, #tpu.memory_space<vmem>>, vector<16xi32>,
    %swap3A_433 = vector.shape_cast %swap3A_432 : vector<16xi32> to vector<16xi32>
    %swap3A_434 = vector.shape_cast %add3A_430 : vector<16xi32> to vector<16xi32>
    tpu.vector_store %arg9[%swap3A_431], %swap3A_434 {strides = array<i32>} : memref<80xi32, #tpu.memory_space<vmem>>, vector<16xi32>,
    %add3A_435 = arith.constant 64 : i32
    %add3A_436 = arith.addi %add3A_366, %add3A_435 : i32
    %iota3A_437 = tpu.iota {dimensions = array<i32: 0>} : vector<16xi32>
    %add3A_438 = vector.broadcast %add3A_436 : i32 to vector<16xi32>
    %add3A_439 = arith.addi %add3A_438, %iota3A_437 : vector<16xi32>
    %min3A_440 = arith.constant 9999 : i32
    %min3A_441 = vector.broadcast %min3A_440 : i32 to vector<16xi32>
    %min3A_442 = arith.minsi %add3A_439, %min3A_441 : vector<16xi32>
    %mul3A_443 = arith.constant 2 : i32
    %mul3A_444 = vector.broadcast %mul3A_443 : i32 to vector<16xi32>
    %mul3A_445 = arith.muli %min3A_442, %mul3A_444 : vector<16xi32>
    %add3A_446 = vector.broadcast %arg0 : i32 to vector<16xi32>
    %add3A_447 = arith.addi %mul3A_445, %add3A_446 : vector<16xi32>
    %swap3A_448 = arith.constant 64 : index
    %swap3A_449 = tpu.vector_load %arg9[%swap3A_448] {strides = array<i32>} : memref<80xi32, #tpu.memory_space<vmem>>, vector<16xi32>,
    %swap3A_450 = vector.shape_cast %swap3A_449 : vector<16xi32> to vector<16xi32>
    %swap3A_451 = vector.shape_cast %add3A_447 : vector<16xi32> to vector<16xi32>
    tpu.vector_store %arg9[%swap3A_448], %swap3A_451 {strides = array<i32>} : memref<80xi32, #tpu.memory_space<vmem>>, vector<16xi32>,
    %dma_start3A_452 = arith.constant 0 : i32
    %dma_start3A_453 = arith.constant 0 : i32
    %dma_start3A_454 = tpu.memref_slice %arg2[%dma_start3A_452, %dma_start3A_453] : memref<20000x144xf32, #tpu.memory_space<hbm>> -> memref<20000x144xf32, #tpu.memory_space<hbm>>
    tpu.enqueue_indirect_dma source(%dma_start3A_454 : memref<20000x144xf32, #tpu.memory_space<hbm>>) target(%arg15 : memref<80x144xf32, #tpu.memory_space<vmem>>) offsets(%arg9 : memref<80xi32, #tpu.memory_space<vmem>>) semaphore(%arg19 : memref<!tpu.dma_semaphore, #tpu.memory_space<semaphore_mem>>)
    %dma_wait3A_455 = arith.constant 0 : i32
    %dma_wait3A_456 = arith.constant 0 : i32
    %dma_wait3A_457 = tpu.memref_slice %arg2[%dma_wait3A_455, %dma_wait3A_456] : memref<20000x144xf32, #tpu.memory_space<hbm>> -> memref<20000x144xf32, #tpu.memory_space<hbm>>
    tpu.wait_indirect_dma semaphore(%arg20 : memref<!tpu.dma_semaphore, #tpu.memory_space<semaphore_mem>>) src(%dma_wait3A_457 : memref<20000x144xf32, #tpu.memory_space<hbm>>) dst(%arg16 : memref<80x144xf32, #tpu.memory_space<vmem>>)
    %add3A_458 = arith.constant 160 : i32
    %add3A_459 = arith.addi %mul3A_0, %add3A_458 : i32
    "tpu.region"() ({
      %run_scoped3A = tpu.sem_alloc : memref<!tpu.dma_semaphore, #tpu.memory_space<semaphore_mem>>
      %dma_start3A_784 = arith.constant 0 : i32
      %dma_start3A_785 = tpu.memref_slice %arg17[%add3A_459, %dma_start3A_784] : memref<10240x144xf32, #tpu.memory_space<vmem_shared>> -> memref<80x144xf32, #tpu.memory_space<vmem_shared>>
      %dma_start3A_786 = arith.constant 0 : i32
      %dma_start3A_787 = tpu.memref_slice %arg17[%add3A_459, %dma_start3A_786] : memref<10240x144xf32, #tpu.memory_space<vmem_shared>> -> memref<80x144xf32, #tpu.memory_space<vmem_shared>>
      tpu.enqueue_dma source(%arg16 : memref<80x144xf32, #tpu.memory_space<vmem>>) target(%dma_start3A_787 : memref<80x144xf32, #tpu.memory_space<vmem_shared>>) target_semaphore(%run_scoped3A : memref<!tpu.dma_semaphore, #tpu.memory_space<semaphore_mem>>)
      %dma_wait3A_788 = arith.constant 0 : i32
      %dma_wait3A_789 = tpu.memref_slice %arg17[%add3A_459, %dma_wait3A_788] : memref<10240x144xf32, #tpu.memory_space<vmem_shared>> -> memref<80x144xf32, #tpu.memory_space<vmem_shared>>
      %dma_wait3A_790 = arith.constant 0 : i32
      %dma_wait3A_791 = tpu.memref_slice %arg17[%add3A_459, %dma_wait3A_790] : memref<10240x144xf32, #tpu.memory_space<vmem_shared>> -> memref<80x144xf32, #tpu.memory_space<vmem_shared>>
      tpu.wait_dma2 semaphore(%run_scoped3A : memref<!tpu.dma_semaphore, #tpu.memory_space<semaphore_mem>>) src(%arg16 : memref<80x144xf32, #tpu.memory_space<vmem>>) dst(%dma_wait3A_791 : memref<80x144xf32, #tpu.memory_space<vmem_shared>>)
      tpu.yield
    }) : () -> ()
    %add3A_460 = arith.constant 400 : i32
    %add3A_461 = arith.addi %mul3A_0, %add3A_460 : i32
    %add3A_462 = arith.constant 0 : i32
    %add3A_463 = arith.addi %add3A_461, %add3A_462 : i32
    %iota3A_464 = tpu.iota {dimensions = array<i32: 0>} : vector<16xi32>
    %add3A_465 = vector.broadcast %add3A_463 : i32 to vector<16xi32>
    %add3A_466 = arith.addi %add3A_465, %iota3A_464 : vector<16xi32>
    %min3A_467 = arith.constant 9999 : i32
    %min3A_468 = vector.broadcast %min3A_467 : i32 to vector<16xi32>
    %min3A_469 = arith.minsi %add3A_466, %min3A_468 : vector<16xi32>
    %mul3A_470 = arith.constant 2 : i32
    %mul3A_471 = vector.broadcast %mul3A_470 : i32 to vector<16xi32>
    %mul3A_472 = arith.muli %min3A_469, %mul3A_471 : vector<16xi32>
    %add3A_473 = vector.broadcast %arg0 : i32 to vector<16xi32>
    %add3A_474 = arith.addi %mul3A_472, %add3A_473 : vector<16xi32>
    %swap3A_475 = arith.constant 0 : index
    %swap3A_476 = tpu.vector_load %arg10[%swap3A_475] {strides = array<i32>} : memref<80xi32, #tpu.memory_space<vmem>>, vector<16xi32>,
    %swap3A_477 = vector.shape_cast %swap3A_476 : vector<16xi32> to vector<16xi32>
    %swap3A_478 = vector.shape_cast %add3A_474 : vector<16xi32> to vector<16xi32>
    tpu.vector_store %arg10[%swap3A_475], %swap3A_478 {strides = array<i32>} : memref<80xi32, #tpu.memory_space<vmem>>, vector<16xi32>,
    %add3A_479 = arith.constant 16 : i32
    %add3A_480 = arith.addi %add3A_461, %add3A_479 : i32
    %iota3A_481 = tpu.iota {dimensions = array<i32: 0>} : vector<16xi32>
    %add3A_482 = vector.broadcast %add3A_480 : i32 to vector<16xi32>
    %add3A_483 = arith.addi %add3A_482, %iota3A_481 : vector<16xi32>
    %min3A_484 = arith.constant 9999 : i32
    %min3A_485 = vector.broadcast %min3A_484 : i32 to vector<16xi32>
    %min3A_486 = arith.minsi %add3A_483, %min3A_485 : vector<16xi32>
    %mul3A_487 = arith.constant 2 : i32
    %mul3A_488 = vector.broadcast %mul3A_487 : i32 to vector<16xi32>
    %mul3A_489 = arith.muli %min3A_486, %mul3A_488 : vector<16xi32>
    %add3A_490 = vector.broadcast %arg0 : i32 to vector<16xi32>
    %add3A_491 = arith.addi %mul3A_489, %add3A_490 : vector<16xi32>
    %swap3A_492 = arith.constant 16 : index
    %swap3A_493 = tpu.vector_load %arg10[%swap3A_492] {strides = array<i32>} : memref<80xi32, #tpu.memory_space<vmem>>, vector<16xi32>,
    %swap3A_494 = vector.shape_cast %swap3A_493 : vector<16xi32> to vector<16xi32>
    %swap3A_495 = vector.shape_cast %add3A_491 : vector<16xi32> to vector<16xi32>
    tpu.vector_store %arg10[%swap3A_492], %swap3A_495 {strides = array<i32>} : memref<80xi32, #tpu.memory_space<vmem>>, vector<16xi32>,
    %add3A_496 = arith.constant 32 : i32
    %add3A_497 = arith.addi %add3A_461, %add3A_496 : i32
    %iota3A_498 = tpu.iota {dimensions = array<i32: 0>} : vector<16xi32>
    %add3A_499 = vector.broadcast %add3A_497 : i32 to vector<16xi32>
    %add3A_500 = arith.addi %add3A_499, %iota3A_498 : vector<16xi32>
    %min3A_501 = arith.constant 9999 : i32
    %min3A_502 = vector.broadcast %min3A_501 : i32 to vector<16xi32>
    %min3A_503 = arith.minsi %add3A_500, %min3A_502 : vector<16xi32>
    %mul3A_504 = arith.constant 2 : i32
    %mul3A_505 = vector.broadcast %mul3A_504 : i32 to vector<16xi32>
    %mul3A_506 = arith.muli %min3A_503, %mul3A_505 : vector<16xi32>
    %add3A_507 = vector.broadcast %arg0 : i32 to vector<16xi32>
    %add3A_508 = arith.addi %mul3A_506, %add3A_507 : vector<16xi32>
    %swap3A_509 = arith.constant 32 : index
    %swap3A_510 = tpu.vector_load %arg10[%swap3A_509] {strides = array<i32>} : memref<80xi32, #tpu.memory_space<vmem>>, vector<16xi32>,
    %swap3A_511 = vector.shape_cast %swap3A_510 : vector<16xi32> to vector<16xi32>
    %swap3A_512 = vector.shape_cast %add3A_508 : vector<16xi32> to vector<16xi32>
    tpu.vector_store %arg10[%swap3A_509], %swap3A_512 {strides = array<i32>} : memref<80xi32, #tpu.memory_space<vmem>>, vector<16xi32>,
    %add3A_513 = arith.constant 48 : i32
    %add3A_514 = arith.addi %add3A_461, %add3A_513 : i32
    %iota3A_515 = tpu.iota {dimensions = array<i32: 0>} : vector<16xi32>
    %add3A_516 = vector.broadcast %add3A_514 : i32 to vector<16xi32>
    %add3A_517 = arith.addi %add3A_516, %iota3A_515 : vector<16xi32>
    %min3A_518 = arith.constant 9999 : i32
    %min3A_519 = vector.broadcast %min3A_518 : i32 to vector<16xi32>
    %min3A_520 = arith.minsi %add3A_517, %min3A_519 : vector<16xi32>
    %mul3A_521 = arith.constant 2 : i32
    %mul3A_522 = vector.broadcast %mul3A_521 : i32 to vector<16xi32>
    %mul3A_523 = arith.muli %min3A_520, %mul3A_522 : vector<16xi32>
    %add3A_524 = vector.broadcast %arg0 : i32 to vector<16xi32>
    %add3A_525 = arith.addi %mul3A_523, %add3A_524 : vector<16xi32>
    %swap3A_526 = arith.constant 48 : index
    %swap3A_527 = tpu.vector_load %arg10[%swap3A_526] {strides = array<i32>} : memref<80xi32, #tpu.memory_space<vmem>>, vector<16xi32>,
    %swap3A_528 = vector.shape_cast %swap3A_527 : vector<16xi32> to vector<16xi32>
    %swap3A_529 = vector.shape_cast %add3A_525 : vector<16xi32> to vector<16xi32>
    tpu.vector_store %arg10[%swap3A_526], %swap3A_529 {strides = array<i32>} : memref<80xi32, #tpu.memory_space<vmem>>, vector<16xi32>,
    %add3A_530 = arith.constant 64 : i32
    %add3A_531 = arith.addi %add3A_461, %add3A_530 : i32
    %iota3A_532 = tpu.iota {dimensions = array<i32: 0>} : vector<16xi32>
    %add3A_533 = vector.broadcast %add3A_531 : i32 to vector<16xi32>
    %add3A_534 = arith.addi %add3A_533, %iota3A_532 : vector<16xi32>
    %min3A_535 = arith.constant 9999 : i32
    %min3A_536 = vector.broadcast %min3A_535 : i32 to vector<16xi32>
    %min3A_537 = arith.minsi %add3A_534, %min3A_536 : vector<16xi32>
    %mul3A_538 = arith.constant 2 : i32
    %mul3A_539 = vector.broadcast %mul3A_538 : i32 to vector<16xi32>
    %mul3A_540 = arith.muli %min3A_537, %mul3A_539 : vector<16xi32>
    %add3A_541 = vector.broadcast %arg0 : i32 to vector<16xi32>
    %add3A_542 = arith.addi %mul3A_540, %add3A_541 : vector<16xi32>
    %swap3A_543 = arith.constant 64 : index
    %swap3A_544 = tpu.vector_load %arg10[%swap3A_543] {strides = array<i32>} : memref<80xi32, #tpu.memory_space<vmem>>, vector<16xi32>,
    %swap3A_545 = vector.shape_cast %swap3A_544 : vector<16xi32> to vector<16xi32>
    %swap3A_546 = vector.shape_cast %add3A_542 : vector<16xi32> to vector<16xi32>
    tpu.vector_store %arg10[%swap3A_543], %swap3A_546 {strides = array<i32>} : memref<80xi32, #tpu.memory_space<vmem>>, vector<16xi32>,
    %dma_start3A_547 = arith.constant 0 : i32
    %dma_start3A_548 = arith.constant 0 : i32
    %dma_start3A_549 = tpu.memref_slice %arg2[%dma_start3A_547, %dma_start3A_548] : memref<20000x144xf32, #tpu.memory_space<hbm>> -> memref<20000x144xf32, #tpu.memory_space<hbm>>
    tpu.enqueue_indirect_dma source(%dma_start3A_549 : memref<20000x144xf32, #tpu.memory_space<hbm>>) target(%arg16 : memref<80x144xf32, #tpu.memory_space<vmem>>) offsets(%arg10 : memref<80xi32, #tpu.memory_space<vmem>>) semaphore(%arg20 : memref<!tpu.dma_semaphore, #tpu.memory_space<semaphore_mem>>)
    %dma_wait3A_550 = arith.constant 0 : i32
    %dma_wait3A_551 = arith.constant 0 : i32
    %dma_wait3A_552 = tpu.memref_slice %arg2[%dma_wait3A_550, %dma_wait3A_551] : memref<20000x144xf32, #tpu.memory_space<hbm>> -> memref<20000x144xf32, #tpu.memory_space<hbm>>
    tpu.wait_indirect_dma semaphore(%arg18 : memref<!tpu.dma_semaphore, #tpu.memory_space<semaphore_mem>>) src(%dma_wait3A_552 : memref<20000x144xf32, #tpu.memory_space<hbm>>) dst(%arg14 : memref<80x144xf32, #tpu.memory_space<vmem>>)
    %add3A_553 = arith.constant 240 : i32
    %add3A_554 = arith.addi %mul3A_0, %add3A_553 : i32
    "tpu.region"() ({
      %run_scoped3A = tpu.sem_alloc : memref<!tpu.dma_semaphore, #tpu.memory_space<semaphore_mem>>
      %dma_start3A_784 = arith.constant 0 : i32
      %dma_start3A_785 = tpu.memref_slice %arg17[%add3A_554, %dma_start3A_784] : memref<10240x144xf32, #tpu.memory_space<vmem_shared>> -> memref<80x144xf32, #tpu.memory_space<vmem_shared>>
      %dma_start3A_786 = arith.constant 0 : i32
      %dma_start3A_787 = tpu.memref_slice %arg17[%add3A_554, %dma_start3A_786] : memref<10240x144xf32, #tpu.memory_space<vmem_shared>> -> memref<80x144xf32, #tpu.memory_space<vmem_shared>>
      tpu.enqueue_dma source(%arg14 : memref<80x144xf32, #tpu.memory_space<vmem>>) target(%dma_start3A_787 : memref<80x144xf32, #tpu.memory_space<vmem_shared>>) target_semaphore(%run_scoped3A : memref<!tpu.dma_semaphore, #tpu.memory_space<semaphore_mem>>)
      %dma_wait3A_788 = arith.constant 0 : i32
      %dma_wait3A_789 = tpu.memref_slice %arg17[%add3A_554, %dma_wait3A_788] : memref<10240x144xf32, #tpu.memory_space<vmem_shared>> -> memref<80x144xf32, #tpu.memory_space<vmem_shared>>
      %dma_wait3A_790 = arith.constant 0 : i32
      %dma_wait3A_791 = tpu.memref_slice %arg17[%add3A_554, %dma_wait3A_790] : memref<10240x144xf32, #tpu.memory_space<vmem_shared>> -> memref<80x144xf32, #tpu.memory_space<vmem_shared>>
      tpu.wait_dma2 semaphore(%run_scoped3A : memref<!tpu.dma_semaphore, #tpu.memory_space<semaphore_mem>>) src(%arg14 : memref<80x144xf32, #tpu.memory_space<vmem>>) dst(%dma_wait3A_791 : memref<80x144xf32, #tpu.memory_space<vmem_shared>>)
      tpu.yield
    }) : () -> ()
    %add3A_555 = arith.constant 480 : i32
    %add3A_556 = arith.addi %mul3A_0, %add3A_555 : i32
    %add3A_557 = arith.constant 0 : i32
    %add3A_558 = arith.addi %add3A_556, %add3A_557 : i32
    %iota3A_559 = tpu.iota {dimensions = array<i32: 0>} : vector<16xi32>
    %add3A_560 = vector.broadcast %add3A_558 : i32 to vector<16xi32>
    %add3A_561 = arith.addi %add3A_560, %iota3A_559 : vector<16xi32>
    %min3A_562 = arith.constant 9999 : i32
    %min3A_563 = vector.broadcast %min3A_562 : i32 to vector<16xi32>
    %min3A_564 = arith.minsi %add3A_561, %min3A_563 : vector<16xi32>
    %mul3A_565 = arith.constant 2 : i32
    %mul3A_566 = vector.broadcast %mul3A_565 : i32 to vector<16xi32>
    %mul3A_567 = arith.muli %min3A_564, %mul3A_566 : vector<16xi32>
    %add3A_568 = vector.broadcast %arg0 : i32 to vector<16xi32>
    %add3A_569 = arith.addi %mul3A_567, %add3A_568 : vector<16xi32>
    %swap3A_570 = arith.constant 0 : index
    %swap3A_571 = tpu.vector_load %arg8[%swap3A_570] {strides = array<i32>} : memref<80xi32, #tpu.memory_space<vmem>>, vector<16xi32>,
    %swap3A_572 = vector.shape_cast %swap3A_571 : vector<16xi32> to vector<16xi32>
    %swap3A_573 = vector.shape_cast %add3A_569 : vector<16xi32> to vector<16xi32>
    tpu.vector_store %arg8[%swap3A_570], %swap3A_573 {strides = array<i32>} : memref<80xi32, #tpu.memory_space<vmem>>, vector<16xi32>,
    %add3A_574 = arith.constant 16 : i32
    %add3A_575 = arith.addi %add3A_556, %add3A_574 : i32
    %iota3A_576 = tpu.iota {dimensions = array<i32: 0>} : vector<16xi32>
    %add3A_577 = vector.broadcast %add3A_575 : i32 to vector<16xi32>
    %add3A_578 = arith.addi %add3A_577, %iota3A_576 : vector<16xi32>
    %min3A_579 = arith.constant 9999 : i32
    %min3A_580 = vector.broadcast %min3A_579 : i32 to vector<16xi32>
    %min3A_581 = arith.minsi %add3A_578, %min3A_580 : vector<16xi32>
    %mul3A_582 = arith.constant 2 : i32
    %mul3A_583 = vector.broadcast %mul3A_582 : i32 to vector<16xi32>
    %mul3A_584 = arith.muli %min3A_581, %mul3A_583 : vector<16xi32>
    %add3A_585 = vector.broadcast %arg0 : i32 to vector<16xi32>
    %add3A_586 = arith.addi %mul3A_584, %add3A_585 : vector<16xi32>
    %swap3A_587 = arith.constant 16 : index
    %swap3A_588 = tpu.vector_load %arg8[%swap3A_587] {strides = array<i32>} : memref<80xi32, #tpu.memory_space<vmem>>, vector<16xi32>,
    %swap3A_589 = vector.shape_cast %swap3A_588 : vector<16xi32> to vector<16xi32>
    %swap3A_590 = vector.shape_cast %add3A_586 : vector<16xi32> to vector<16xi32>
    tpu.vector_store %arg8[%swap3A_587], %swap3A_590 {strides = array<i32>} : memref<80xi32, #tpu.memory_space<vmem>>, vector<16xi32>,
    %add3A_591 = arith.constant 32 : i32
    %add3A_592 = arith.addi %add3A_556, %add3A_591 : i32
    %iota3A_593 = tpu.iota {dimensions = array<i32: 0>} : vector<16xi32>
    %add3A_594 = vector.broadcast %add3A_592 : i32 to vector<16xi32>
    %add3A_595 = arith.addi %add3A_594, %iota3A_593 : vector<16xi32>
    %min3A_596 = arith.constant 9999 : i32
    %min3A_597 = vector.broadcast %min3A_596 : i32 to vector<16xi32>
    %min3A_598 = arith.minsi %add3A_595, %min3A_597 : vector<16xi32>
    %mul3A_599 = arith.constant 2 : i32
    %mul3A_600 = vector.broadcast %mul3A_599 : i32 to vector<16xi32>
    %mul3A_601 = arith.muli %min3A_598, %mul3A_600 : vector<16xi32>
    %add3A_602 = vector.broadcast %arg0 : i32 to vector<16xi32>
    %add3A_603 = arith.addi %mul3A_601, %add3A_602 : vector<16xi32>
    %swap3A_604 = arith.constant 32 : index
    %swap3A_605 = tpu.vector_load %arg8[%swap3A_604] {strides = array<i32>} : memref<80xi32, #tpu.memory_space<vmem>>, vector<16xi32>,
    %swap3A_606 = vector.shape_cast %swap3A_605 : vector<16xi32> to vector<16xi32>
    %swap3A_607 = vector.shape_cast %add3A_603 : vector<16xi32> to vector<16xi32>
    tpu.vector_store %arg8[%swap3A_604], %swap3A_607 {strides = array<i32>} : memref<80xi32, #tpu.memory_space<vmem>>, vector<16xi32>,
    %add3A_608 = arith.constant 48 : i32
    %add3A_609 = arith.addi %add3A_556, %add3A_608 : i32
    %iota3A_610 = tpu.iota {dimensions = array<i32: 0>} : vector<16xi32>
    %add3A_611 = vector.broadcast %add3A_609 : i32 to vector<16xi32>
    %add3A_612 = arith.addi %add3A_611, %iota3A_610 : vector<16xi32>
    %min3A_613 = arith.constant 9999 : i32
    %min3A_614 = vector.broadcast %min3A_613 : i32 to vector<16xi32>
    %min3A_615 = arith.minsi %add3A_612, %min3A_614 : vector<16xi32>
    %mul3A_616 = arith.constant 2 : i32
    %mul3A_617 = vector.broadcast %mul3A_616 : i32 to vector<16xi32>
    %mul3A_618 = arith.muli %min3A_615, %mul3A_617 : vector<16xi32>
    %add3A_619 = vector.broadcast %arg0 : i32 to vector<16xi32>
    %add3A_620 = arith.addi %mul3A_618, %add3A_619 : vector<16xi32>
    %swap3A_621 = arith.constant 48 : index
    %swap3A_622 = tpu.vector_load %arg8[%swap3A_621] {strides = array<i32>} : memref<80xi32, #tpu.memory_space<vmem>>, vector<16xi32>,
    %swap3A_623 = vector.shape_cast %swap3A_622 : vector<16xi32> to vector<16xi32>
    %swap3A_624 = vector.shape_cast %add3A_620 : vector<16xi32> to vector<16xi32>
    tpu.vector_store %arg8[%swap3A_621], %swap3A_624 {strides = array<i32>} : memref<80xi32, #tpu.memory_space<vmem>>, vector<16xi32>,
    %add3A_625 = arith.constant 64 : i32
    %add3A_626 = arith.addi %add3A_556, %add3A_625 : i32
    %iota3A_627 = tpu.iota {dimensions = array<i32: 0>} : vector<16xi32>
    %add3A_628 = vector.broadcast %add3A_626 : i32 to vector<16xi32>
    %add3A_629 = arith.addi %add3A_628, %iota3A_627 : vector<16xi32>
    %min3A_630 = arith.constant 9999 : i32
    %min3A_631 = vector.broadcast %min3A_630 : i32 to vector<16xi32>
    %min3A_632 = arith.minsi %add3A_629, %min3A_631 : vector<16xi32>
    %mul3A_633 = arith.constant 2 : i32
    %mul3A_634 = vector.broadcast %mul3A_633 : i32 to vector<16xi32>
    %mul3A_635 = arith.muli %min3A_632, %mul3A_634 : vector<16xi32>
    %add3A_636 = vector.broadcast %arg0 : i32 to vector<16xi32>
    %add3A_637 = arith.addi %mul3A_635, %add3A_636 : vector<16xi32>
    %swap3A_638 = arith.constant 64 : index
    %swap3A_639 = tpu.vector_load %arg8[%swap3A_638] {strides = array<i32>} : memref<80xi32, #tpu.memory_space<vmem>>, vector<16xi32>,
    %swap3A_640 = vector.shape_cast %swap3A_639 : vector<16xi32> to vector<16xi32>
    %swap3A_641 = vector.shape_cast %add3A_637 : vector<16xi32> to vector<16xi32>
    tpu.vector_store %arg8[%swap3A_638], %swap3A_641 {strides = array<i32>} : memref<80xi32, #tpu.memory_space<vmem>>, vector<16xi32>,
    %dma_start3A_642 = arith.constant 0 : i32
    %dma_start3A_643 = arith.constant 0 : i32
    %dma_start3A_644 = tpu.memref_slice %arg2[%dma_start3A_642, %dma_start3A_643] : memref<20000x144xf32, #tpu.memory_space<hbm>> -> memref<20000x144xf32, #tpu.memory_space<hbm>>
    tpu.enqueue_indirect_dma source(%dma_start3A_644 : memref<20000x144xf32, #tpu.memory_space<hbm>>) target(%arg14 : memref<80x144xf32, #tpu.memory_space<vmem>>) offsets(%arg8 : memref<80xi32, #tpu.memory_space<vmem>>) semaphore(%arg18 : memref<!tpu.dma_semaphore, #tpu.memory_space<semaphore_mem>>)
    %dma_wait3A_645 = arith.constant 0 : i32
    %dma_wait3A_646 = arith.constant 0 : i32
    %dma_wait3A_647 = tpu.memref_slice %arg2[%dma_wait3A_645, %dma_wait3A_646] : memref<20000x144xf32, #tpu.memory_space<hbm>> -> memref<20000x144xf32, #tpu.memory_space<hbm>>
    tpu.wait_indirect_dma semaphore(%arg19 : memref<!tpu.dma_semaphore, #tpu.memory_space<semaphore_mem>>) src(%dma_wait3A_647 : memref<20000x144xf32, #tpu.memory_space<hbm>>) dst(%arg15 : memref<80x144xf32, #tpu.memory_space<vmem>>)
    %add3A_648 = arith.constant 320 : i32
    %add3A_649 = arith.addi %mul3A_0, %add3A_648 : i32
    "tpu.region"() ({
      %run_scoped3A = tpu.sem_alloc : memref<!tpu.dma_semaphore, #tpu.memory_space<semaphore_mem>>
      %dma_start3A_784 = arith.constant 0 : i32
      %dma_start3A_785 = tpu.memref_slice %arg17[%add3A_649, %dma_start3A_784] : memref<10240x144xf32, #tpu.memory_space<vmem_shared>> -> memref<80x144xf32, #tpu.memory_space<vmem_shared>>
      %dma_start3A_786 = arith.constant 0 : i32
      %dma_start3A_787 = tpu.memref_slice %arg17[%add3A_649, %dma_start3A_786] : memref<10240x144xf32, #tpu.memory_space<vmem_shared>> -> memref<80x144xf32, #tpu.memory_space<vmem_shared>>
      tpu.enqueue_dma source(%arg15 : memref<80x144xf32, #tpu.memory_space<vmem>>) target(%dma_start3A_787 : memref<80x144xf32, #tpu.memory_space<vmem_shared>>) target_semaphore(%run_scoped3A : memref<!tpu.dma_semaphore, #tpu.memory_space<semaphore_mem>>)
      %dma_wait3A_788 = arith.constant 0 : i32
      %dma_wait3A_789 = tpu.memref_slice %arg17[%add3A_649, %dma_wait3A_788] : memref<10240x144xf32, #tpu.memory_space<vmem_shared>> -> memref<80x144xf32, #tpu.memory_space<vmem_shared>>
      %dma_wait3A_790 = arith.constant 0 : i32
      %dma_wait3A_791 = tpu.memref_slice %arg17[%add3A_649, %dma_wait3A_790] : memref<10240x144xf32, #tpu.memory_space<vmem_shared>> -> memref<80x144xf32, #tpu.memory_space<vmem_shared>>
      tpu.wait_dma2 semaphore(%run_scoped3A : memref<!tpu.dma_semaphore, #tpu.memory_space<semaphore_mem>>) src(%arg15 : memref<80x144xf32, #tpu.memory_space<vmem>>) dst(%dma_wait3A_791 : memref<80x144xf32, #tpu.memory_space<vmem_shared>>)
      tpu.yield
    }) : () -> ()
    %add3A_650 = arith.constant 560 : i32
    %add3A_651 = arith.addi %mul3A_0, %add3A_650 : i32
    %add3A_652 = arith.constant 0 : i32
    %add3A_653 = arith.addi %add3A_651, %add3A_652 : i32
    %iota3A_654 = tpu.iota {dimensions = array<i32: 0>} : vector<16xi32>
    %add3A_655 = vector.broadcast %add3A_653 : i32 to vector<16xi32>
    %add3A_656 = arith.addi %add3A_655, %iota3A_654 : vector<16xi32>
    %min3A_657 = arith.constant 9999 : i32
    %min3A_658 = vector.broadcast %min3A_657 : i32 to vector<16xi32>
    %min3A_659 = arith.minsi %add3A_656, %min3A_658 : vector<16xi32>
    %mul3A_660 = arith.constant 2 : i32
    %mul3A_661 = vector.broadcast %mul3A_660 : i32 to vector<16xi32>
    %mul3A_662 = arith.muli %min3A_659, %mul3A_661 : vector<16xi32>
    %add3A_663 = vector.broadcast %arg0 : i32 to vector<16xi32>
    %add3A_664 = arith.addi %mul3A_662, %add3A_663 : vector<16xi32>
    %swap3A_665 = arith.constant 0 : index
    %swap3A_666 = tpu.vector_load %arg9[%swap3A_665] {strides = array<i32>} : memref<80xi32, #tpu.memory_space<vmem>>, vector<16xi32>,
    %swap3A_667 = vector.shape_cast %swap3A_666 : vector<16xi32> to vector<16xi32>
    %swap3A_668 = vector.shape_cast %add3A_664 : vector<16xi32> to vector<16xi32>
    tpu.vector_store %arg9[%swap3A_665], %swap3A_668 {strides = array<i32>} : memref<80xi32, #tpu.memory_space<vmem>>, vector<16xi32>,
    %add3A_669 = arith.constant 16 : i32
    %add3A_670 = arith.addi %add3A_651, %add3A_669 : i32
    %iota3A_671 = tpu.iota {dimensions = array<i32: 0>} : vector<16xi32>
    %add3A_672 = vector.broadcast %add3A_670 : i32 to vector<16xi32>
    %add3A_673 = arith.addi %add3A_672, %iota3A_671 : vector<16xi32>
    %min3A_674 = arith.constant 9999 : i32
    %min3A_675 = vector.broadcast %min3A_674 : i32 to vector<16xi32>
    %min3A_676 = arith.minsi %add3A_673, %min3A_675 : vector<16xi32>
    %mul3A_677 = arith.constant 2 : i32
    %mul3A_678 = vector.broadcast %mul3A_677 : i32 to vector<16xi32>
    %mul3A_679 = arith.muli %min3A_676, %mul3A_678 : vector<16xi32>
    %add3A_680 = vector.broadcast %arg0 : i32 to vector<16xi32>
    %add3A_681 = arith.addi %mul3A_679, %add3A_680 : vector<16xi32>
    %swap3A_682 = arith.constant 16 : index
    %swap3A_683 = tpu.vector_load %arg9[%swap3A_682] {strides = array<i32>} : memref<80xi32, #tpu.memory_space<vmem>>, vector<16xi32>,
    %swap3A_684 = vector.shape_cast %swap3A_683 : vector<16xi32> to vector<16xi32>
    %swap3A_685 = vector.shape_cast %add3A_681 : vector<16xi32> to vector<16xi32>
    tpu.vector_store %arg9[%swap3A_682], %swap3A_685 {strides = array<i32>} : memref<80xi32, #tpu.memory_space<vmem>>, vector<16xi32>,
    %add3A_686 = arith.constant 32 : i32
    %add3A_687 = arith.addi %add3A_651, %add3A_686 : i32
    %iota3A_688 = tpu.iota {dimensions = array<i32: 0>} : vector<16xi32>
    %add3A_689 = vector.broadcast %add3A_687 : i32 to vector<16xi32>
    %add3A_690 = arith.addi %add3A_689, %iota3A_688 : vector<16xi32>
    %min3A_691 = arith.constant 9999 : i32
    %min3A_692 = vector.broadcast %min3A_691 : i32 to vector<16xi32>
    %min3A_693 = arith.minsi %add3A_690, %min3A_692 : vector<16xi32>
    %mul3A_694 = arith.constant 2 : i32
    %mul3A_695 = vector.broadcast %mul3A_694 : i32 to vector<16xi32>
    %mul3A_696 = arith.muli %min3A_693, %mul3A_695 : vector<16xi32>
    %add3A_697 = vector.broadcast %arg0 : i32 to vector<16xi32>
    %add3A_698 = arith.addi %mul3A_696, %add3A_697 : vector<16xi32>
    %swap3A_699 = arith.constant 32 : index
    %swap3A_700 = tpu.vector_load %arg9[%swap3A_699] {strides = array<i32>} : memref<80xi32, #tpu.memory_space<vmem>>, vector<16xi32>,
    %swap3A_701 = vector.shape_cast %swap3A_700 : vector<16xi32> to vector<16xi32>
    %swap3A_702 = vector.shape_cast %add3A_698 : vector<16xi32> to vector<16xi32>
    tpu.vector_store %arg9[%swap3A_699], %swap3A_702 {strides = array<i32>} : memref<80xi32, #tpu.memory_space<vmem>>, vector<16xi32>,
    %add3A_703 = arith.constant 48 : i32
    %add3A_704 = arith.addi %add3A_651, %add3A_703 : i32
    %iota3A_705 = tpu.iota {dimensions = array<i32: 0>} : vector<16xi32>
    %add3A_706 = vector.broadcast %add3A_704 : i32 to vector<16xi32>
    %add3A_707 = arith.addi %add3A_706, %iota3A_705 : vector<16xi32>
    %min3A_708 = arith.constant 9999 : i32
    %min3A_709 = vector.broadcast %min3A_708 : i32 to vector<16xi32>
    %min3A_710 = arith.minsi %add3A_707, %min3A_709 : vector<16xi32>
    %mul3A_711 = arith.constant 2 : i32
    %mul3A_712 = vector.broadcast %mul3A_711 : i32 to vector<16xi32>
    %mul3A_713 = arith.muli %min3A_710, %mul3A_712 : vector<16xi32>
    %add3A_714 = vector.broadcast %arg0 : i32 to vector<16xi32>
    %add3A_715 = arith.addi %mul3A_713, %add3A_714 : vector<16xi32>
    %swap3A_716 = arith.constant 48 : index
    %swap3A_717 = tpu.vector_load %arg9[%swap3A_716] {strides = array<i32>} : memref<80xi32, #tpu.memory_space<vmem>>, vector<16xi32>,
    %swap3A_718 = vector.shape_cast %swap3A_717 : vector<16xi32> to vector<16xi32>
    %swap3A_719 = vector.shape_cast %add3A_715 : vector<16xi32> to vector<16xi32>
    tpu.vector_store %arg9[%swap3A_716], %swap3A_719 {strides = array<i32>} : memref<80xi32, #tpu.memory_space<vmem>>, vector<16xi32>,
    %add3A_720 = arith.constant 64 : i32
    %add3A_721 = arith.addi %add3A_651, %add3A_720 : i32
    %iota3A_722 = tpu.iota {dimensions = array<i32: 0>} : vector<16xi32>
    %add3A_723 = vector.broadcast %add3A_721 : i32 to vector<16xi32>
    %add3A_724 = arith.addi %add3A_723, %iota3A_722 : vector<16xi32>
    %min3A_725 = arith.constant 9999 : i32
    %min3A_726 = vector.broadcast %min3A_725 : i32 to vector<16xi32>
    %min3A_727 = arith.minsi %add3A_724, %min3A_726 : vector<16xi32>
    %mul3A_728 = arith.constant 2 : i32
    %mul3A_729 = vector.broadcast %mul3A_728 : i32 to vector<16xi32>
    %mul3A_730 = arith.muli %min3A_727, %mul3A_729 : vector<16xi32>
    %add3A_731 = vector.broadcast %arg0 : i32 to vector<16xi32>
    %add3A_732 = arith.addi %mul3A_730, %add3A_731 : vector<16xi32>
    %swap3A_733 = arith.constant 64 : index
    %swap3A_734 = tpu.vector_load %arg9[%swap3A_733] {strides = array<i32>} : memref<80xi32, #tpu.memory_space<vmem>>, vector<16xi32>,
    %swap3A_735 = vector.shape_cast %swap3A_734 : vector<16xi32> to vector<16xi32>
    %swap3A_736 = vector.shape_cast %add3A_732 : vector<16xi32> to vector<16xi32>
    tpu.vector_store %arg9[%swap3A_733], %swap3A_736 {strides = array<i32>} : memref<80xi32, #tpu.memory_space<vmem>>, vector<16xi32>,
    %dma_start3A_737 = arith.constant 0 : i32
    %dma_start3A_738 = arith.constant 0 : i32
    %dma_start3A_739 = tpu.memref_slice %arg2[%dma_start3A_737, %dma_start3A_738] : memref<20000x144xf32, #tpu.memory_space<hbm>> -> memref<20000x144xf32, #tpu.memory_space<hbm>>
    tpu.enqueue_indirect_dma source(%dma_start3A_739 : memref<20000x144xf32, #tpu.memory_space<hbm>>) target(%arg15 : memref<80x144xf32, #tpu.memory_space<vmem>>) offsets(%arg9 : memref<80xi32, #tpu.memory_space<vmem>>) semaphore(%arg19 : memref<!tpu.dma_semaphore, #tpu.memory_space<semaphore_mem>>)
    %dma_wait3A_740 = arith.constant 0 : i32
    %dma_wait3A_741 = arith.constant 0 : i32
    %dma_wait3A_742 = tpu.memref_slice %arg2[%dma_wait3A_740, %dma_wait3A_741] : memref<20000x144xf32, #tpu.memory_space<hbm>> -> memref<20000x144xf32, #tpu.memory_space<hbm>>
    tpu.wait_indirect_dma semaphore(%arg20 : memref<!tpu.dma_semaphore, #tpu.memory_space<semaphore_mem>>) src(%dma_wait3A_742 : memref<20000x144xf32, #tpu.memory_space<hbm>>) dst(%arg16 : memref<80x144xf32, #tpu.memory_space<vmem>>)
    %add3A_743 = arith.constant 400 : i32
    %add3A_744 = arith.addi %mul3A_0, %add3A_743 : i32
    "tpu.region"() ({
      %run_scoped3A = tpu.sem_alloc : memref<!tpu.dma_semaphore, #tpu.memory_space<semaphore_mem>>
      %dma_start3A_784 = arith.constant 0 : i32
      %dma_start3A_785 = tpu.memref_slice %arg17[%add3A_744, %dma_start3A_784] : memref<10240x144xf32, #tpu.memory_space<vmem_shared>> -> memref<80x144xf32, #tpu.memory_space<vmem_shared>>
      %dma_start3A_786 = arith.constant 0 : i32
      %dma_start3A_787 = tpu.memref_slice %arg17[%add3A_744, %dma_start3A_786] : memref<10240x144xf32, #tpu.memory_space<vmem_shared>> -> memref<80x144xf32, #tpu.memory_space<vmem_shared>>
      tpu.enqueue_dma source(%arg16 : memref<80x144xf32, #tpu.memory_space<vmem>>) target(%dma_start3A_787 : memref<80x144xf32, #tpu.memory_space<vmem_shared>>) target_semaphore(%run_scoped3A : memref<!tpu.dma_semaphore, #tpu.memory_space<semaphore_mem>>)
      %dma_wait3A_788 = arith.constant 0 : i32
      %dma_wait3A_789 = tpu.memref_slice %arg17[%add3A_744, %dma_wait3A_788] : memref<10240x144xf32, #tpu.memory_space<vmem_shared>> -> memref<80x144xf32, #tpu.memory_space<vmem_shared>>
      %dma_wait3A_790 = arith.constant 0 : i32
      %dma_wait3A_791 = tpu.memref_slice %arg17[%add3A_744, %dma_wait3A_790] : memref<10240x144xf32, #tpu.memory_space<vmem_shared>> -> memref<80x144xf32, #tpu.memory_space<vmem_shared>>
      tpu.wait_dma2 semaphore(%run_scoped3A : memref<!tpu.dma_semaphore, #tpu.memory_space<semaphore_mem>>) src(%arg16 : memref<80x144xf32, #tpu.memory_space<vmem>>) dst(%dma_wait3A_791 : memref<80x144xf32, #tpu.memory_space<vmem_shared>>)
      tpu.yield
    }) : () -> ()
    %dma_wait3A_745 = arith.constant 0 : i32
    %dma_wait3A_746 = arith.constant 0 : i32
    %dma_wait3A_747 = tpu.memref_slice %arg2[%dma_wait3A_745, %dma_wait3A_746] : memref<20000x144xf32, #tpu.memory_space<hbm>> -> memref<20000x144xf32, #tpu.memory_space<hbm>>
    tpu.wait_indirect_dma semaphore(%arg18 : memref<!tpu.dma_semaphore, #tpu.memory_space<semaphore_mem>>) src(%dma_wait3A_747 : memref<20000x144xf32, #tpu.memory_space<hbm>>) dst(%arg14 : memref<80x144xf32, #tpu.memory_space<vmem>>)
    %add3A_748 = arith.constant 480 : i32
    %add3A_749 = arith.addi %mul3A_0, %add3A_748 : i32
    "tpu.region"() ({
      %run_scoped3A = tpu.sem_alloc : memref<!tpu.dma_semaphore, #tpu.memory_space<semaphore_mem>>
      %dma_start3A_784 = arith.constant 0 : i32
      %dma_start3A_785 = tpu.memref_slice %arg17[%add3A_749, %dma_start3A_784] : memref<10240x144xf32, #tpu.memory_space<vmem_shared>> -> memref<80x144xf32, #tpu.memory_space<vmem_shared>>
      %dma_start3A_786 = arith.constant 0 : i32
      %dma_start3A_787 = tpu.memref_slice %arg17[%add3A_749, %dma_start3A_786] : memref<10240x144xf32, #tpu.memory_space<vmem_shared>> -> memref<80x144xf32, #tpu.memory_space<vmem_shared>>
      tpu.enqueue_dma source(%arg14 : memref<80x144xf32, #tpu.memory_space<vmem>>) target(%dma_start3A_787 : memref<80x144xf32, #tpu.memory_space<vmem_shared>>) target_semaphore(%run_scoped3A : memref<!tpu.dma_semaphore, #tpu.memory_space<semaphore_mem>>)
      %dma_wait3A_788 = arith.constant 0 : i32
      %dma_wait3A_789 = tpu.memref_slice %arg17[%add3A_749, %dma_wait3A_788] : memref<10240x144xf32, #tpu.memory_space<vmem_shared>> -> memref<80x144xf32, #tpu.memory_space<vmem_shared>>
      %dma_wait3A_790 = arith.constant 0 : i32
      %dma_wait3A_791 = tpu.memref_slice %arg17[%add3A_749, %dma_wait3A_790] : memref<10240x144xf32, #tpu.memory_space<vmem_shared>> -> memref<80x144xf32, #tpu.memory_space<vmem_shared>>
      tpu.wait_dma2 semaphore(%run_scoped3A : memref<!tpu.dma_semaphore, #tpu.memory_space<semaphore_mem>>) src(%arg14 : memref<80x144xf32, #tpu.memory_space<vmem>>) dst(%dma_wait3A_791 : memref<80x144xf32, #tpu.memory_space<vmem_shared>>)
      tpu.yield
    }) : () -> ()
    %dma_wait3A_750 = arith.constant 0 : i32
    %dma_wait3A_751 = arith.constant 0 : i32
    %dma_wait3A_752 = tpu.memref_slice %arg2[%dma_wait3A_750, %dma_wait3A_751] : memref<20000x144xf32, #tpu.memory_space<hbm>> -> memref<20000x144xf32, #tpu.memory_space<hbm>>
    tpu.wait_indirect_dma semaphore(%arg19 : memref<!tpu.dma_semaphore, #tpu.memory_space<semaphore_mem>>) src(%dma_wait3A_752 : memref<20000x144xf32, #tpu.memory_space<hbm>>) dst(%arg15 : memref<80x144xf32, #tpu.memory_space<vmem>>)
    %add3A_753 = arith.constant 560 : i32
    %add3A_754 = arith.addi %mul3A_0, %add3A_753 : i32
    "tpu.region"() ({
      %run_scoped3A = tpu.sem_alloc : memref<!tpu.dma_semaphore, #tpu.memory_space<semaphore_mem>>
      %dma_start3A_784 = arith.constant 0 : i32
      %dma_start3A_785 = tpu.memref_slice %arg17[%add3A_754, %dma_start3A_784] : memref<10240x144xf32, #tpu.memory_space<vmem_shared>> -> memref<80x144xf32, #tpu.memory_space<vmem_shared>>
      %dma_start3A_786 = arith.constant 0 : i32
      %dma_start3A_787 = tpu.memref_slice %arg17[%add3A_754, %dma_start3A_786] : memref<10240x144xf32, #tpu.memory_space<vmem_shared>> -> memref<80x144xf32, #tpu.memory_space<vmem_shared>>
      tpu.enqueue_dma source(%arg15 : memref<80x144xf32, #tpu.memory_space<vmem>>) target(%dma_start3A_787 : memref<80x144xf32, #tpu.memory_space<vmem_shared>>) target_semaphore(%run_scoped3A : memref<!tpu.dma_semaphore, #tpu.memory_space<semaphore_mem>>)
      %dma_wait3A_788 = arith.constant 0 : i32
      %dma_wait3A_789 = tpu.memref_slice %arg17[%add3A_754, %dma_wait3A_788] : memref<10240x144xf32, #tpu.memory_space<vmem_shared>> -> memref<80x144xf32, #tpu.memory_space<vmem_shared>>
      %dma_wait3A_790 = arith.constant 0 : i32
      %dma_wait3A_791 = tpu.memref_slice %arg17[%add3A_754, %dma_wait3A_790] : memref<10240x144xf32, #tpu.memory_space<vmem_shared>> -> memref<80x144xf32, #tpu.memory_space<vmem_shared>>
      tpu.wait_dma2 semaphore(%run_scoped3A : memref<!tpu.dma_semaphore, #tpu.memory_space<semaphore_mem>>) src(%arg15 : memref<80x144xf32, #tpu.memory_space<vmem>>) dst(%dma_wait3A_791 : memref<80x144xf32, #tpu.memory_space<vmem_shared>>)
      tpu.yield
    }) : () -> ()
    %barrier3A = arith.constant 0 : index
    tpu.barrier barrier_id(%barrier3A)
    %mul3A_755 = arith.constant 20160 : i32
    %mul3A_756 = arith.muli %arg1, %mul3A_755 : i32
    %scan3A = arith.constant 0 : i32
    %scan3A_757 = arith.constant 0 : i32
    %scan3A_758 = arith.constant 84 : i32
    %scan3A_759 = arith.addi %scan3A_757, %scan3A_758 : i32
    %scan3A_760 = arith.constant 1 : i32
    scf.for %scan3A_784 = %scan3A_757 to %scan3A_759 step %scan3A_760  : i32 {
      %mul3A_785 = arith.constant 3 : i32
      %mul3A_786 = arith.muli %scan3A_784, %mul3A_785 : i32
      %add3A_787 = arith.constant 0 : i32
      %add3A_788 = arith.addi %mul3A_786, %add3A_787 : i32
      %jit3A = arith.constant 16 : i32
      %eq3A_789 = arith.constant 0 : i32
      %eq3A_790 = arith.cmpi eq, %jit3A, %eq3A_789 : i32
      %jit3A_791 = arith.constant 1 : i32
      %select_n3A = arith.select %eq3A_790, %jit3A_791, %jit3A : i32
      %rem3A = arith.remsi %add3A_788, %select_n3A : i32
      %ne3A = arith.constant 0 : i32
      %ne3A_792 = arith.cmpi ne, %rem3A, %ne3A : i32
      %lt3A_793 = arith.constant 0 : i32
      %lt3A_794 = arith.cmpi slt, %rem3A, %lt3A_793 : i32
      %lt3A_795 = arith.constant 0 : i32
      %lt3A_796 = arith.cmpi slt, %select_n3A, %lt3A_795 : i32
      %ne3A_797 = arith.xori %lt3A_794, %lt3A_796 : i1
      %and3A = arith.andi %ne3A_797, %ne3A_792 : i1
      %add3A_798 = arith.addi %rem3A, %select_n3A : i32
      %select_n3A_799 = arith.select %and3A, %add3A_798, %rem3A : i32
      %eq3A_800 = arith.constant 0 : i32
      %eq3A_801 = arith.cmpi eq, %select_n3A_799, %eq3A_800 : i32
      %convert_element_type3A_802 = arith.extui %eq3A_801 : i1 to i32
      %cond3A_803 = arith.constant 0 : i32
      %cond3A_804 = arith.cmpi ne, %convert_element_type3A_802, %cond3A_803 : i32
      scf.if %cond3A_804 {
        %jit3A_1293 = arith.constant 16 : i32
        %div3A = arith.divsi %add3A_788, %jit3A_1293 : i32
        %sign3A = arith.constant 0 : i32
        %sign3A_1294 = arith.cmpi sgt, %add3A_788, %sign3A : i32
        %sign3A_1295 = arith.extui %sign3A_1294 : i1 to i32
        %sign3A_1296 = arith.constant 0 : i32
        %sign3A_1297 = arith.cmpi slt, %add3A_788, %sign3A_1296 : i32
        %sign3A_1298 = arith.extui %sign3A_1297 : i1 to i32
        %sign3A_1299 = arith.subi %sign3A_1295, %sign3A_1298 : i32
        %sign3A_1300 = arith.constant 0 : i32
        %sign3A_1301 = arith.cmpi sgt, %jit3A_1293, %sign3A_1300 : i32
        %sign3A_1302 = arith.extui %sign3A_1301 : i1 to i32
        %sign3A_1303 = arith.constant 0 : i32
        %sign3A_1304 = arith.cmpi slt, %jit3A_1293, %sign3A_1303 : i32
        %sign3A_1305 = arith.extui %sign3A_1304 : i1 to i32
        %sign3A_1306 = arith.subi %sign3A_1302, %sign3A_1305 : i32
        %ne3A_1307 = arith.cmpi ne, %sign3A_1299, %sign3A_1306 : i32
        %rem3A_1308 = arith.remsi %add3A_788, %jit3A_1293 : i32
        %ne3A_1309 = arith.constant 0 : i32
        %ne3A_1310 = arith.cmpi ne, %rem3A_1308, %ne3A_1309 : i32
        %and3A_1311 = arith.andi %ne3A_1307, %ne3A_1310 : i1
        %sub3A = arith.constant 1 : i32
        %sub3A_1312 = arith.subi %div3A, %sub3A : i32
        %select_n3A_1313 = arith.select %and3A_1311, %sub3A_1312, %div3A : i32
        %mul3A_1314 = arith.constant 1280 : i32
        %mul3A_1315 = arith.muli %select_n3A_1313, %mul3A_1314 : i32
        %add3A_1316 = arith.addi %mul3A_756, %mul3A_1315 : i32
        "tpu.region"() ({
          %run_scoped3A = tpu.sem_alloc : memref<!tpu.dma_semaphore, #tpu.memory_space<semaphore_mem>>
          %dma_start3A_1317 = tpu.memref_slice %arg3[%add3A_1316] : memref<323840xi32, #tpu.memory_space<hbm>> -> memref<1280xi32, #tpu.memory_space<hbm>>
          %dma_start3A_1318 = tpu.memref_slice %arg3[%add3A_1316] : memref<323840xi32, #tpu.memory_space<hbm>> -> memref<1280xi32, #tpu.memory_space<hbm>>
          tpu.enqueue_dma source(%dma_start3A_1318 : memref<1280xi32, #tpu.memory_space<hbm>>) target(%arg6 : memref<1280xi32, #tpu.memory_space<vmem>>) target_semaphore(%run_scoped3A : memref<!tpu.dma_semaphore, #tpu.memory_space<semaphore_mem>>)
          %dma_wait3A_1319 = tpu.memref_slice %arg3[%add3A_1316] : memref<323840xi32, #tpu.memory_space<hbm>> -> memref<1280xi32, #tpu.memory_space<hbm>>
          %dma_wait3A_1320 = tpu.memref_slice %arg3[%add3A_1316] : memref<323840xi32, #tpu.memory_space<hbm>> -> memref<1280xi32, #tpu.memory_space<hbm>>
          tpu.wait_dma2 semaphore(%run_scoped3A : memref<!tpu.dma_semaphore, #tpu.memory_space<semaphore_mem>>) src(%dma_wait3A_1320 : memref<1280xi32, #tpu.memory_space<hbm>>) dst(%arg6 : memref<1280xi32, #tpu.memory_space<vmem>>)
          tpu.yield
        }) : () -> ()
        "tpu.region"() ({
          %run_scoped3A = tpu.sem_alloc : memref<!tpu.dma_semaphore, #tpu.memory_space<semaphore_mem>>
          %dma_start3A_1317 = tpu.memref_slice %arg4[%add3A_1316] : memref<323840xi32, #tpu.memory_space<hbm>> -> memref<1280xi32, #tpu.memory_space<hbm>>
          %dma_start3A_1318 = tpu.memref_slice %arg4[%add3A_1316] : memref<323840xi32, #tpu.memory_space<hbm>> -> memref<1280xi32, #tpu.memory_space<hbm>>
          tpu.enqueue_dma source(%dma_start3A_1318 : memref<1280xi32, #tpu.memory_space<hbm>>) target(%arg7 : memref<1280xi32, #tpu.memory_space<vmem>>) target_semaphore(%run_scoped3A : memref<!tpu.dma_semaphore, #tpu.memory_space<semaphore_mem>>)
          %dma_wait3A_1319 = tpu.memref_slice %arg4[%add3A_1316] : memref<323840xi32, #tpu.memory_space<hbm>> -> memref<1280xi32, #tpu.memory_space<hbm>>
          %dma_wait3A_1320 = tpu.memref_slice %arg4[%add3A_1316] : memref<323840xi32, #tpu.memory_space<hbm>> -> memref<1280xi32, #tpu.memory_space<hbm>>
          tpu.wait_dma2 semaphore(%run_scoped3A : memref<!tpu.dma_semaphore, #tpu.memory_space<semaphore_mem>>) src(%dma_wait3A_1320 : memref<1280xi32, #tpu.memory_space<hbm>>) dst(%arg7 : memref<1280xi32, #tpu.memory_space<vmem>>)
          tpu.yield
        }) : () -> ()
      } else {
      }
      %ge3A = arith.constant 1 : i32
      %ge3A_805 = arith.cmpi sge, %scan3A_784, %ge3A : i32
      %convert_element_type3A_806 = arith.extui %ge3A_805 : i1 to i32
      %cond3A_807 = arith.constant 0 : i32
      %cond3A_808 = arith.cmpi ne, %convert_element_type3A_806, %cond3A_807 : i32
      scf.if %cond3A_808 {
        %dma_wait3A_1293 = arith.constant 0 : i32
        %dma_wait3A_1294 = arith.constant 0 : i32
        %dma_wait3A_1295 = tpu.memref_slice %arg17[%dma_wait3A_1293, %dma_wait3A_1294] : memref<10240x144xf32, #tpu.memory_space<vmem_shared>> -> memref<10240x144xf32, #tpu.memory_space<vmem_shared>>
        tpu.wait_indirect_dma semaphore(%arg21 : memref<!tpu.dma_semaphore, #tpu.memory_space<semaphore_mem>>) src(%arg14 : memref<80x144xf32, #tpu.memory_space<vmem>>) dst(%dma_wait3A_1295 : memref<10240x144xf32, #tpu.memory_space<vmem_shared>>)
      } else {
      }
      %jit3A_809 = arith.constant 16 : i32
      %eq3A_810 = arith.constant 0 : i32
      %eq3A_811 = arith.cmpi eq, %jit3A_809, %eq3A_810 : i32
      %jit3A_812 = arith.constant 1 : i32
      %select_n3A_813 = arith.select %eq3A_811, %jit3A_812, %jit3A_809 : i32
      %rem3A_814 = arith.remsi %add3A_788, %select_n3A_813 : i32
      %ne3A_815 = arith.constant 0 : i32
      %ne3A_816 = arith.cmpi ne, %rem3A_814, %ne3A_815 : i32
      %lt3A_817 = arith.constant 0 : i32
      %lt3A_818 = arith.cmpi slt, %rem3A_814, %lt3A_817 : i32
      %lt3A_819 = arith.constant 0 : i32
      %lt3A_820 = arith.cmpi slt, %select_n3A_813, %lt3A_819 : i32
      %ne3A_821 = arith.xori %lt3A_818, %lt3A_820 : i1
      %and3A_822 = arith.andi %ne3A_821, %ne3A_816 : i1
      %add3A_823 = arith.addi %rem3A_814, %select_n3A_813 : i32
      %select_n3A_824 = arith.select %and3A_822, %add3A_823, %rem3A_814 : i32
      %mul3A_825 = arith.constant 80 : i32
      %mul3A_826 = arith.muli %select_n3A_824, %mul3A_825 : i32
      %add3A_827 = arith.constant 0 : i32
      %add3A_828 = arith.addi %mul3A_826, %add3A_827 : i32
      %get3A = arith.index_cast %add3A_828 : i32 to index
      %get3A_829 = tpu.vector_load %arg6[%get3A] {strides = array<i32>} : memref<1280xi32, #tpu.memory_space<vmem>>, vector<16xi32>,
      %get3A_830 = vector.shape_cast %get3A_829 : vector<16xi32> to vector<16xi32>
      %mul3A_831 = arith.constant 2 : i32
      %mul3A_832 = vector.broadcast %mul3A_831 : i32 to vector<16xi32>
      %mul3A_833 = arith.muli %get3A_830, %mul3A_832 : vector<16xi32>
      %add3A_834 = vector.broadcast %arg0 : i32 to vector<16xi32>
      %add3A_835 = arith.addi %mul3A_833, %add3A_834 : vector<16xi32>
      %swap3A_836 = arith.constant 0 : index
      %swap3A_837 = tpu.vector_load %arg8[%swap3A_836] {strides = array<i32>} : memref<80xi32, #tpu.memory_space<vmem>>, vector<16xi32>,
      %swap3A_838 = vector.shape_cast %swap3A_837 : vector<16xi32> to vector<16xi32>
      %swap3A_839 = vector.shape_cast %add3A_835 : vector<16xi32> to vector<16xi32>
      tpu.vector_store %arg8[%swap3A_836], %swap3A_839 {strides = array<i32>} : memref<80xi32, #tpu.memory_space<vmem>>, vector<16xi32>,
      %add3A_840 = arith.constant 0 : i32
      %add3A_841 = arith.addi %mul3A_826, %add3A_840 : i32
      %get3A_842 = arith.index_cast %add3A_841 : i32 to index
      %get3A_843 = tpu.vector_load %arg7[%get3A_842] {strides = array<i32>} : memref<1280xi32, #tpu.memory_space<vmem>>, vector<16xi32>,
      %get3A_844 = vector.shape_cast %get3A_843 : vector<16xi32> to vector<16xi32>
      %swap3A_845 = arith.constant 0 : index
      %swap3A_846 = tpu.vector_load %arg11[%swap3A_845] {strides = array<i32>} : memref<80xi32, #tpu.memory_space<vmem>>, vector<16xi32>,
      %swap3A_847 = vector.shape_cast %swap3A_846 : vector<16xi32> to vector<16xi32>
      %swap3A_848 = vector.shape_cast %get3A_844 : vector<16xi32> to vector<16xi32>
      tpu.vector_store %arg11[%swap3A_845], %swap3A_848 {strides = array<i32>} : memref<80xi32, #tpu.memory_space<vmem>>, vector<16xi32>,
      %add3A_849 = arith.constant 16 : i32
      %add3A_850 = arith.addi %mul3A_826, %add3A_849 : i32
      %get3A_851 = arith.index_cast %add3A_850 : i32 to index
      %get3A_852 = tpu.vector_load %arg6[%get3A_851] {strides = array<i32>} : memref<1280xi32, #tpu.memory_space<vmem>>, vector<16xi32>,
      %get3A_853 = vector.shape_cast %get3A_852 : vector<16xi32> to vector<16xi32>
      %mul3A_854 = arith.constant 2 : i32
      %mul3A_855 = vector.broadcast %mul3A_854 : i32 to vector<16xi32>
      %mul3A_856 = arith.muli %get3A_853, %mul3A_855 : vector<16xi32>
      %add3A_857 = vector.broadcast %arg0 : i32 to vector<16xi32>
      %add3A_858 = arith.addi %mul3A_856, %add3A_857 : vector<16xi32>
      %swap3A_859 = arith.constant 16 : index
      %swap3A_860 = tpu.vector_load %arg8[%swap3A_859] {strides = array<i32>} : memref<80xi32, #tpu.memory_space<vmem>>, vector<16xi32>,
      %swap3A_861 = vector.shape_cast %swap3A_860 : vector<16xi32> to vector<16xi32>
      %swap3A_862 = vector.shape_cast %add3A_858 : vector<16xi32> to vector<16xi32>
      tpu.vector_store %arg8[%swap3A_859], %swap3A_862 {strides = array<i32>} : memref<80xi32, #tpu.memory_space<vmem>>, vector<16xi32>,
      %add3A_863 = arith.constant 16 : i32
      %add3A_864 = arith.addi %mul3A_826, %add3A_863 : i32
      %get3A_865 = arith.index_cast %add3A_864 : i32 to index
      %get3A_866 = tpu.vector_load %arg7[%get3A_865] {strides = array<i32>} : memref<1280xi32, #tpu.memory_space<vmem>>, vector<16xi32>,
      %get3A_867 = vector.shape_cast %get3A_866 : vector<16xi32> to vector<16xi32>
      %swap3A_868 = arith.constant 16 : index
      %swap3A_869 = tpu.vector_load %arg11[%swap3A_868] {strides = array<i32>} : memref<80xi32, #tpu.memory_space<vmem>>, vector<16xi32>,
      %swap3A_870 = vector.shape_cast %swap3A_869 : vector<16xi32> to vector<16xi32>
      %swap3A_871 = vector.shape_cast %get3A_867 : vector<16xi32> to vector<16xi32>
      tpu.vector_store %arg11[%swap3A_868], %swap3A_871 {strides = array<i32>} : memref<80xi32, #tpu.memory_space<vmem>>, vector<16xi32>,
      %add3A_872 = arith.constant 32 : i32
      %add3A_873 = arith.addi %mul3A_826, %add3A_872 : i32
      %get3A_874 = arith.index_cast %add3A_873 : i32 to index
      %get3A_875 = tpu.vector_load %arg6[%get3A_874] {strides = array<i32>} : memref<1280xi32, #tpu.memory_space<vmem>>, vector<16xi32>,
      %get3A_876 = vector.shape_cast %get3A_875 : vector<16xi32> to vector<16xi32>
      %mul3A_877 = arith.constant 2 : i32
      %mul3A_878 = vector.broadcast %mul3A_877 : i32 to vector<16xi32>
      %mul3A_879 = arith.muli %get3A_876, %mul3A_878 : vector<16xi32>
      %add3A_880 = vector.broadcast %arg0 : i32 to vector<16xi32>
      %add3A_881 = arith.addi %mul3A_879, %add3A_880 : vector<16xi32>
      %swap3A_882 = arith.constant 32 : index
      %swap3A_883 = tpu.vector_load %arg8[%swap3A_882] {strides = array<i32>} : memref<80xi32, #tpu.memory_space<vmem>>, vector<16xi32>,
      %swap3A_884 = vector.shape_cast %swap3A_883 : vector<16xi32> to vector<16xi32>
      %swap3A_885 = vector.shape_cast %add3A_881 : vector<16xi32> to vector<16xi32>
      tpu.vector_store %arg8[%swap3A_882], %swap3A_885 {strides = array<i32>} : memref<80xi32, #tpu.memory_space<vmem>>, vector<16xi32>,
      %add3A_886 = arith.constant 32 : i32
      %add3A_887 = arith.addi %mul3A_826, %add3A_886 : i32
      %get3A_888 = arith.index_cast %add3A_887 : i32 to index
      %get3A_889 = tpu.vector_load %arg7[%get3A_888] {strides = array<i32>} : memref<1280xi32, #tpu.memory_space<vmem>>, vector<16xi32>,
      %get3A_890 = vector.shape_cast %get3A_889 : vector<16xi32> to vector<16xi32>
      %swap3A_891 = arith.constant 32 : index
      %swap3A_892 = tpu.vector_load %arg11[%swap3A_891] {strides = array<i32>} : memref<80xi32, #tpu.memory_space<vmem>>, vector<16xi32>,
      %swap3A_893 = vector.shape_cast %swap3A_892 : vector<16xi32> to vector<16xi32>
      %swap3A_894 = vector.shape_cast %get3A_890 : vector<16xi32> to vector<16xi32>
      tpu.vector_store %arg11[%swap3A_891], %swap3A_894 {strides = array<i32>} : memref<80xi32, #tpu.memory_space<vmem>>, vector<16xi32>,
      %add3A_895 = arith.constant 48 : i32
      %add3A_896 = arith.addi %mul3A_826, %add3A_895 : i32
      %get3A_897 = arith.index_cast %add3A_896 : i32 to index
      %get3A_898 = tpu.vector_load %arg6[%get3A_897] {strides = array<i32>} : memref<1280xi32, #tpu.memory_space<vmem>>, vector<16xi32>,
      %get3A_899 = vector.shape_cast %get3A_898 : vector<16xi32> to vector<16xi32>
      %mul3A_900 = arith.constant 2 : i32
      %mul3A_901 = vector.broadcast %mul3A_900 : i32 to vector<16xi32>
      %mul3A_902 = arith.muli %get3A_899, %mul3A_901 : vector<16xi32>
      %add3A_903 = vector.broadcast %arg0 : i32 to vector<16xi32>
      %add3A_904 = arith.addi %mul3A_902, %add3A_903 : vector<16xi32>
      %swap3A_905 = arith.constant 48 : index
      %swap3A_906 = tpu.vector_load %arg8[%swap3A_905] {strides = array<i32>} : memref<80xi32, #tpu.memory_space<vmem>>, vector<16xi32>,
      %swap3A_907 = vector.shape_cast %swap3A_906 : vector<16xi32> to vector<16xi32>
      %swap3A_908 = vector.shape_cast %add3A_904 : vector<16xi32> to vector<16xi32>
      tpu.vector_store %arg8[%swap3A_905], %swap3A_908 {strides = array<i32>} : memref<80xi32, #tpu.memory_space<vmem>>, vector<16xi32>,
      %add3A_909 = arith.constant 48 : i32
      %add3A_910 = arith.addi %mul3A_826, %add3A_909 : i32
      %get3A_911 = arith.index_cast %add3A_910 : i32 to index
      %get3A_912 = tpu.vector_load %arg7[%get3A_911] {strides = array<i32>} : memref<1280xi32, #tpu.memory_space<vmem>>, vector<16xi32>,
      %get3A_913 = vector.shape_cast %get3A_912 : vector<16xi32> to vector<16xi32>
      %swap3A_914 = arith.constant 48 : index
      %swap3A_915 = tpu.vector_load %arg11[%swap3A_914] {strides = array<i32>} : memref<80xi32, #tpu.memory_space<vmem>>, vector<16xi32>,
      %swap3A_916 = vector.shape_cast %swap3A_915 : vector<16xi32> to vector<16xi32>
      %swap3A_917 = vector.shape_cast %get3A_913 : vector<16xi32> to vector<16xi32>
      tpu.vector_store %arg11[%swap3A_914], %swap3A_917 {strides = array<i32>} : memref<80xi32, #tpu.memory_space<vmem>>, vector<16xi32>,
      %add3A_918 = arith.constant 64 : i32
      %add3A_919 = arith.addi %mul3A_826, %add3A_918 : i32
      %get3A_920 = arith.index_cast %add3A_919 : i32 to index
      %get3A_921 = tpu.vector_load %arg6[%get3A_920] {strides = array<i32>} : memref<1280xi32, #tpu.memory_space<vmem>>, vector<16xi32>,
      %get3A_922 = vector.shape_cast %get3A_921 : vector<16xi32> to vector<16xi32>
      %mul3A_923 = arith.constant 2 : i32
      %mul3A_924 = vector.broadcast %mul3A_923 : i32 to vector<16xi32>
      %mul3A_925 = arith.muli %get3A_922, %mul3A_924 : vector<16xi32>
      %add3A_926 = vector.broadcast %arg0 : i32 to vector<16xi32>
      %add3A_927 = arith.addi %mul3A_925, %add3A_926 : vector<16xi32>
      %swap3A_928 = arith.constant 64 : index
      %swap3A_929 = tpu.vector_load %arg8[%swap3A_928] {strides = array<i32>} : memref<80xi32, #tpu.memory_space<vmem>>, vector<16xi32>,
      %swap3A_930 = vector.shape_cast %swap3A_929 : vector<16xi32> to vector<16xi32>
      %swap3A_931 = vector.shape_cast %add3A_927 : vector<16xi32> to vector<16xi32>
      tpu.vector_store %arg8[%swap3A_928], %swap3A_931 {strides = array<i32>} : memref<80xi32, #tpu.memory_space<vmem>>, vector<16xi32>,
      %add3A_932 = arith.constant 64 : i32
      %add3A_933 = arith.addi %mul3A_826, %add3A_932 : i32
      %get3A_934 = arith.index_cast %add3A_933 : i32 to index
      %get3A_935 = tpu.vector_load %arg7[%get3A_934] {strides = array<i32>} : memref<1280xi32, #tpu.memory_space<vmem>>, vector<16xi32>,
      %get3A_936 = vector.shape_cast %get3A_935 : vector<16xi32> to vector<16xi32>
      %swap3A_937 = arith.constant 64 : index
      %swap3A_938 = tpu.vector_load %arg11[%swap3A_937] {strides = array<i32>} : memref<80xi32, #tpu.memory_space<vmem>>, vector<16xi32>,
      %swap3A_939 = vector.shape_cast %swap3A_938 : vector<16xi32> to vector<16xi32>
      %swap3A_940 = vector.shape_cast %get3A_936 : vector<16xi32> to vector<16xi32>
      tpu.vector_store %arg11[%swap3A_937], %swap3A_940 {strides = array<i32>} : memref<80xi32, #tpu.memory_space<vmem>>, vector<16xi32>,
      %dma_start3A_941 = arith.constant 0 : i32
      %dma_start3A_942 = arith.constant 0 : i32
      %dma_start3A_943 = tpu.memref_slice %arg2[%dma_start3A_941, %dma_start3A_942] : memref<20000x144xf32, #tpu.memory_space<hbm>> -> memref<20000x144xf32, #tpu.memory_space<hbm>>
      tpu.enqueue_indirect_dma source(%dma_start3A_943 : memref<20000x144xf32, #tpu.memory_space<hbm>>) target(%arg14 : memref<80x144xf32, #tpu.memory_space<vmem>>) offsets(%arg8 : memref<80xi32, #tpu.memory_space<vmem>>) semaphore(%arg18 : memref<!tpu.dma_semaphore, #tpu.memory_space<semaphore_mem>>)
      %ge3A_944 = arith.constant 1 : i32
      %ge3A_945 = arith.cmpi sge, %scan3A_784, %ge3A_944 : i32
      %convert_element_type3A_946 = arith.extui %ge3A_945 : i1 to i32
      %cond3A_947 = arith.constant 0 : i32
      %cond3A_948 = arith.cmpi ne, %convert_element_type3A_946, %cond3A_947 : i32
      scf.if %cond3A_948 {
        %dma_wait3A_1293 = arith.constant 0 : i32
        %dma_wait3A_1294 = arith.constant 0 : i32
        %dma_wait3A_1295 = tpu.memref_slice %arg2[%dma_wait3A_1293, %dma_wait3A_1294] : memref<20000x144xf32, #tpu.memory_space<hbm>> -> memref<20000x144xf32, #tpu.memory_space<hbm>>
        tpu.wait_indirect_dma semaphore(%arg20 : memref<!tpu.dma_semaphore, #tpu.memory_space<semaphore_mem>>) src(%dma_wait3A_1295 : memref<20000x144xf32, #tpu.memory_space<hbm>>) dst(%arg16 : memref<80x144xf32, #tpu.memory_space<vmem>>)
        %dma_start3A_1296 = arith.constant 0 : i32
        %dma_start3A_1297 = arith.constant 0 : i32
        %dma_start3A_1298 = tpu.memref_slice %arg17[%dma_start3A_1296, %dma_start3A_1297] : memref<10240x144xf32, #tpu.memory_space<vmem_shared>> -> memref<10240x144xf32, #tpu.memory_space<vmem_shared>>
        tpu.enqueue_indirect_dma source(%arg16 : memref<80x144xf32, #tpu.memory_space<vmem>>) target(%dma_start3A_1298 : memref<10240x144xf32, #tpu.memory_space<vmem_shared>>) offsets(%arg13 : memref<80xi32, #tpu.memory_space<vmem>>) semaphore(%arg23 : memref<!tpu.dma_semaphore, #tpu.memory_space<semaphore_mem>>) {add = true}
      } else {
      }
      %mul3A_949 = arith.constant 3 : i32
      %mul3A_950 = arith.muli %scan3A_784, %mul3A_949 : i32
      %add3A_951 = arith.constant 1 : i32
      %add3A_952 = arith.addi %mul3A_950, %add3A_951 : i32
      %jit3A_953 = arith.constant 16 : i32
      %eq3A_954 = arith.constant 0 : i32
      %eq3A_955 = arith.cmpi eq, %jit3A_953, %eq3A_954 : i32
      %jit3A_956 = arith.constant 1 : i32
      %select_n3A_957 = arith.select %eq3A_955, %jit3A_956, %jit3A_953 : i32
      %rem3A_958 = arith.remsi %add3A_952, %select_n3A_957 : i32
      %ne3A_959 = arith.constant 0 : i32
      %ne3A_960 = arith.cmpi ne, %rem3A_958, %ne3A_959 : i32
      %lt3A_961 = arith.constant 0 : i32
      %lt3A_962 = arith.cmpi slt, %rem3A_958, %lt3A_961 : i32
      %lt3A_963 = arith.constant 0 : i32
      %lt3A_964 = arith.cmpi slt, %select_n3A_957, %lt3A_963 : i32
      %ne3A_965 = arith.xori %lt3A_962, %lt3A_964 : i1
      %and3A_966 = arith.andi %ne3A_965, %ne3A_960 : i1
      %add3A_967 = arith.addi %rem3A_958, %select_n3A_957 : i32
      %select_n3A_968 = arith.select %and3A_966, %add3A_967, %rem3A_958 : i32
      %eq3A_969 = arith.constant 0 : i32
      %eq3A_970 = arith.cmpi eq, %select_n3A_968, %eq3A_969 : i32
      %convert_element_type3A_971 = arith.extui %eq3A_970 : i1 to i32
      %cond3A_972 = arith.constant 0 : i32
      %cond3A_973 = arith.cmpi ne, %convert_element_type3A_971, %cond3A_972 : i32
      scf.if %cond3A_973 {
        %jit3A_1293 = arith.constant 16 : i32
        %div3A = arith.divsi %add3A_952, %jit3A_1293 : i32
        %sign3A = arith.constant 0 : i32
        %sign3A_1294 = arith.cmpi sgt, %add3A_952, %sign3A : i32
        %sign3A_1295 = arith.extui %sign3A_1294 : i1 to i32
        %sign3A_1296 = arith.constant 0 : i32
        %sign3A_1297 = arith.cmpi slt, %add3A_952, %sign3A_1296 : i32
        %sign3A_1298 = arith.extui %sign3A_1297 : i1 to i32
        %sign3A_1299 = arith.subi %sign3A_1295, %sign3A_1298 : i32
        %sign3A_1300 = arith.constant 0 : i32
        %sign3A_1301 = arith.cmpi sgt, %jit3A_1293, %sign3A_1300 : i32
        %sign3A_1302 = arith.extui %sign3A_1301 : i1 to i32
        %sign3A_1303 = arith.constant 0 : i32
        %sign3A_1304 = arith.cmpi slt, %jit3A_1293, %sign3A_1303 : i32
        %sign3A_1305 = arith.extui %sign3A_1304 : i1 to i32
        %sign3A_1306 = arith.subi %sign3A_1302, %sign3A_1305 : i32
        %ne3A_1307 = arith.cmpi ne, %sign3A_1299, %sign3A_1306 : i32
        %rem3A_1308 = arith.remsi %add3A_952, %jit3A_1293 : i32
        %ne3A_1309 = arith.constant 0 : i32
        %ne3A_1310 = arith.cmpi ne, %rem3A_1308, %ne3A_1309 : i32
        %and3A_1311 = arith.andi %ne3A_1307, %ne3A_1310 : i1
        %sub3A = arith.constant 1 : i32
        %sub3A_1312 = arith.subi %div3A, %sub3A : i32
        %select_n3A_1313 = arith.select %and3A_1311, %sub3A_1312, %div3A : i32
        %mul3A_1314 = arith.constant 1280 : i32
        %mul3A_1315 = arith.muli %select_n3A_1313, %mul3A_1314 : i32
        %add3A_1316 = arith.addi %mul3A_756, %mul3A_1315 : i32
        "tpu.region"() ({
          %run_scoped3A = tpu.sem_alloc : memref<!tpu.dma_semaphore, #tpu.memory_space<semaphore_mem>>
          %dma_start3A_1317 = tpu.memref_slice %arg3[%add3A_1316] : memref<323840xi32, #tpu.memory_space<hbm>> -> memref<1280xi32, #tpu.memory_space<hbm>>
          %dma_start3A_1318 = tpu.memref_slice %arg3[%add3A_1316] : memref<323840xi32, #tpu.memory_space<hbm>> -> memref<1280xi32, #tpu.memory_space<hbm>>
          tpu.enqueue_dma source(%dma_start3A_1318 : memref<1280xi32, #tpu.memory_space<hbm>>) target(%arg6 : memref<1280xi32, #tpu.memory_space<vmem>>) target_semaphore(%run_scoped3A : memref<!tpu.dma_semaphore, #tpu.memory_space<semaphore_mem>>)
          %dma_wait3A_1319 = tpu.memref_slice %arg3[%add3A_1316] : memref<323840xi32, #tpu.memory_space<hbm>> -> memref<1280xi32, #tpu.memory_space<hbm>>
          %dma_wait3A_1320 = tpu.memref_slice %arg3[%add3A_1316] : memref<323840xi32, #tpu.memory_space<hbm>> -> memref<1280xi32, #tpu.memory_space<hbm>>
          tpu.wait_dma2 semaphore(%run_scoped3A : memref<!tpu.dma_semaphore, #tpu.memory_space<semaphore_mem>>) src(%dma_wait3A_1320 : memref<1280xi32, #tpu.memory_space<hbm>>) dst(%arg6 : memref<1280xi32, #tpu.memory_space<vmem>>)
          tpu.yield
        }) : () -> ()
        "tpu.region"() ({
          %run_scoped3A = tpu.sem_alloc : memref<!tpu.dma_semaphore, #tpu.memory_space<semaphore_mem>>
          %dma_start3A_1317 = tpu.memref_slice %arg4[%add3A_1316] : memref<323840xi32, #tpu.memory_space<hbm>> -> memref<1280xi32, #tpu.memory_space<hbm>>
          %dma_start3A_1318 = tpu.memref_slice %arg4[%add3A_1316] : memref<323840xi32, #tpu.memory_space<hbm>> -> memref<1280xi32, #tpu.memory_space<hbm>>
          tpu.enqueue_dma source(%dma_start3A_1318 : memref<1280xi32, #tpu.memory_space<hbm>>) target(%arg7 : memref<1280xi32, #tpu.memory_space<vmem>>) target_semaphore(%run_scoped3A : memref<!tpu.dma_semaphore, #tpu.memory_space<semaphore_mem>>)
          %dma_wait3A_1319 = tpu.memref_slice %arg4[%add3A_1316] : memref<323840xi32, #tpu.memory_space<hbm>> -> memref<1280xi32, #tpu.memory_space<hbm>>
          %dma_wait3A_1320 = tpu.memref_slice %arg4[%add3A_1316] : memref<323840xi32, #tpu.memory_space<hbm>> -> memref<1280xi32, #tpu.memory_space<hbm>>
          tpu.wait_dma2 semaphore(%run_scoped3A : memref<!tpu.dma_semaphore, #tpu.memory_space<semaphore_mem>>) src(%dma_wait3A_1320 : memref<1280xi32, #tpu.memory_space<hbm>>) dst(%arg7 : memref<1280xi32, #tpu.memory_space<vmem>>)
          tpu.yield
        }) : () -> ()
      } else {
      }
      %ge3A_974 = arith.constant 1 : i32
      %ge3A_975 = arith.cmpi sge, %scan3A_784, %ge3A_974 : i32
      %convert_element_type3A_976 = arith.extui %ge3A_975 : i1 to i32
      %cond3A_977 = arith.constant 0 : i32
      %cond3A_978 = arith.cmpi ne, %convert_element_type3A_976, %cond3A_977 : i32
      scf.if %cond3A_978 {
        %dma_wait3A_1293 = arith.constant 0 : i32
        %dma_wait3A_1294 = arith.constant 0 : i32
        %dma_wait3A_1295 = tpu.memref_slice %arg17[%dma_wait3A_1293, %dma_wait3A_1294] : memref<10240x144xf32, #tpu.memory_space<vmem_shared>> -> memref<10240x144xf32, #tpu.memory_space<vmem_shared>>
        tpu.wait_indirect_dma semaphore(%arg22 : memref<!tpu.dma_semaphore, #tpu.memory_space<semaphore_mem>>) src(%arg15 : memref<80x144xf32, #tpu.memory_space<vmem>>) dst(%dma_wait3A_1295 : memref<10240x144xf32, #tpu.memory_space<vmem_shared>>)
      } else {
      }
      %jit3A_979 = arith.constant 16 : i32
      %eq3A_980 = arith.constant 0 : i32
      %eq3A_981 = arith.cmpi eq, %jit3A_979, %eq3A_980 : i32
      %jit3A_982 = arith.constant 1 : i32
      %select_n3A_983 = arith.select %eq3A_981, %jit3A_982, %jit3A_979 : i32
      %rem3A_984 = arith.remsi %add3A_952, %select_n3A_983 : i32
      %ne3A_985 = arith.constant 0 : i32
      %ne3A_986 = arith.cmpi ne, %rem3A_984, %ne3A_985 : i32
      %lt3A_987 = arith.constant 0 : i32
      %lt3A_988 = arith.cmpi slt, %rem3A_984, %lt3A_987 : i32
      %lt3A_989 = arith.constant 0 : i32
      %lt3A_990 = arith.cmpi slt, %select_n3A_983, %lt3A_989 : i32
      %ne3A_991 = arith.xori %lt3A_988, %lt3A_990 : i1
      %and3A_992 = arith.andi %ne3A_991, %ne3A_986 : i1
      %add3A_993 = arith.addi %rem3A_984, %select_n3A_983 : i32
      %select_n3A_994 = arith.select %and3A_992, %add3A_993, %rem3A_984 : i32
      %mul3A_995 = arith.constant 80 : i32
      %mul3A_996 = arith.muli %select_n3A_994, %mul3A_995 : i32
      %add3A_997 = arith.constant 0 : i32
      %add3A_998 = arith.addi %mul3A_996, %add3A_997 : i32
      %get3A_999 = arith.index_cast %add3A_998 : i32 to index
      %get3A_1000 = tpu.vector_load %arg6[%get3A_999] {strides = array<i32>} : memref<1280xi32, #tpu.memory_space<vmem>>, vector<16xi32>,
      %get3A_1001 = vector.shape_cast %get3A_1000 : vector<16xi32> to vector<16xi32>
      %mul3A_1002 = arith.constant 2 : i32
      %mul3A_1003 = vector.broadcast %mul3A_1002 : i32 to vector<16xi32>
      %mul3A_1004 = arith.muli %get3A_1001, %mul3A_1003 : vector<16xi32>
      %add3A_1005 = vector.broadcast %arg0 : i32 to vector<16xi32>
      %add3A_1006 = arith.addi %mul3A_1004, %add3A_1005 : vector<16xi32>
      %swap3A_1007 = arith.constant 0 : index
      %swap3A_1008 = tpu.vector_load %arg9[%swap3A_1007] {strides = array<i32>} : memref<80xi32, #tpu.memory_space<vmem>>, vector<16xi32>,
      %swap3A_1009 = vector.shape_cast %swap3A_1008 : vector<16xi32> to vector<16xi32>
      %swap3A_1010 = vector.shape_cast %add3A_1006 : vector<16xi32> to vector<16xi32>
      tpu.vector_store %arg9[%swap3A_1007], %swap3A_1010 {strides = array<i32>} : memref<80xi32, #tpu.memory_space<vmem>>, vector<16xi32>,
      %add3A_1011 = arith.constant 0 : i32
      %add3A_1012 = arith.addi %mul3A_996, %add3A_1011 : i32
      %get3A_1013 = arith.index_cast %add3A_1012 : i32 to index
      %get3A_1014 = tpu.vector_load %arg7[%get3A_1013] {strides = array<i32>} : memref<1280xi32, #tpu.memory_space<vmem>>, vector<16xi32>,
      %get3A_1015 = vector.shape_cast %get3A_1014 : vector<16xi32> to vector<16xi32>
      %swap3A_1016 = arith.constant 0 : index
      %swap3A_1017 = tpu.vector_load %arg12[%swap3A_1016] {strides = array<i32>} : memref<80xi32, #tpu.memory_space<vmem>>, vector<16xi32>,
      %swap3A_1018 = vector.shape_cast %swap3A_1017 : vector<16xi32> to vector<16xi32>
      %swap3A_1019 = vector.shape_cast %get3A_1015 : vector<16xi32> to vector<16xi32>
      tpu.vector_store %arg12[%swap3A_1016], %swap3A_1019 {strides = array<i32>} : memref<80xi32, #tpu.memory_space<vmem>>, vector<16xi32>,
      %add3A_1020 = arith.constant 16 : i32
      %add3A_1021 = arith.addi %mul3A_996, %add3A_1020 : i32
      %get3A_1022 = arith.index_cast %add3A_1021 : i32 to index
      %get3A_1023 = tpu.vector_load %arg6[%get3A_1022] {strides = array<i32>} : memref<1280xi32, #tpu.memory_space<vmem>>, vector<16xi32>,
      %get3A_1024 = vector.shape_cast %get3A_1023 : vector<16xi32> to vector<16xi32>
      %mul3A_1025 = arith.constant 2 : i32
      %mul3A_1026 = vector.broadcast %mul3A_1025 : i32 to vector<16xi32>
      %mul3A_1027 = arith.muli %get3A_1024, %mul3A_1026 : vector<16xi32>
      %add3A_1028 = vector.broadcast %arg0 : i32 to vector<16xi32>
      %add3A_1029 = arith.addi %mul3A_1027, %add3A_1028 : vector<16xi32>
      %swap3A_1030 = arith.constant 16 : index
      %swap3A_1031 = tpu.vector_load %arg9[%swap3A_1030] {strides = array<i32>} : memref<80xi32, #tpu.memory_space<vmem>>, vector<16xi32>,
      %swap3A_1032 = vector.shape_cast %swap3A_1031 : vector<16xi32> to vector<16xi32>
      %swap3A_1033 = vector.shape_cast %add3A_1029 : vector<16xi32> to vector<16xi32>
      tpu.vector_store %arg9[%swap3A_1030], %swap3A_1033 {strides = array<i32>} : memref<80xi32, #tpu.memory_space<vmem>>, vector<16xi32>,
      %add3A_1034 = arith.constant 16 : i32
      %add3A_1035 = arith.addi %mul3A_996, %add3A_1034 : i32
      %get3A_1036 = arith.index_cast %add3A_1035 : i32 to index
      %get3A_1037 = tpu.vector_load %arg7[%get3A_1036] {strides = array<i32>} : memref<1280xi32, #tpu.memory_space<vmem>>, vector<16xi32>,
      %get3A_1038 = vector.shape_cast %get3A_1037 : vector<16xi32> to vector<16xi32>
      %swap3A_1039 = arith.constant 16 : index
      %swap3A_1040 = tpu.vector_load %arg12[%swap3A_1039] {strides = array<i32>} : memref<80xi32, #tpu.memory_space<vmem>>, vector<16xi32>,
      %swap3A_1041 = vector.shape_cast %swap3A_1040 : vector<16xi32> to vector<16xi32>
      %swap3A_1042 = vector.shape_cast %get3A_1038 : vector<16xi32> to vector<16xi32>
      tpu.vector_store %arg12[%swap3A_1039], %swap3A_1042 {strides = array<i32>} : memref<80xi32, #tpu.memory_space<vmem>>, vector<16xi32>,
      %add3A_1043 = arith.constant 32 : i32
      %add3A_1044 = arith.addi %mul3A_996, %add3A_1043 : i32
      %get3A_1045 = arith.index_cast %add3A_1044 : i32 to index
      %get3A_1046 = tpu.vector_load %arg6[%get3A_1045] {strides = array<i32>} : memref<1280xi32, #tpu.memory_space<vmem>>, vector<16xi32>,
      %get3A_1047 = vector.shape_cast %get3A_1046 : vector<16xi32> to vector<16xi32>
      %mul3A_1048 = arith.constant 2 : i32
      %mul3A_1049 = vector.broadcast %mul3A_1048 : i32 to vector<16xi32>
      %mul3A_1050 = arith.muli %get3A_1047, %mul3A_1049 : vector<16xi32>
      %add3A_1051 = vector.broadcast %arg0 : i32 to vector<16xi32>
      %add3A_1052 = arith.addi %mul3A_1050, %add3A_1051 : vector<16xi32>
      %swap3A_1053 = arith.constant 32 : index
      %swap3A_1054 = tpu.vector_load %arg9[%swap3A_1053] {strides = array<i32>} : memref<80xi32, #tpu.memory_space<vmem>>, vector<16xi32>,
      %swap3A_1055 = vector.shape_cast %swap3A_1054 : vector<16xi32> to vector<16xi32>
      %swap3A_1056 = vector.shape_cast %add3A_1052 : vector<16xi32> to vector<16xi32>
      tpu.vector_store %arg9[%swap3A_1053], %swap3A_1056 {strides = array<i32>} : memref<80xi32, #tpu.memory_space<vmem>>, vector<16xi32>,
      %add3A_1057 = arith.constant 32 : i32
      %add3A_1058 = arith.addi %mul3A_996, %add3A_1057 : i32
      %get3A_1059 = arith.index_cast %add3A_1058 : i32 to index
      %get3A_1060 = tpu.vector_load %arg7[%get3A_1059] {strides = array<i32>} : memref<1280xi32, #tpu.memory_space<vmem>>, vector<16xi32>,
      %get3A_1061 = vector.shape_cast %get3A_1060 : vector<16xi32> to vector<16xi32>
      %swap3A_1062 = arith.constant 32 : index
      %swap3A_1063 = tpu.vector_load %arg12[%swap3A_1062] {strides = array<i32>} : memref<80xi32, #tpu.memory_space<vmem>>, vector<16xi32>,
      %swap3A_1064 = vector.shape_cast %swap3A_1063 : vector<16xi32> to vector<16xi32>
      %swap3A_1065 = vector.shape_cast %get3A_1061 : vector<16xi32> to vector<16xi32>
      tpu.vector_store %arg12[%swap3A_1062], %swap3A_1065 {strides = array<i32>} : memref<80xi32, #tpu.memory_space<vmem>>, vector<16xi32>,
      %add3A_1066 = arith.constant 48 : i32
      %add3A_1067 = arith.addi %mul3A_996, %add3A_1066 : i32
      %get3A_1068 = arith.index_cast %add3A_1067 : i32 to index
      %get3A_1069 = tpu.vector_load %arg6[%get3A_1068] {strides = array<i32>} : memref<1280xi32, #tpu.memory_space<vmem>>, vector<16xi32>,
      %get3A_1070 = vector.shape_cast %get3A_1069 : vector<16xi32> to vector<16xi32>
      %mul3A_1071 = arith.constant 2 : i32
      %mul3A_1072 = vector.broadcast %mul3A_1071 : i32 to vector<16xi32>
      %mul3A_1073 = arith.muli %get3A_1070, %mul3A_1072 : vector<16xi32>
      %add3A_1074 = vector.broadcast %arg0 : i32 to vector<16xi32>
      %add3A_1075 = arith.addi %mul3A_1073, %add3A_1074 : vector<16xi32>
      %swap3A_1076 = arith.constant 48 : index
      %swap3A_1077 = tpu.vector_load %arg9[%swap3A_1076] {strides = array<i32>} : memref<80xi32, #tpu.memory_space<vmem>>, vector<16xi32>,
      %swap3A_1078 = vector.shape_cast %swap3A_1077 : vector<16xi32> to vector<16xi32>
      %swap3A_1079 = vector.shape_cast %add3A_1075 : vector<16xi32> to vector<16xi32>
      tpu.vector_store %arg9[%swap3A_1076], %swap3A_1079 {strides = array<i32>} : memref<80xi32, #tpu.memory_space<vmem>>, vector<16xi32>,
      %add3A_1080 = arith.constant 48 : i32
      %add3A_1081 = arith.addi %mul3A_996, %add3A_1080 : i32
      %get3A_1082 = arith.index_cast %add3A_1081 : i32 to index
      %get3A_1083 = tpu.vector_load %arg7[%get3A_1082] {strides = array<i32>} : memref<1280xi32, #tpu.memory_space<vmem>>, vector<16xi32>,
      %get3A_1084 = vector.shape_cast %get3A_1083 : vector<16xi32> to vector<16xi32>
      %swap3A_1085 = arith.constant 48 : index
      %swap3A_1086 = tpu.vector_load %arg12[%swap3A_1085] {strides = array<i32>} : memref<80xi32, #tpu.memory_space<vmem>>, vector<16xi32>,
      %swap3A_1087 = vector.shape_cast %swap3A_1086 : vector<16xi32> to vector<16xi32>
      %swap3A_1088 = vector.shape_cast %get3A_1084 : vector<16xi32> to vector<16xi32>
      tpu.vector_store %arg12[%swap3A_1085], %swap3A_1088 {strides = array<i32>} : memref<80xi32, #tpu.memory_space<vmem>>, vector<16xi32>,
      %add3A_1089 = arith.constant 64 : i32
      %add3A_1090 = arith.addi %mul3A_996, %add3A_1089 : i32
      %get3A_1091 = arith.index_cast %add3A_1090 : i32 to index
      %get3A_1092 = tpu.vector_load %arg6[%get3A_1091] {strides = array<i32>} : memref<1280xi32, #tpu.memory_space<vmem>>, vector<16xi32>,
      %get3A_1093 = vector.shape_cast %get3A_1092 : vector<16xi32> to vector<16xi32>
      %mul3A_1094 = arith.constant 2 : i32
      %mul3A_1095 = vector.broadcast %mul3A_1094 : i32 to vector<16xi32>
      %mul3A_1096 = arith.muli %get3A_1093, %mul3A_1095 : vector<16xi32>
      %add3A_1097 = vector.broadcast %arg0 : i32 to vector<16xi32>
      %add3A_1098 = arith.addi %mul3A_1096, %add3A_1097 : vector<16xi32>
      %swap3A_1099 = arith.constant 64 : index
      %swap3A_1100 = tpu.vector_load %arg9[%swap3A_1099] {strides = array<i32>} : memref<80xi32, #tpu.memory_space<vmem>>, vector<16xi32>,
      %swap3A_1101 = vector.shape_cast %swap3A_1100 : vector<16xi32> to vector<16xi32>
      %swap3A_1102 = vector.shape_cast %add3A_1098 : vector<16xi32> to vector<16xi32>
      tpu.vector_store %arg9[%swap3A_1099], %swap3A_1102 {strides = array<i32>} : memref<80xi32, #tpu.memory_space<vmem>>, vector<16xi32>,
      %add3A_1103 = arith.constant 64 : i32
      %add3A_1104 = arith.addi %mul3A_996, %add3A_1103 : i32
      %get3A_1105 = arith.index_cast %add3A_1104 : i32 to index
      %get3A_1106 = tpu.vector_load %arg7[%get3A_1105] {strides = array<i32>} : memref<1280xi32, #tpu.memory_space<vmem>>, vector<16xi32>,
      %get3A_1107 = vector.shape_cast %get3A_1106 : vector<16xi32> to vector<16xi32>
      %swap3A_1108 = arith.constant 64 : index
      %swap3A_1109 = tpu.vector_load %arg12[%swap3A_1108] {strides = array<i32>} : memref<80xi32, #tpu.memory_space<vmem>>, vector<16xi32>,
      %swap3A_1110 = vector.shape_cast %swap3A_1109 : vector<16xi32> to vector<16xi32>
      %swap3A_1111 = vector.shape_cast %get3A_1107 : vector<16xi32> to vector<16xi32>
      tpu.vector_store %arg12[%swap3A_1108], %swap3A_1111 {strides = array<i32>} : memref<80xi32, #tpu.memory_space<vmem>>, vector<16xi32>,
      %dma_start3A_1112 = arith.constant 0 : i32
      %dma_start3A_1113 = arith.constant 0 : i32
      %dma_start3A_1114 = tpu.memref_slice %arg2[%dma_start3A_1112, %dma_start3A_1113] : memref<20000x144xf32, #tpu.memory_space<hbm>> -> memref<20000x144xf32, #tpu.memory_space<hbm>>
      tpu.enqueue_indirect_dma source(%dma_start3A_1114 : memref<20000x144xf32, #tpu.memory_space<hbm>>) target(%arg15 : memref<80x144xf32, #tpu.memory_space<vmem>>) offsets(%arg9 : memref<80xi32, #tpu.memory_space<vmem>>) semaphore(%arg19 : memref<!tpu.dma_semaphore, #tpu.memory_space<semaphore_mem>>)
      %dma_wait3A_1115 = arith.constant 0 : i32
      %dma_wait3A_1116 = arith.constant 0 : i32
      %dma_wait3A_1117 = tpu.memref_slice %arg2[%dma_wait3A_1115, %dma_wait3A_1116] : memref<20000x144xf32, #tpu.memory_space<hbm>> -> memref<20000x144xf32, #tpu.memory_space<hbm>>
      tpu.wait_indirect_dma semaphore(%arg18 : memref<!tpu.dma_semaphore, #tpu.memory_space<semaphore_mem>>) src(%dma_wait3A_1117 : memref<20000x144xf32, #tpu.memory_space<hbm>>) dst(%arg14 : memref<80x144xf32, #tpu.memory_space<vmem>>)
      %dma_start3A_1118 = arith.constant 0 : i32
      %dma_start3A_1119 = arith.constant 0 : i32
      %dma_start3A_1120 = tpu.memref_slice %arg17[%dma_start3A_1118, %dma_start3A_1119] : memref<10240x144xf32, #tpu.memory_space<vmem_shared>> -> memref<10240x144xf32, #tpu.memory_space<vmem_shared>>
      tpu.enqueue_indirect_dma source(%arg14 : memref<80x144xf32, #tpu.memory_space<vmem>>) target(%dma_start3A_1120 : memref<10240x144xf32, #tpu.memory_space<vmem_shared>>) offsets(%arg11 : memref<80xi32, #tpu.memory_space<vmem>>) semaphore(%arg21 : memref<!tpu.dma_semaphore, #tpu.memory_space<semaphore_mem>>) {add = true}
      %mul3A_1121 = arith.constant 3 : i32
      %mul3A_1122 = arith.muli %scan3A_784, %mul3A_1121 : i32
      %add3A_1123 = arith.constant 2 : i32
      %add3A_1124 = arith.addi %mul3A_1122, %add3A_1123 : i32
      %jit3A_1125 = arith.constant 16 : i32
      %eq3A_1126 = arith.constant 0 : i32
      %eq3A_1127 = arith.cmpi eq, %jit3A_1125, %eq3A_1126 : i32
      %jit3A_1128 = arith.constant 1 : i32
      %select_n3A_1129 = arith.select %eq3A_1127, %jit3A_1128, %jit3A_1125 : i32
      %rem3A_1130 = arith.remsi %add3A_1124, %select_n3A_1129 : i32
      %ne3A_1131 = arith.constant 0 : i32
      %ne3A_1132 = arith.cmpi ne, %rem3A_1130, %ne3A_1131 : i32
      %lt3A_1133 = arith.constant 0 : i32
      %lt3A_1134 = arith.cmpi slt, %rem3A_1130, %lt3A_1133 : i32
      %lt3A_1135 = arith.constant 0 : i32
      %lt3A_1136 = arith.cmpi slt, %select_n3A_1129, %lt3A_1135 : i32
      %ne3A_1137 = arith.xori %lt3A_1134, %lt3A_1136 : i1
      %and3A_1138 = arith.andi %ne3A_1137, %ne3A_1132 : i1
      %add3A_1139 = arith.addi %rem3A_1130, %select_n3A_1129 : i32
      %select_n3A_1140 = arith.select %and3A_1138, %add3A_1139, %rem3A_1130 : i32
      %eq3A_1141 = arith.constant 0 : i32
      %eq3A_1142 = arith.cmpi eq, %select_n3A_1140, %eq3A_1141 : i32
      %convert_element_type3A_1143 = arith.extui %eq3A_1142 : i1 to i32
      %cond3A_1144 = arith.constant 0 : i32
      %cond3A_1145 = arith.cmpi ne, %convert_element_type3A_1143, %cond3A_1144 : i32
      scf.if %cond3A_1145 {
        %jit3A_1293 = arith.constant 16 : i32
        %div3A = arith.divsi %add3A_1124, %jit3A_1293 : i32
        %sign3A = arith.constant 0 : i32
        %sign3A_1294 = arith.cmpi sgt, %add3A_1124, %sign3A : i32
        %sign3A_1295 = arith.extui %sign3A_1294 : i1 to i32
        %sign3A_1296 = arith.constant 0 : i32
        %sign3A_1297 = arith.cmpi slt, %add3A_1124, %sign3A_1296 : i32
        %sign3A_1298 = arith.extui %sign3A_1297 : i1 to i32
        %sign3A_1299 = arith.subi %sign3A_1295, %sign3A_1298 : i32
        %sign3A_1300 = arith.constant 0 : i32
        %sign3A_1301 = arith.cmpi sgt, %jit3A_1293, %sign3A_1300 : i32
        %sign3A_1302 = arith.extui %sign3A_1301 : i1 to i32
        %sign3A_1303 = arith.constant 0 : i32
        %sign3A_1304 = arith.cmpi slt, %jit3A_1293, %sign3A_1303 : i32
        %sign3A_1305 = arith.extui %sign3A_1304 : i1 to i32
        %sign3A_1306 = arith.subi %sign3A_1302, %sign3A_1305 : i32
        %ne3A_1307 = arith.cmpi ne, %sign3A_1299, %sign3A_1306 : i32
        %rem3A_1308 = arith.remsi %add3A_1124, %jit3A_1293 : i32
        %ne3A_1309 = arith.constant 0 : i32
        %ne3A_1310 = arith.cmpi ne, %rem3A_1308, %ne3A_1309 : i32
        %and3A_1311 = arith.andi %ne3A_1307, %ne3A_1310 : i1
        %sub3A = arith.constant 1 : i32
        %sub3A_1312 = arith.subi %div3A, %sub3A : i32
        %select_n3A_1313 = arith.select %and3A_1311, %sub3A_1312, %div3A : i32
        %mul3A_1314 = arith.constant 1280 : i32
        %mul3A_1315 = arith.muli %select_n3A_1313, %mul3A_1314 : i32
        %add3A_1316 = arith.addi %mul3A_756, %mul3A_1315 : i32
        "tpu.region"() ({
          %run_scoped3A = tpu.sem_alloc : memref<!tpu.dma_semaphore, #tpu.memory_space<semaphore_mem>>
          %dma_start3A_1317 = tpu.memref_slice %arg3[%add3A_1316] : memref<323840xi32, #tpu.memory_space<hbm>> -> memref<1280xi32, #tpu.memory_space<hbm>>
          %dma_start3A_1318 = tpu.memref_slice %arg3[%add3A_1316] : memref<323840xi32, #tpu.memory_space<hbm>> -> memref<1280xi32, #tpu.memory_space<hbm>>
          tpu.enqueue_dma source(%dma_start3A_1318 : memref<1280xi32, #tpu.memory_space<hbm>>) target(%arg6 : memref<1280xi32, #tpu.memory_space<vmem>>) target_semaphore(%run_scoped3A : memref<!tpu.dma_semaphore, #tpu.memory_space<semaphore_mem>>)
          %dma_wait3A_1319 = tpu.memref_slice %arg3[%add3A_1316] : memref<323840xi32, #tpu.memory_space<hbm>> -> memref<1280xi32, #tpu.memory_space<hbm>>
          %dma_wait3A_1320 = tpu.memref_slice %arg3[%add3A_1316] : memref<323840xi32, #tpu.memory_space<hbm>> -> memref<1280xi32, #tpu.memory_space<hbm>>
          tpu.wait_dma2 semaphore(%run_scoped3A : memref<!tpu.dma_semaphore, #tpu.memory_space<semaphore_mem>>) src(%dma_wait3A_1320 : memref<1280xi32, #tpu.memory_space<hbm>>) dst(%arg6 : memref<1280xi32, #tpu.memory_space<vmem>>)
          tpu.yield
        }) : () -> ()
        "tpu.region"() ({
          %run_scoped3A = tpu.sem_alloc : memref<!tpu.dma_semaphore, #tpu.memory_space<semaphore_mem>>
          %dma_start3A_1317 = tpu.memref_slice %arg4[%add3A_1316] : memref<323840xi32, #tpu.memory_space<hbm>> -> memref<1280xi32, #tpu.memory_space<hbm>>
          %dma_start3A_1318 = tpu.memref_slice %arg4[%add3A_1316] : memref<323840xi32, #tpu.memory_space<hbm>> -> memref<1280xi32, #tpu.memory_space<hbm>>
          tpu.enqueue_dma source(%dma_start3A_1318 : memref<1280xi32, #tpu.memory_space<hbm>>) target(%arg7 : memref<1280xi32, #tpu.memory_space<vmem>>) target_semaphore(%run_scoped3A : memref<!tpu.dma_semaphore, #tpu.memory_space<semaphore_mem>>)
          %dma_wait3A_1319 = tpu.memref_slice %arg4[%add3A_1316] : memref<323840xi32, #tpu.memory_space<hbm>> -> memref<1280xi32, #tpu.memory_space<hbm>>
          %dma_wait3A_1320 = tpu.memref_slice %arg4[%add3A_1316] : memref<323840xi32, #tpu.memory_space<hbm>> -> memref<1280xi32, #tpu.memory_space<hbm>>
          tpu.wait_dma2 semaphore(%run_scoped3A : memref<!tpu.dma_semaphore, #tpu.memory_space<semaphore_mem>>) src(%dma_wait3A_1320 : memref<1280xi32, #tpu.memory_space<hbm>>) dst(%arg7 : memref<1280xi32, #tpu.memory_space<vmem>>)
          tpu.yield
        }) : () -> ()
      } else {
      }
      %ge3A_1146 = arith.constant 1 : i32
      %ge3A_1147 = arith.cmpi sge, %scan3A_784, %ge3A_1146 : i32
      %convert_element_type3A_1148 = arith.extui %ge3A_1147 : i1 to i32
      %cond3A_1149 = arith.constant 0 : i32
      %cond3A_1150 = arith.cmpi ne, %convert_element_type3A_1148, %cond3A_1149 : i32
      scf.if %cond3A_1150 {
        %dma_wait3A_1293 = arith.constant 0 : i32
        %dma_wait3A_1294 = arith.constant 0 : i32
        %dma_wait3A_1295 = tpu.memref_slice %arg17[%dma_wait3A_1293, %dma_wait3A_1294] : memref<10240x144xf32, #tpu.memory_space<vmem_shared>> -> memref<10240x144xf32, #tpu.memory_space<vmem_shared>>
        tpu.wait_indirect_dma semaphore(%arg23 : memref<!tpu.dma_semaphore, #tpu.memory_space<semaphore_mem>>) src(%arg16 : memref<80x144xf32, #tpu.memory_space<vmem>>) dst(%dma_wait3A_1295 : memref<10240x144xf32, #tpu.memory_space<vmem_shared>>)
      } else {
      }
      %jit3A_1151 = arith.constant 16 : i32
      %eq3A_1152 = arith.constant 0 : i32
      %eq3A_1153 = arith.cmpi eq, %jit3A_1151, %eq3A_1152 : i32
      %jit3A_1154 = arith.constant 1 : i32
      %select_n3A_1155 = arith.select %eq3A_1153, %jit3A_1154, %jit3A_1151 : i32
      %rem3A_1156 = arith.remsi %add3A_1124, %select_n3A_1155 : i32
      %ne3A_1157 = arith.constant 0 : i32
      %ne3A_1158 = arith.cmpi ne, %rem3A_1156, %ne3A_1157 : i32
      %lt3A_1159 = arith.constant 0 : i32
      %lt3A_1160 = arith.cmpi slt, %rem3A_1156, %lt3A_1159 : i32
      %lt3A_1161 = arith.constant 0 : i32
      %lt3A_1162 = arith.cmpi slt, %select_n3A_1155, %lt3A_1161 : i32
      %ne3A_1163 = arith.xori %lt3A_1160, %lt3A_1162 : i1
      %and3A_1164 = arith.andi %ne3A_1163, %ne3A_1158 : i1
      %add3A_1165 = arith.addi %rem3A_1156, %select_n3A_1155 : i32
      %select_n3A_1166 = arith.select %and3A_1164, %add3A_1165, %rem3A_1156 : i32
      %mul3A_1167 = arith.constant 80 : i32
      %mul3A_1168 = arith.muli %select_n3A_1166, %mul3A_1167 : i32
      %add3A_1169 = arith.constant 0 : i32
      %add3A_1170 = arith.addi %mul3A_1168, %add3A_1169 : i32
      %get3A_1171 = arith.index_cast %add3A_1170 : i32 to index
      %get3A_1172 = tpu.vector_load %arg6[%get3A_1171] {strides = array<i32>} : memref<1280xi32, #tpu.memory_space<vmem>>, vector<16xi32>,
      %get3A_1173 = vector.shape_cast %get3A_1172 : vector<16xi32> to vector<16xi32>
      %mul3A_1174 = arith.constant 2 : i32
      %mul3A_1175 = vector.broadcast %mul3A_1174 : i32 to vector<16xi32>
      %mul3A_1176 = arith.muli %get3A_1173, %mul3A_1175 : vector<16xi32>
      %add3A_1177 = vector.broadcast %arg0 : i32 to vector<16xi32>
      %add3A_1178 = arith.addi %mul3A_1176, %add3A_1177 : vector<16xi32>
      %swap3A_1179 = arith.constant 0 : index
      %swap3A_1180 = tpu.vector_load %arg10[%swap3A_1179] {strides = array<i32>} : memref<80xi32, #tpu.memory_space<vmem>>, vector<16xi32>,
      %swap3A_1181 = vector.shape_cast %swap3A_1180 : vector<16xi32> to vector<16xi32>
      %swap3A_1182 = vector.shape_cast %add3A_1178 : vector<16xi32> to vector<16xi32>
      tpu.vector_store %arg10[%swap3A_1179], %swap3A_1182 {strides = array<i32>} : memref<80xi32, #tpu.memory_space<vmem>>, vector<16xi32>,
      %add3A_1183 = arith.constant 0 : i32
      %add3A_1184 = arith.addi %mul3A_1168, %add3A_1183 : i32
      %get3A_1185 = arith.index_cast %add3A_1184 : i32 to index
      %get3A_1186 = tpu.vector_load %arg7[%get3A_1185] {strides = array<i32>} : memref<1280xi32, #tpu.memory_space<vmem>>, vector<16xi32>,
      %get3A_1187 = vector.shape_cast %get3A_1186 : vector<16xi32> to vector<16xi32>
      %swap3A_1188 = arith.constant 0 : index
      %swap3A_1189 = tpu.vector_load %arg13[%swap3A_1188] {strides = array<i32>} : memref<80xi32, #tpu.memory_space<vmem>>, vector<16xi32>,
      %swap3A_1190 = vector.shape_cast %swap3A_1189 : vector<16xi32> to vector<16xi32>
      %swap3A_1191 = vector.shape_cast %get3A_1187 : vector<16xi32> to vector<16xi32>
      tpu.vector_store %arg13[%swap3A_1188], %swap3A_1191 {strides = array<i32>} : memref<80xi32, #tpu.memory_space<vmem>>, vector<16xi32>,
      %add3A_1192 = arith.constant 16 : i32
      %add3A_1193 = arith.addi %mul3A_1168, %add3A_1192 : i32
      %get3A_1194 = arith.index_cast %add3A_1193 : i32 to index
      %get3A_1195 = tpu.vector_load %arg6[%get3A_1194] {strides = array<i32>} : memref<1280xi32, #tpu.memory_space<vmem>>, vector<16xi32>,
      %get3A_1196 = vector.shape_cast %get3A_1195 : vector<16xi32> to vector<16xi32>
      %mul3A_1197 = arith.constant 2 : i32
      %mul3A_1198 = vector.broadcast %mul3A_1197 : i32 to vector<16xi32>
      %mul3A_1199 = arith.muli %get3A_1196, %mul3A_1198 : vector<16xi32>
      %add3A_1200 = vector.broadcast %arg0 : i32 to vector<16xi32>
      %add3A_1201 = arith.addi %mul3A_1199, %add3A_1200 : vector<16xi32>
      %swap3A_1202 = arith.constant 16 : index
      %swap3A_1203 = tpu.vector_load %arg10[%swap3A_1202] {strides = array<i32>} : memref<80xi32, #tpu.memory_space<vmem>>, vector<16xi32>,
      %swap3A_1204 = vector.shape_cast %swap3A_1203 : vector<16xi32> to vector<16xi32>
      %swap3A_1205 = vector.shape_cast %add3A_1201 : vector<16xi32> to vector<16xi32>
      tpu.vector_store %arg10[%swap3A_1202], %swap3A_1205 {strides = array<i32>} : memref<80xi32, #tpu.memory_space<vmem>>, vector<16xi32>,
      %add3A_1206 = arith.constant 16 : i32
      %add3A_1207 = arith.addi %mul3A_1168, %add3A_1206 : i32
      %get3A_1208 = arith.index_cast %add3A_1207 : i32 to index
      %get3A_1209 = tpu.vector_load %arg7[%get3A_1208] {strides = array<i32>} : memref<1280xi32, #tpu.memory_space<vmem>>, vector<16xi32>,
      %get3A_1210 = vector.shape_cast %get3A_1209 : vector<16xi32> to vector<16xi32>
      %swap3A_1211 = arith.constant 16 : index
      %swap3A_1212 = tpu.vector_load %arg13[%swap3A_1211] {strides = array<i32>} : memref<80xi32, #tpu.memory_space<vmem>>, vector<16xi32>,
      %swap3A_1213 = vector.shape_cast %swap3A_1212 : vector<16xi32> to vector<16xi32>
      %swap3A_1214 = vector.shape_cast %get3A_1210 : vector<16xi32> to vector<16xi32>
      tpu.vector_store %arg13[%swap3A_1211], %swap3A_1214 {strides = array<i32>} : memref<80xi32, #tpu.memory_space<vmem>>, vector<16xi32>,
      %add3A_1215 = arith.constant 32 : i32
      %add3A_1216 = arith.addi %mul3A_1168, %add3A_1215 : i32
      %get3A_1217 = arith.index_cast %add3A_1216 : i32 to index
      %get3A_1218 = tpu.vector_load %arg6[%get3A_1217] {strides = array<i32>} : memref<1280xi32, #tpu.memory_space<vmem>>, vector<16xi32>,
      %get3A_1219 = vector.shape_cast %get3A_1218 : vector<16xi32> to vector<16xi32>
      %mul3A_1220 = arith.constant 2 : i32
      %mul3A_1221 = vector.broadcast %mul3A_1220 : i32 to vector<16xi32>
      %mul3A_1222 = arith.muli %get3A_1219, %mul3A_1221 : vector<16xi32>
      %add3A_1223 = vector.broadcast %arg0 : i32 to vector<16xi32>
      %add3A_1224 = arith.addi %mul3A_1222, %add3A_1223 : vector<16xi32>
      %swap3A_1225 = arith.constant 32 : index
      %swap3A_1226 = tpu.vector_load %arg10[%swap3A_1225] {strides = array<i32>} : memref<80xi32, #tpu.memory_space<vmem>>, vector<16xi32>,
      %swap3A_1227 = vector.shape_cast %swap3A_1226 : vector<16xi32> to vector<16xi32>
      %swap3A_1228 = vector.shape_cast %add3A_1224 : vector<16xi32> to vector<16xi32>
      tpu.vector_store %arg10[%swap3A_1225], %swap3A_1228 {strides = array<i32>} : memref<80xi32, #tpu.memory_space<vmem>>, vector<16xi32>,
      %add3A_1229 = arith.constant 32 : i32
      %add3A_1230 = arith.addi %mul3A_1168, %add3A_1229 : i32
      %get3A_1231 = arith.index_cast %add3A_1230 : i32 to index
      %get3A_1232 = tpu.vector_load %arg7[%get3A_1231] {strides = array<i32>} : memref<1280xi32, #tpu.memory_space<vmem>>, vector<16xi32>,
      %get3A_1233 = vector.shape_cast %get3A_1232 : vector<16xi32> to vector<16xi32>
      %swap3A_1234 = arith.constant 32 : index
      %swap3A_1235 = tpu.vector_load %arg13[%swap3A_1234] {strides = array<i32>} : memref<80xi32, #tpu.memory_space<vmem>>, vector<16xi32>,
      %swap3A_1236 = vector.shape_cast %swap3A_1235 : vector<16xi32> to vector<16xi32>
      %swap3A_1237 = vector.shape_cast %get3A_1233 : vector<16xi32> to vector<16xi32>
      tpu.vector_store %arg13[%swap3A_1234], %swap3A_1237 {strides = array<i32>} : memref<80xi32, #tpu.memory_space<vmem>>, vector<16xi32>,
      %add3A_1238 = arith.constant 48 : i32
      %add3A_1239 = arith.addi %mul3A_1168, %add3A_1238 : i32
      %get3A_1240 = arith.index_cast %add3A_1239 : i32 to index
      %get3A_1241 = tpu.vector_load %arg6[%get3A_1240] {strides = array<i32>} : memref<1280xi32, #tpu.memory_space<vmem>>, vector<16xi32>,
      %get3A_1242 = vector.shape_cast %get3A_1241 : vector<16xi32> to vector<16xi32>
      %mul3A_1243 = arith.constant 2 : i32
      %mul3A_1244 = vector.broadcast %mul3A_1243 : i32 to vector<16xi32>
      %mul3A_1245 = arith.muli %get3A_1242, %mul3A_1244 : vector<16xi32>
      %add3A_1246 = vector.broadcast %arg0 : i32 to vector<16xi32>
      %add3A_1247 = arith.addi %mul3A_1245, %add3A_1246 : vector<16xi32>
      %swap3A_1248 = arith.constant 48 : index
      %swap3A_1249 = tpu.vector_load %arg10[%swap3A_1248] {strides = array<i32>} : memref<80xi32, #tpu.memory_space<vmem>>, vector<16xi32>,
      %swap3A_1250 = vector.shape_cast %swap3A_1249 : vector<16xi32> to vector<16xi32>
      %swap3A_1251 = vector.shape_cast %add3A_1247 : vector<16xi32> to vector<16xi32>
      tpu.vector_store %arg10[%swap3A_1248], %swap3A_1251 {strides = array<i32>} : memref<80xi32, #tpu.memory_space<vmem>>, vector<16xi32>,
      %add3A_1252 = arith.constant 48 : i32
      %add3A_1253 = arith.addi %mul3A_1168, %add3A_1252 : i32
      %get3A_1254 = arith.index_cast %add3A_1253 : i32 to index
      %get3A_1255 = tpu.vector_load %arg7[%get3A_1254] {strides = array<i32>} : memref<1280xi32, #tpu.memory_space<vmem>>, vector<16xi32>,
      %get3A_1256 = vector.shape_cast %get3A_1255 : vector<16xi32> to vector<16xi32>
      %swap3A_1257 = arith.constant 48 : index
      %swap3A_1258 = tpu.vector_load %arg13[%swap3A_1257] {strides = array<i32>} : memref<80xi32, #tpu.memory_space<vmem>>, vector<16xi32>,
      %swap3A_1259 = vector.shape_cast %swap3A_1258 : vector<16xi32> to vector<16xi32>
      %swap3A_1260 = vector.shape_cast %get3A_1256 : vector<16xi32> to vector<16xi32>
      tpu.vector_store %arg13[%swap3A_1257], %swap3A_1260 {strides = array<i32>} : memref<80xi32, #tpu.memory_space<vmem>>, vector<16xi32>,
      %add3A_1261 = arith.constant 64 : i32
      %add3A_1262 = arith.addi %mul3A_1168, %add3A_1261 : i32
      %get3A_1263 = arith.index_cast %add3A_1262 : i32 to index
      %get3A_1264 = tpu.vector_load %arg6[%get3A_1263] {strides = array<i32>} : memref<1280xi32, #tpu.memory_space<vmem>>, vector<16xi32>,
      %get3A_1265 = vector.shape_cast %get3A_1264 : vector<16xi32> to vector<16xi32>
      %mul3A_1266 = arith.constant 2 : i32
      %mul3A_1267 = vector.broadcast %mul3A_1266 : i32 to vector<16xi32>
      %mul3A_1268 = arith.muli %get3A_1265, %mul3A_1267 : vector<16xi32>
      %add3A_1269 = vector.broadcast %arg0 : i32 to vector<16xi32>
      %add3A_1270 = arith.addi %mul3A_1268, %add3A_1269 : vector<16xi32>
      %swap3A_1271 = arith.constant 64 : index
      %swap3A_1272 = tpu.vector_load %arg10[%swap3A_1271] {strides = array<i32>} : memref<80xi32, #tpu.memory_space<vmem>>, vector<16xi32>,
      %swap3A_1273 = vector.shape_cast %swap3A_1272 : vector<16xi32> to vector<16xi32>
      %swap3A_1274 = vector.shape_cast %add3A_1270 : vector<16xi32> to vector<16xi32>
      tpu.vector_store %arg10[%swap3A_1271], %swap3A_1274 {strides = array<i32>} : memref<80xi32, #tpu.memory_space<vmem>>, vector<16xi32>,
      %add3A_1275 = arith.constant 64 : i32
      %add3A_1276 = arith.addi %mul3A_1168, %add3A_1275 : i32
      %get3A_1277 = arith.index_cast %add3A_1276 : i32 to index
      %get3A_1278 = tpu.vector_load %arg7[%get3A_1277] {strides = array<i32>} : memref<1280xi32, #tpu.memory_space<vmem>>, vector<16xi32>,
      %get3A_1279 = vector.shape_cast %get3A_1278 : vector<16xi32> to vector<16xi32>
      %swap3A_1280 = arith.constant 64 : index
      %swap3A_1281 = tpu.vector_load %arg13[%swap3A_1280] {strides = array<i32>} : memref<80xi32, #tpu.memory_space<vmem>>, vector<16xi32>,
      %swap3A_1282 = vector.shape_cast %swap3A_1281 : vector<16xi32> to vector<16xi32>
      %swap3A_1283 = vector.shape_cast %get3A_1279 : vector<16xi32> to vector<16xi32>
      tpu.vector_store %arg13[%swap3A_1280], %swap3A_1283 {strides = array<i32>} : memref<80xi32, #tpu.memory_space<vmem>>, vector<16xi32>,
      %dma_start3A_1284 = arith.constant 0 : i32
      %dma_start3A_1285 = arith.constant 0 : i32
      %dma_start3A_1286 = tpu.memref_slice %arg2[%dma_start3A_1284, %dma_start3A_1285] : memref<20000x144xf32, #tpu.memory_space<hbm>> -> memref<20000x144xf32, #tpu.memory_space<hbm>>
      tpu.enqueue_indirect_dma source(%dma_start3A_1286 : memref<20000x144xf32, #tpu.memory_space<hbm>>) target(%arg16 : memref<80x144xf32, #tpu.memory_space<vmem>>) offsets(%arg10 : memref<80xi32, #tpu.memory_space<vmem>>) semaphore(%arg20 : memref<!tpu.dma_semaphore, #tpu.memory_space<semaphore_mem>>)
      %dma_wait3A_1287 = arith.constant 0 : i32
      %dma_wait3A_1288 = arith.constant 0 : i32
      %dma_wait3A_1289 = tpu.memref_slice %arg2[%dma_wait3A_1287, %dma_wait3A_1288] : memref<20000x144xf32, #tpu.memory_space<hbm>> -> memref<20000x144xf32, #tpu.memory_space<hbm>>
      tpu.wait_indirect_dma semaphore(%arg19 : memref<!tpu.dma_semaphore, #tpu.memory_space<semaphore_mem>>) src(%dma_wait3A_1289 : memref<20000x144xf32, #tpu.memory_space<hbm>>) dst(%arg15 : memref<80x144xf32, #tpu.memory_space<vmem>>)
      %dma_start3A_1290 = arith.constant 0 : i32
      %dma_start3A_1291 = arith.constant 0 : i32
      %dma_start3A_1292 = tpu.memref_slice %arg17[%dma_start3A_1290, %dma_start3A_1291] : memref<10240x144xf32, #tpu.memory_space<vmem_shared>> -> memref<10240x144xf32, #tpu.memory_space<vmem_shared>>
      tpu.enqueue_indirect_dma source(%arg15 : memref<80x144xf32, #tpu.memory_space<vmem>>) target(%dma_start3A_1292 : memref<10240x144xf32, #tpu.memory_space<vmem_shared>>) offsets(%arg12 : memref<80xi32, #tpu.memory_space<vmem>>) semaphore(%arg22 : memref<!tpu.dma_semaphore, #tpu.memory_space<semaphore_mem>>) {add = true}
    }
    %scan3A_761 = arith.constant 84 : i32
    %dma_wait3A_762 = arith.constant 0 : i32
    %dma_wait3A_763 = arith.constant 0 : i32
    %dma_wait3A_764 = tpu.memref_slice %arg2[%dma_wait3A_762, %dma_wait3A_763] : memref<20000x144xf32, #tpu.memory_space<hbm>> -> memref<20000x144xf32, #tpu.memory_space<hbm>>
    tpu.wait_indirect_dma semaphore(%arg20 : memref<!tpu.dma_semaphore, #tpu.memory_space<semaphore_mem>>) src(%dma_wait3A_764 : memref<20000x144xf32, #tpu.memory_space<hbm>>) dst(%arg16 : memref<80x144xf32, #tpu.memory_space<vmem>>)
    %dma_start3A_765 = arith.constant 0 : i32
    %dma_start3A_766 = arith.constant 0 : i32
    %dma_start3A_767 = tpu.memref_slice %arg17[%dma_start3A_765, %dma_start3A_766] : memref<10240x144xf32, #tpu.memory_space<vmem_shared>> -> memref<10240x144xf32, #tpu.memory_space<vmem_shared>>
    tpu.enqueue_indirect_dma source(%arg16 : memref<80x144xf32, #tpu.memory_space<vmem>>) target(%dma_start3A_767 : memref<10240x144xf32, #tpu.memory_space<vmem_shared>>) offsets(%arg13 : memref<80xi32, #tpu.memory_space<vmem>>) semaphore(%arg23 : memref<!tpu.dma_semaphore, #tpu.memory_space<semaphore_mem>>) {add = true}
    %dma_wait3A_768 = arith.constant 0 : i32
    %dma_wait3A_769 = arith.constant 0 : i32
    %dma_wait3A_770 = tpu.memref_slice %arg17[%dma_wait3A_768, %dma_wait3A_769] : memref<10240x144xf32, #tpu.memory_space<vmem_shared>> -> memref<10240x144xf32, #tpu.memory_space<vmem_shared>>
    tpu.wait_indirect_dma semaphore(%arg21 : memref<!tpu.dma_semaphore, #tpu.memory_space<semaphore_mem>>) src(%arg14 : memref<80x144xf32, #tpu.memory_space<vmem>>) dst(%dma_wait3A_770 : memref<10240x144xf32, #tpu.memory_space<vmem_shared>>)
    %dma_wait3A_771 = arith.constant 0 : i32
    %dma_wait3A_772 = arith.constant 0 : i32
    %dma_wait3A_773 = tpu.memref_slice %arg17[%dma_wait3A_771, %dma_wait3A_772] : memref<10240x144xf32, #tpu.memory_space<vmem_shared>> -> memref<10240x144xf32, #tpu.memory_space<vmem_shared>>
    tpu.wait_indirect_dma semaphore(%arg22 : memref<!tpu.dma_semaphore, #tpu.memory_space<semaphore_mem>>) src(%arg15 : memref<80x144xf32, #tpu.memory_space<vmem>>) dst(%dma_wait3A_773 : memref<10240x144xf32, #tpu.memory_space<vmem_shared>>)
    %dma_wait3A_774 = arith.constant 0 : i32
    %dma_wait3A_775 = arith.constant 0 : i32
    %dma_wait3A_776 = tpu.memref_slice %arg17[%dma_wait3A_774, %dma_wait3A_775] : memref<10240x144xf32, #tpu.memory_space<vmem_shared>> -> memref<10240x144xf32, #tpu.memory_space<vmem_shared>>
    tpu.wait_indirect_dma semaphore(%arg23 : memref<!tpu.dma_semaphore, #tpu.memory_space<semaphore_mem>>) src(%arg16 : memref<80x144xf32, #tpu.memory_space<vmem>>) dst(%dma_wait3A_776 : memref<10240x144xf32, #tpu.memory_space<vmem_shared>>)
    %barrier3A_777 = arith.constant 0 : index
    tpu.barrier barrier_id(%barrier3A_777)
    %lt3A = arith.constant 15 : i32
    %lt3A_778 = arith.cmpi slt, %arg1, %lt3A : i32
    %convert_element_type3A = arith.extui %lt3A_778 : i1 to i32
    %cond3A = arith.constant 0 : i32
    %cond3A_779 = arith.cmpi ne, %convert_element_type3A, %cond3A : i32
    scf.if %cond3A_779 {
      %mul3A_784 = arith.constant 640 : i32
      %mul3A_785 = arith.muli %arg1, %mul3A_784 : i32
      %mul3A_786 = arith.constant 640 : i32
      %mul3A_787 = arith.muli %arg1, %mul3A_786 : i32
      "tpu.region"() ({
        %run_scoped3A = tpu.sem_alloc : memref<!tpu.dma_semaphore, #tpu.memory_space<semaphore_mem>>
        %dma_start3A_788 = arith.constant 0 : i32
        %dma_start3A_789 = tpu.memref_slice %arg5[%arg0, %mul3A_787, %dma_start3A_788] : memref<2x10240x144xf32, #tpu.memory_space<hbm>> -> memref<1x640x144xf32, #tpu.memory_space<hbm>>
        %dma_start3A_790 = tpu.memref_squeeze %dma_start3A_789 : memref<1x640x144xf32, #tpu.memory_space<hbm>> -> memref<640x144xf32, #tpu.memory_space<hbm>>
        %dma_start3A_791 = arith.constant 0 : i32
        %dma_start3A_792 = tpu.memref_slice %arg17[%mul3A_785, %dma_start3A_791] : memref<10240x144xf32, #tpu.memory_space<vmem_shared>> -> memref<640x144xf32, #tpu.memory_space<vmem_shared>>
        tpu.enqueue_dma source(%dma_start3A_792 : memref<640x144xf32, #tpu.memory_space<vmem_shared>>) target(%dma_start3A_790 : memref<640x144xf32, #tpu.memory_space<hbm>>) target_semaphore(%run_scoped3A : memref<!tpu.dma_semaphore, #tpu.memory_space<semaphore_mem>>)
        %dma_wait3A_793 = arith.constant 0 : i32
        %dma_wait3A_794 = tpu.memref_slice %arg5[%arg0, %mul3A_787, %dma_wait3A_793] : memref<2x10240x144xf32, #tpu.memory_space<hbm>> -> memref<1x640x144xf32, #tpu.memory_space<hbm>>
        %dma_wait3A_795 = tpu.memref_squeeze %dma_wait3A_794 : memref<1x640x144xf32, #tpu.memory_space<hbm>> -> memref<640x144xf32, #tpu.memory_space<hbm>>
        %dma_wait3A_796 = arith.constant 0 : i32
        %dma_wait3A_797 = tpu.memref_slice %arg17[%mul3A_785, %dma_wait3A_796] : memref<10240x144xf32, #tpu.memory_space<vmem_shared>> -> memref<640x144xf32, #tpu.memory_space<vmem_shared>>
        tpu.wait_dma2 semaphore(%run_scoped3A : memref<!tpu.dma_semaphore, #tpu.memory_space<semaphore_mem>>) src(%dma_wait3A_797 : memref<640x144xf32, #tpu.memory_space<vmem_shared>>) dst(%dma_wait3A_795 : memref<640x144xf32, #tpu.memory_space<hbm>>)
        tpu.yield
      }) : () -> ()
    } else {
    }
    %eq3A = arith.constant 15 : i32
    %eq3A_780 = arith.cmpi eq, %arg1, %eq3A : i32
    %convert_element_type3A_781 = arith.extui %eq3A_780 : i1 to i32
    %cond3A_782 = arith.constant 0 : i32
    %cond3A_783 = arith.cmpi ne, %convert_element_type3A_781, %cond3A_782 : i32
    scf.if %cond3A_783 {
      "tpu.region"() ({
        %run_scoped3A = tpu.sem_alloc : memref<!tpu.dma_semaphore, #tpu.memory_space<semaphore_mem>>
        %dma_start3A_784 = arith.constant 9600 : i32
        %dma_start3A_785 = arith.constant 0 : i32
        %dma_start3A_786 = tpu.memref_slice %arg5[%arg0, %dma_start3A_784, %dma_start3A_785] : memref<2x10240x144xf32, #tpu.memory_space<hbm>> -> memref<1x400x144xf32, #tpu.memory_space<hbm>>
        %dma_start3A_787 = tpu.memref_squeeze %dma_start3A_786 : memref<1x400x144xf32, #tpu.memory_space<hbm>> -> memref<400x144xf32, #tpu.memory_space<hbm>>
        %dma_start3A_788 = arith.constant 9600 : i32
        %dma_start3A_789 = arith.constant 0 : i32
        %dma_start3A_790 = tpu.memref_slice %arg17[%dma_start3A_788, %dma_start3A_789] : memref<10240x144xf32, #tpu.memory_space<vmem_shared>> -> memref<400x144xf32, #tpu.memory_space<vmem_shared>>
        tpu.enqueue_dma source(%dma_start3A_790 : memref<400x144xf32, #tpu.memory_space<vmem_shared>>) target(%dma_start3A_787 : memref<400x144xf32, #tpu.memory_space<hbm>>) target_semaphore(%run_scoped3A : memref<!tpu.dma_semaphore, #tpu.memory_space<semaphore_mem>>)
        %dma_wait3A_791 = arith.constant 9600 : i32
        %dma_wait3A_792 = arith.constant 0 : i32
        %dma_wait3A_793 = tpu.memref_slice %arg5[%arg0, %dma_wait3A_791, %dma_wait3A_792] : memref<2x10240x144xf32, #tpu.memory_space<hbm>> -> memref<1x400x144xf32, #tpu.memory_space<hbm>>
        %dma_wait3A_794 = tpu.memref_squeeze %dma_wait3A_793 : memref<1x400x144xf32, #tpu.memory_space<hbm>> -> memref<400x144xf32, #tpu.memory_space<hbm>>
        %dma_wait3A_795 = arith.constant 9600 : i32
        %dma_wait3A_796 = arith.constant 0 : i32
        %dma_wait3A_797 = tpu.memref_slice %arg17[%dma_wait3A_795, %dma_wait3A_796] : memref<10240x144xf32, #tpu.memory_space<vmem_shared>> -> memref<400x144xf32, #tpu.memory_space<vmem_shared>>
        tpu.wait_dma2 semaphore(%run_scoped3A : memref<!tpu.dma_semaphore, #tpu.memory_space<semaphore_mem>>) src(%dma_wait3A_797 : memref<400x144xf32, #tpu.memory_space<vmem_shared>>) dst(%dma_wait3A_794 : memref<400x144xf32, #tpu.memory_space<hbm>>)
        tpu.yield
      }) : () -> ()
    } else {
    }
    return
  }
}

#map = affine_map<(d0, d1) -> (0)>
#map1 = affine_map<(d0, d1) -> (0, 0)>
module attributes {stable_mosaic.version = 14 : i64} {
  func.func @_deg_body(%arg0: i32, %arg1: i32, %arg2: memref<323840xi32, #tpu.memory_space<hbm>>, %arg3: memref<2x10240xf32, #tpu.memory_space<hbm>>, %arg4: memref<10080xi32, #tpu.memory_space<vmem>>, %arg5: memref<80xi32, #tpu.memory_space<vmem>>, %arg6: memref<80xf32, #tpu.memory_space<vmem>>, %arg7: memref<640xf32, #tpu.memory_space<vmem>>, %arg8: memref<10240xf32, #tpu.memory_space<vmem_shared>>) attributes {dimension_semantics = [#tpu.dimension_semantics<core_parallel>, #tpu.dimension_semantics<subcore_parallel>], iteration_bounds = array<i64: 2, 16>, scalar_prefetch = 0 : i64, scratch_operands = 5 : i64, tpu.core_type = #tpu.core_type<sc_vector_subcore>, window_params = [{transform_indices = #map}, {transform_indices = #map1}]} {
    %mul3A = arith.constant 2 : i32
    %mul3A_0 = arith.muli %arg1, %mul3A : i32
    %add3A = arith.addi %mul3A_0, %arg0 : i32
    %mul3A_1 = arith.constant 10080 : i32
    %mul3A_2 = arith.muli %add3A, %mul3A_1 : i32
    "tpu.region"() ({
      %run_scoped3A = tpu.sem_alloc : memref<!tpu.dma_semaphore, #tpu.memory_space<semaphore_mem>>
      %dma_start3A = tpu.memref_slice %arg2[%mul3A_2] : memref<323840xi32, #tpu.memory_space<hbm>> -> memref<10080xi32, #tpu.memory_space<hbm>>
      %dma_start3A_283 = tpu.memref_slice %arg2[%mul3A_2] : memref<323840xi32, #tpu.memory_space<hbm>> -> memref<10080xi32, #tpu.memory_space<hbm>>
      tpu.enqueue_dma source(%dma_start3A_283 : memref<10080xi32, #tpu.memory_space<hbm>>) target(%arg4 : memref<10080xi32, #tpu.memory_space<vmem>>) target_semaphore(%run_scoped3A : memref<!tpu.dma_semaphore, #tpu.memory_space<semaphore_mem>>)
      %dma_wait3A = tpu.memref_slice %arg2[%mul3A_2] : memref<323840xi32, #tpu.memory_space<hbm>> -> memref<10080xi32, #tpu.memory_space<hbm>>
      %dma_wait3A_284 = tpu.memref_slice %arg2[%mul3A_2] : memref<323840xi32, #tpu.memory_space<hbm>> -> memref<10080xi32, #tpu.memory_space<hbm>>
      tpu.wait_dma2 semaphore(%run_scoped3A : memref<!tpu.dma_semaphore, #tpu.memory_space<semaphore_mem>>) src(%dma_wait3A_284 : memref<10080xi32, #tpu.memory_space<hbm>>) dst(%arg4 : memref<10080xi32, #tpu.memory_space<vmem>>)
      tpu.yield
    }) : () -> ()
    %broadcast_in_dim3A = arith.constant 1.000000e+00 : f32
    %broadcast_in_dim3A_3 = vector.broadcast %broadcast_in_dim3A : f32 to vector<16xf32>
    %swap3A = arith.constant 0 : index
    %swap3A_4 = tpu.vector_load %arg6[%swap3A] {strides = array<i32>} : memref<80xf32, #tpu.memory_space<vmem>>, vector<16xf32>,
    %swap3A_5 = vector.shape_cast %swap3A_4 : vector<16xf32> to vector<16xf32>
    %swap3A_6 = vector.shape_cast %broadcast_in_dim3A_3 : vector<16xf32> to vector<16xf32>
    tpu.vector_store %arg6[%swap3A], %swap3A_6 {strides = array<i32>} : memref<80xf32, #tpu.memory_space<vmem>>, vector<16xf32>,
    %broadcast_in_dim3A_7 = arith.constant 1.000000e+00 : f32
    %broadcast_in_dim3A_8 = vector.broadcast %broadcast_in_dim3A_7 : f32 to vector<16xf32>
    %swap3A_9 = arith.constant 16 : index
    %swap3A_10 = tpu.vector_load %arg6[%swap3A_9] {strides = array<i32>} : memref<80xf32, #tpu.memory_space<vmem>>, vector<16xf32>,
    %swap3A_11 = vector.shape_cast %swap3A_10 : vector<16xf32> to vector<16xf32>
    %swap3A_12 = vector.shape_cast %broadcast_in_dim3A_8 : vector<16xf32> to vector<16xf32>
    tpu.vector_store %arg6[%swap3A_9], %swap3A_12 {strides = array<i32>} : memref<80xf32, #tpu.memory_space<vmem>>, vector<16xf32>,
    %broadcast_in_dim3A_13 = arith.constant 1.000000e+00 : f32
    %broadcast_in_dim3A_14 = vector.broadcast %broadcast_in_dim3A_13 : f32 to vector<16xf32>
    %swap3A_15 = arith.constant 32 : index
    %swap3A_16 = tpu.vector_load %arg6[%swap3A_15] {strides = array<i32>} : memref<80xf32, #tpu.memory_space<vmem>>, vector<16xf32>,
    %swap3A_17 = vector.shape_cast %swap3A_16 : vector<16xf32> to vector<16xf32>
    %swap3A_18 = vector.shape_cast %broadcast_in_dim3A_14 : vector<16xf32> to vector<16xf32>
    tpu.vector_store %arg6[%swap3A_15], %swap3A_18 {strides = array<i32>} : memref<80xf32, #tpu.memory_space<vmem>>, vector<16xf32>,
    %broadcast_in_dim3A_19 = arith.constant 1.000000e+00 : f32
    %broadcast_in_dim3A_20 = vector.broadcast %broadcast_in_dim3A_19 : f32 to vector<16xf32>
    %swap3A_21 = arith.constant 48 : index
    %swap3A_22 = tpu.vector_load %arg6[%swap3A_21] {strides = array<i32>} : memref<80xf32, #tpu.memory_space<vmem>>, vector<16xf32>,
    %swap3A_23 = vector.shape_cast %swap3A_22 : vector<16xf32> to vector<16xf32>
    %swap3A_24 = vector.shape_cast %broadcast_in_dim3A_20 : vector<16xf32> to vector<16xf32>
    tpu.vector_store %arg6[%swap3A_21], %swap3A_24 {strides = array<i32>} : memref<80xf32, #tpu.memory_space<vmem>>, vector<16xf32>,
    %broadcast_in_dim3A_25 = arith.constant 1.000000e+00 : f32
    %broadcast_in_dim3A_26 = vector.broadcast %broadcast_in_dim3A_25 : f32 to vector<16xf32>
    %swap3A_27 = arith.constant 64 : index
    %swap3A_28 = tpu.vector_load %arg6[%swap3A_27] {strides = array<i32>} : memref<80xf32, #tpu.memory_space<vmem>>, vector<16xf32>,
    %swap3A_29 = vector.shape_cast %swap3A_28 : vector<16xf32> to vector<16xf32>
    %swap3A_30 = vector.shape_cast %broadcast_in_dim3A_26 : vector<16xf32> to vector<16xf32>
    tpu.vector_store %arg6[%swap3A_27], %swap3A_30 {strides = array<i32>} : memref<80xf32, #tpu.memory_space<vmem>>, vector<16xf32>,
    %broadcast_in_dim3A_31 = arith.constant 0.000000e+00 : f32
    %broadcast_in_dim3A_32 = vector.broadcast %broadcast_in_dim3A_31 : f32 to vector<16xf32>
    %swap3A_33 = arith.constant 0 : index
    %swap3A_34 = tpu.vector_load %arg7[%swap3A_33] {strides = array<i32>} : memref<640xf32, #tpu.memory_space<vmem>>, vector<16xf32>,
    %swap3A_35 = vector.shape_cast %swap3A_34 : vector<16xf32> to vector<16xf32>
    %swap3A_36 = vector.shape_cast %broadcast_in_dim3A_32 : vector<16xf32> to vector<16xf32>
    tpu.vector_store %arg7[%swap3A_33], %swap3A_36 {strides = array<i32>} : memref<640xf32, #tpu.memory_space<vmem>>, vector<16xf32>,
    %broadcast_in_dim3A_37 = arith.constant 0.000000e+00 : f32
    %broadcast_in_dim3A_38 = vector.broadcast %broadcast_in_dim3A_37 : f32 to vector<16xf32>
    %swap3A_39 = arith.constant 16 : index
    %swap3A_40 = tpu.vector_load %arg7[%swap3A_39] {strides = array<i32>} : memref<640xf32, #tpu.memory_space<vmem>>, vector<16xf32>,
    %swap3A_41 = vector.shape_cast %swap3A_40 : vector<16xf32> to vector<16xf32>
    %swap3A_42 = vector.shape_cast %broadcast_in_dim3A_38 : vector<16xf32> to vector<16xf32>
    tpu.vector_store %arg7[%swap3A_39], %swap3A_42 {strides = array<i32>} : memref<640xf32, #tpu.memory_space<vmem>>, vector<16xf32>,
    %broadcast_in_dim3A_43 = arith.constant 0.000000e+00 : f32
    %broadcast_in_dim3A_44 = vector.broadcast %broadcast_in_dim3A_43 : f32 to vector<16xf32>
    %swap3A_45 = arith.constant 32 : index
    %swap3A_46 = tpu.vector_load %arg7[%swap3A_45] {strides = array<i32>} : memref<640xf32, #tpu.memory_space<vmem>>, vector<16xf32>,
    %swap3A_47 = vector.shape_cast %swap3A_46 : vector<16xf32> to vector<16xf32>
    %swap3A_48 = vector.shape_cast %broadcast_in_dim3A_44 : vector<16xf32> to vector<16xf32>
    tpu.vector_store %arg7[%swap3A_45], %swap3A_48 {strides = array<i32>} : memref<640xf32, #tpu.memory_space<vmem>>, vector<16xf32>,
    %broadcast_in_dim3A_49 = arith.constant 0.000000e+00 : f32
    %broadcast_in_dim3A_50 = vector.broadcast %broadcast_in_dim3A_49 : f32 to vector<16xf32>
    %swap3A_51 = arith.constant 48 : index
    %swap3A_52 = tpu.vector_load %arg7[%swap3A_51] {strides = array<i32>} : memref<640xf32, #tpu.memory_space<vmem>>, vector<16xf32>,
    %swap3A_53 = vector.shape_cast %swap3A_52 : vector<16xf32> to vector<16xf32>
    %swap3A_54 = vector.shape_cast %broadcast_in_dim3A_50 : vector<16xf32> to vector<16xf32>
    tpu.vector_store %arg7[%swap3A_51], %swap3A_54 {strides = array<i32>} : memref<640xf32, #tpu.memory_space<vmem>>, vector<16xf32>,
    %broadcast_in_dim3A_55 = arith.constant 0.000000e+00 : f32
    %broadcast_in_dim3A_56 = vector.broadcast %broadcast_in_dim3A_55 : f32 to vector<16xf32>
    %swap3A_57 = arith.constant 64 : index
    %swap3A_58 = tpu.vector_load %arg7[%swap3A_57] {strides = array<i32>} : memref<640xf32, #tpu.memory_space<vmem>>, vector<16xf32>,
    %swap3A_59 = vector.shape_cast %swap3A_58 : vector<16xf32> to vector<16xf32>
    %swap3A_60 = vector.shape_cast %broadcast_in_dim3A_56 : vector<16xf32> to vector<16xf32>
    tpu.vector_store %arg7[%swap3A_57], %swap3A_60 {strides = array<i32>} : memref<640xf32, #tpu.memory_space<vmem>>, vector<16xf32>,
    %broadcast_in_dim3A_61 = arith.constant 0.000000e+00 : f32
    %broadcast_in_dim3A_62 = vector.broadcast %broadcast_in_dim3A_61 : f32 to vector<16xf32>
    %swap3A_63 = arith.constant 80 : index
    %swap3A_64 = tpu.vector_load %arg7[%swap3A_63] {strides = array<i32>} : memref<640xf32, #tpu.memory_space<vmem>>, vector<16xf32>,
    %swap3A_65 = vector.shape_cast %swap3A_64 : vector<16xf32> to vector<16xf32>
    %swap3A_66 = vector.shape_cast %broadcast_in_dim3A_62 : vector<16xf32> to vector<16xf32>
    tpu.vector_store %arg7[%swap3A_63], %swap3A_66 {strides = array<i32>} : memref<640xf32, #tpu.memory_space<vmem>>, vector<16xf32>,
    %broadcast_in_dim3A_67 = arith.constant 0.000000e+00 : f32
    %broadcast_in_dim3A_68 = vector.broadcast %broadcast_in_dim3A_67 : f32 to vector<16xf32>
    %swap3A_69 = arith.constant 96 : index
    %swap3A_70 = tpu.vector_load %arg7[%swap3A_69] {strides = array<i32>} : memref<640xf32, #tpu.memory_space<vmem>>, vector<16xf32>,
    %swap3A_71 = vector.shape_cast %swap3A_70 : vector<16xf32> to vector<16xf32>
    %swap3A_72 = vector.shape_cast %broadcast_in_dim3A_68 : vector<16xf32> to vector<16xf32>
    tpu.vector_store %arg7[%swap3A_69], %swap3A_72 {strides = array<i32>} : memref<640xf32, #tpu.memory_space<vmem>>, vector<16xf32>,
    %broadcast_in_dim3A_73 = arith.constant 0.000000e+00 : f32
    %broadcast_in_dim3A_74 = vector.broadcast %broadcast_in_dim3A_73 : f32 to vector<16xf32>
    %swap3A_75 = arith.constant 112 : index
    %swap3A_76 = tpu.vector_load %arg7[%swap3A_75] {strides = array<i32>} : memref<640xf32, #tpu.memory_space<vmem>>, vector<16xf32>,
    %swap3A_77 = vector.shape_cast %swap3A_76 : vector<16xf32> to vector<16xf32>
    %swap3A_78 = vector.shape_cast %broadcast_in_dim3A_74 : vector<16xf32> to vector<16xf32>
    tpu.vector_store %arg7[%swap3A_75], %swap3A_78 {strides = array<i32>} : memref<640xf32, #tpu.memory_space<vmem>>, vector<16xf32>,
    %broadcast_in_dim3A_79 = arith.constant 0.000000e+00 : f32
    %broadcast_in_dim3A_80 = vector.broadcast %broadcast_in_dim3A_79 : f32 to vector<16xf32>
    %swap3A_81 = arith.constant 128 : index
    %swap3A_82 = tpu.vector_load %arg7[%swap3A_81] {strides = array<i32>} : memref<640xf32, #tpu.memory_space<vmem>>, vector<16xf32>,
    %swap3A_83 = vector.shape_cast %swap3A_82 : vector<16xf32> to vector<16xf32>
    %swap3A_84 = vector.shape_cast %broadcast_in_dim3A_80 : vector<16xf32> to vector<16xf32>
    tpu.vector_store %arg7[%swap3A_81], %swap3A_84 {strides = array<i32>} : memref<640xf32, #tpu.memory_space<vmem>>, vector<16xf32>,
    %broadcast_in_dim3A_85 = arith.constant 0.000000e+00 : f32
    %broadcast_in_dim3A_86 = vector.broadcast %broadcast_in_dim3A_85 : f32 to vector<16xf32>
    %swap3A_87 = arith.constant 144 : index
    %swap3A_88 = tpu.vector_load %arg7[%swap3A_87] {strides = array<i32>} : memref<640xf32, #tpu.memory_space<vmem>>, vector<16xf32>,
    %swap3A_89 = vector.shape_cast %swap3A_88 : vector<16xf32> to vector<16xf32>
    %swap3A_90 = vector.shape_cast %broadcast_in_dim3A_86 : vector<16xf32> to vector<16xf32>
    tpu.vector_store %arg7[%swap3A_87], %swap3A_90 {strides = array<i32>} : memref<640xf32, #tpu.memory_space<vmem>>, vector<16xf32>,
    %broadcast_in_dim3A_91 = arith.constant 0.000000e+00 : f32
    %broadcast_in_dim3A_92 = vector.broadcast %broadcast_in_dim3A_91 : f32 to vector<16xf32>
    %swap3A_93 = arith.constant 160 : index
    %swap3A_94 = tpu.vector_load %arg7[%swap3A_93] {strides = array<i32>} : memref<640xf32, #tpu.memory_space<vmem>>, vector<16xf32>,
    %swap3A_95 = vector.shape_cast %swap3A_94 : vector<16xf32> to vector<16xf32>
    %swap3A_96 = vector.shape_cast %broadcast_in_dim3A_92 : vector<16xf32> to vector<16xf32>
    tpu.vector_store %arg7[%swap3A_93], %swap3A_96 {strides = array<i32>} : memref<640xf32, #tpu.memory_space<vmem>>, vector<16xf32>,
    %broadcast_in_dim3A_97 = arith.constant 0.000000e+00 : f32
    %broadcast_in_dim3A_98 = vector.broadcast %broadcast_in_dim3A_97 : f32 to vector<16xf32>
    %swap3A_99 = arith.constant 176 : index
    %swap3A_100 = tpu.vector_load %arg7[%swap3A_99] {strides = array<i32>} : memref<640xf32, #tpu.memory_space<vmem>>, vector<16xf32>,
    %swap3A_101 = vector.shape_cast %swap3A_100 : vector<16xf32> to vector<16xf32>
    %swap3A_102 = vector.shape_cast %broadcast_in_dim3A_98 : vector<16xf32> to vector<16xf32>
    tpu.vector_store %arg7[%swap3A_99], %swap3A_102 {strides = array<i32>} : memref<640xf32, #tpu.memory_space<vmem>>, vector<16xf32>,
    %broadcast_in_dim3A_103 = arith.constant 0.000000e+00 : f32
    %broadcast_in_dim3A_104 = vector.broadcast %broadcast_in_dim3A_103 : f32 to vector<16xf32>
    %swap3A_105 = arith.constant 192 : index
    %swap3A_106 = tpu.vector_load %arg7[%swap3A_105] {strides = array<i32>} : memref<640xf32, #tpu.memory_space<vmem>>, vector<16xf32>,
    %swap3A_107 = vector.shape_cast %swap3A_106 : vector<16xf32> to vector<16xf32>
    %swap3A_108 = vector.shape_cast %broadcast_in_dim3A_104 : vector<16xf32> to vector<16xf32>
    tpu.vector_store %arg7[%swap3A_105], %swap3A_108 {strides = array<i32>} : memref<640xf32, #tpu.memory_space<vmem>>, vector<16xf32>,
    %broadcast_in_dim3A_109 = arith.constant 0.000000e+00 : f32
    %broadcast_in_dim3A_110 = vector.broadcast %broadcast_in_dim3A_109 : f32 to vector<16xf32>
    %swap3A_111 = arith.constant 208 : index
    %swap3A_112 = tpu.vector_load %arg7[%swap3A_111] {strides = array<i32>} : memref<640xf32, #tpu.memory_space<vmem>>, vector<16xf32>,
    %swap3A_113 = vector.shape_cast %swap3A_112 : vector<16xf32> to vector<16xf32>
    %swap3A_114 = vector.shape_cast %broadcast_in_dim3A_110 : vector<16xf32> to vector<16xf32>
    tpu.vector_store %arg7[%swap3A_111], %swap3A_114 {strides = array<i32>} : memref<640xf32, #tpu.memory_space<vmem>>, vector<16xf32>,
    %broadcast_in_dim3A_115 = arith.constant 0.000000e+00 : f32
    %broadcast_in_dim3A_116 = vector.broadcast %broadcast_in_dim3A_115 : f32 to vector<16xf32>
    %swap3A_117 = arith.constant 224 : index
    %swap3A_118 = tpu.vector_load %arg7[%swap3A_117] {strides = array<i32>} : memref<640xf32, #tpu.memory_space<vmem>>, vector<16xf32>,
    %swap3A_119 = vector.shape_cast %swap3A_118 : vector<16xf32> to vector<16xf32>
    %swap3A_120 = vector.shape_cast %broadcast_in_dim3A_116 : vector<16xf32> to vector<16xf32>
    tpu.vector_store %arg7[%swap3A_117], %swap3A_120 {strides = array<i32>} : memref<640xf32, #tpu.memory_space<vmem>>, vector<16xf32>,
    %broadcast_in_dim3A_121 = arith.constant 0.000000e+00 : f32
    %broadcast_in_dim3A_122 = vector.broadcast %broadcast_in_dim3A_121 : f32 to vector<16xf32>
    %swap3A_123 = arith.constant 240 : index
    %swap3A_124 = tpu.vector_load %arg7[%swap3A_123] {strides = array<i32>} : memref<640xf32, #tpu.memory_space<vmem>>, vector<16xf32>,
    %swap3A_125 = vector.shape_cast %swap3A_124 : vector<16xf32> to vector<16xf32>
    %swap3A_126 = vector.shape_cast %broadcast_in_dim3A_122 : vector<16xf32> to vector<16xf32>
    tpu.vector_store %arg7[%swap3A_123], %swap3A_126 {strides = array<i32>} : memref<640xf32, #tpu.memory_space<vmem>>, vector<16xf32>,
    %broadcast_in_dim3A_127 = arith.constant 0.000000e+00 : f32
    %broadcast_in_dim3A_128 = vector.broadcast %broadcast_in_dim3A_127 : f32 to vector<16xf32>
    %swap3A_129 = arith.constant 256 : index
    %swap3A_130 = tpu.vector_load %arg7[%swap3A_129] {strides = array<i32>} : memref<640xf32, #tpu.memory_space<vmem>>, vector<16xf32>,
    %swap3A_131 = vector.shape_cast %swap3A_130 : vector<16xf32> to vector<16xf32>
    %swap3A_132 = vector.shape_cast %broadcast_in_dim3A_128 : vector<16xf32> to vector<16xf32>
    tpu.vector_store %arg7[%swap3A_129], %swap3A_132 {strides = array<i32>} : memref<640xf32, #tpu.memory_space<vmem>>, vector<16xf32>,
    %broadcast_in_dim3A_133 = arith.constant 0.000000e+00 : f32
    %broadcast_in_dim3A_134 = vector.broadcast %broadcast_in_dim3A_133 : f32 to vector<16xf32>
    %swap3A_135 = arith.constant 272 : index
    %swap3A_136 = tpu.vector_load %arg7[%swap3A_135] {strides = array<i32>} : memref<640xf32, #tpu.memory_space<vmem>>, vector<16xf32>,
    %swap3A_137 = vector.shape_cast %swap3A_136 : vector<16xf32> to vector<16xf32>
    %swap3A_138 = vector.shape_cast %broadcast_in_dim3A_134 : vector<16xf32> to vector<16xf32>
    tpu.vector_store %arg7[%swap3A_135], %swap3A_138 {strides = array<i32>} : memref<640xf32, #tpu.memory_space<vmem>>, vector<16xf32>,
    %broadcast_in_dim3A_139 = arith.constant 0.000000e+00 : f32
    %broadcast_in_dim3A_140 = vector.broadcast %broadcast_in_dim3A_139 : f32 to vector<16xf32>
    %swap3A_141 = arith.constant 288 : index
    %swap3A_142 = tpu.vector_load %arg7[%swap3A_141] {strides = array<i32>} : memref<640xf32, #tpu.memory_space<vmem>>, vector<16xf32>,
    %swap3A_143 = vector.shape_cast %swap3A_142 : vector<16xf32> to vector<16xf32>
    %swap3A_144 = vector.shape_cast %broadcast_in_dim3A_140 : vector<16xf32> to vector<16xf32>
    tpu.vector_store %arg7[%swap3A_141], %swap3A_144 {strides = array<i32>} : memref<640xf32, #tpu.memory_space<vmem>>, vector<16xf32>,
    %broadcast_in_dim3A_145 = arith.constant 0.000000e+00 : f32
    %broadcast_in_dim3A_146 = vector.broadcast %broadcast_in_dim3A_145 : f32 to vector<16xf32>
    %swap3A_147 = arith.constant 304 : index
    %swap3A_148 = tpu.vector_load %arg7[%swap3A_147] {strides = array<i32>} : memref<640xf32, #tpu.memory_space<vmem>>, vector<16xf32>,
    %swap3A_149 = vector.shape_cast %swap3A_148 : vector<16xf32> to vector<16xf32>
    %swap3A_150 = vector.shape_cast %broadcast_in_dim3A_146 : vector<16xf32> to vector<16xf32>
    tpu.vector_store %arg7[%swap3A_147], %swap3A_150 {strides = array<i32>} : memref<640xf32, #tpu.memory_space<vmem>>, vector<16xf32>,
    %broadcast_in_dim3A_151 = arith.constant 0.000000e+00 : f32
    %broadcast_in_dim3A_152 = vector.broadcast %broadcast_in_dim3A_151 : f32 to vector<16xf32>
    %swap3A_153 = arith.constant 320 : index
    %swap3A_154 = tpu.vector_load %arg7[%swap3A_153] {strides = array<i32>} : memref<640xf32, #tpu.memory_space<vmem>>, vector<16xf32>,
    %swap3A_155 = vector.shape_cast %swap3A_154 : vector<16xf32> to vector<16xf32>
    %swap3A_156 = vector.shape_cast %broadcast_in_dim3A_152 : vector<16xf32> to vector<16xf32>
    tpu.vector_store %arg7[%swap3A_153], %swap3A_156 {strides = array<i32>} : memref<640xf32, #tpu.memory_space<vmem>>, vector<16xf32>,
    %broadcast_in_dim3A_157 = arith.constant 0.000000e+00 : f32
    %broadcast_in_dim3A_158 = vector.broadcast %broadcast_in_dim3A_157 : f32 to vector<16xf32>
    %swap3A_159 = arith.constant 336 : index
    %swap3A_160 = tpu.vector_load %arg7[%swap3A_159] {strides = array<i32>} : memref<640xf32, #tpu.memory_space<vmem>>, vector<16xf32>,
    %swap3A_161 = vector.shape_cast %swap3A_160 : vector<16xf32> to vector<16xf32>
    %swap3A_162 = vector.shape_cast %broadcast_in_dim3A_158 : vector<16xf32> to vector<16xf32>
    tpu.vector_store %arg7[%swap3A_159], %swap3A_162 {strides = array<i32>} : memref<640xf32, #tpu.memory_space<vmem>>, vector<16xf32>,
    %broadcast_in_dim3A_163 = arith.constant 0.000000e+00 : f32
    %broadcast_in_dim3A_164 = vector.broadcast %broadcast_in_dim3A_163 : f32 to vector<16xf32>
    %swap3A_165 = arith.constant 352 : index
    %swap3A_166 = tpu.vector_load %arg7[%swap3A_165] {strides = array<i32>} : memref<640xf32, #tpu.memory_space<vmem>>, vector<16xf32>,
    %swap3A_167 = vector.shape_cast %swap3A_166 : vector<16xf32> to vector<16xf32>
    %swap3A_168 = vector.shape_cast %broadcast_in_dim3A_164 : vector<16xf32> to vector<16xf32>
    tpu.vector_store %arg7[%swap3A_165], %swap3A_168 {strides = array<i32>} : memref<640xf32, #tpu.memory_space<vmem>>, vector<16xf32>,
    %broadcast_in_dim3A_169 = arith.constant 0.000000e+00 : f32
    %broadcast_in_dim3A_170 = vector.broadcast %broadcast_in_dim3A_169 : f32 to vector<16xf32>
    %swap3A_171 = arith.constant 368 : index
    %swap3A_172 = tpu.vector_load %arg7[%swap3A_171] {strides = array<i32>} : memref<640xf32, #tpu.memory_space<vmem>>, vector<16xf32>,
    %swap3A_173 = vector.shape_cast %swap3A_172 : vector<16xf32> to vector<16xf32>
    %swap3A_174 = vector.shape_cast %broadcast_in_dim3A_170 : vector<16xf32> to vector<16xf32>
    tpu.vector_store %arg7[%swap3A_171], %swap3A_174 {strides = array<i32>} : memref<640xf32, #tpu.memory_space<vmem>>, vector<16xf32>,
    %broadcast_in_dim3A_175 = arith.constant 0.000000e+00 : f32
    %broadcast_in_dim3A_176 = vector.broadcast %broadcast_in_dim3A_175 : f32 to vector<16xf32>
    %swap3A_177 = arith.constant 384 : index
    %swap3A_178 = tpu.vector_load %arg7[%swap3A_177] {strides = array<i32>} : memref<640xf32, #tpu.memory_space<vmem>>, vector<16xf32>,
    %swap3A_179 = vector.shape_cast %swap3A_178 : vector<16xf32> to vector<16xf32>
    %swap3A_180 = vector.shape_cast %broadcast_in_dim3A_176 : vector<16xf32> to vector<16xf32>
    tpu.vector_store %arg7[%swap3A_177], %swap3A_180 {strides = array<i32>} : memref<640xf32, #tpu.memory_space<vmem>>, vector<16xf32>,
    %broadcast_in_dim3A_181 = arith.constant 0.000000e+00 : f32
    %broadcast_in_dim3A_182 = vector.broadcast %broadcast_in_dim3A_181 : f32 to vector<16xf32>
    %swap3A_183 = arith.constant 400 : index
    %swap3A_184 = tpu.vector_load %arg7[%swap3A_183] {strides = array<i32>} : memref<640xf32, #tpu.memory_space<vmem>>, vector<16xf32>,
    %swap3A_185 = vector.shape_cast %swap3A_184 : vector<16xf32> to vector<16xf32>
    %swap3A_186 = vector.shape_cast %broadcast_in_dim3A_182 : vector<16xf32> to vector<16xf32>
    tpu.vector_store %arg7[%swap3A_183], %swap3A_186 {strides = array<i32>} : memref<640xf32, #tpu.memory_space<vmem>>, vector<16xf32>,
    %broadcast_in_dim3A_187 = arith.constant 0.000000e+00 : f32
    %broadcast_in_dim3A_188 = vector.broadcast %broadcast_in_dim3A_187 : f32 to vector<16xf32>
    %swap3A_189 = arith.constant 416 : index
    %swap3A_190 = tpu.vector_load %arg7[%swap3A_189] {strides = array<i32>} : memref<640xf32, #tpu.memory_space<vmem>>, vector<16xf32>,
    %swap3A_191 = vector.shape_cast %swap3A_190 : vector<16xf32> to vector<16xf32>
    %swap3A_192 = vector.shape_cast %broadcast_in_dim3A_188 : vector<16xf32> to vector<16xf32>
    tpu.vector_store %arg7[%swap3A_189], %swap3A_192 {strides = array<i32>} : memref<640xf32, #tpu.memory_space<vmem>>, vector<16xf32>,
    %broadcast_in_dim3A_193 = arith.constant 0.000000e+00 : f32
    %broadcast_in_dim3A_194 = vector.broadcast %broadcast_in_dim3A_193 : f32 to vector<16xf32>
    %swap3A_195 = arith.constant 432 : index
    %swap3A_196 = tpu.vector_load %arg7[%swap3A_195] {strides = array<i32>} : memref<640xf32, #tpu.memory_space<vmem>>, vector<16xf32>,
    %swap3A_197 = vector.shape_cast %swap3A_196 : vector<16xf32> to vector<16xf32>
    %swap3A_198 = vector.shape_cast %broadcast_in_dim3A_194 : vector<16xf32> to vector<16xf32>
    tpu.vector_store %arg7[%swap3A_195], %swap3A_198 {strides = array<i32>} : memref<640xf32, #tpu.memory_space<vmem>>, vector<16xf32>,
    %broadcast_in_dim3A_199 = arith.constant 0.000000e+00 : f32
    %broadcast_in_dim3A_200 = vector.broadcast %broadcast_in_dim3A_199 : f32 to vector<16xf32>
    %swap3A_201 = arith.constant 448 : index
    %swap3A_202 = tpu.vector_load %arg7[%swap3A_201] {strides = array<i32>} : memref<640xf32, #tpu.memory_space<vmem>>, vector<16xf32>,
    %swap3A_203 = vector.shape_cast %swap3A_202 : vector<16xf32> to vector<16xf32>
    %swap3A_204 = vector.shape_cast %broadcast_in_dim3A_200 : vector<16xf32> to vector<16xf32>
    tpu.vector_store %arg7[%swap3A_201], %swap3A_204 {strides = array<i32>} : memref<640xf32, #tpu.memory_space<vmem>>, vector<16xf32>,
    %broadcast_in_dim3A_205 = arith.constant 0.000000e+00 : f32
    %broadcast_in_dim3A_206 = vector.broadcast %broadcast_in_dim3A_205 : f32 to vector<16xf32>
    %swap3A_207 = arith.constant 464 : index
    %swap3A_208 = tpu.vector_load %arg7[%swap3A_207] {strides = array<i32>} : memref<640xf32, #tpu.memory_space<vmem>>, vector<16xf32>,
    %swap3A_209 = vector.shape_cast %swap3A_208 : vector<16xf32> to vector<16xf32>
    %swap3A_210 = vector.shape_cast %broadcast_in_dim3A_206 : vector<16xf32> to vector<16xf32>
    tpu.vector_store %arg7[%swap3A_207], %swap3A_210 {strides = array<i32>} : memref<640xf32, #tpu.memory_space<vmem>>, vector<16xf32>,
    %broadcast_in_dim3A_211 = arith.constant 0.000000e+00 : f32
    %broadcast_in_dim3A_212 = vector.broadcast %broadcast_in_dim3A_211 : f32 to vector<16xf32>
    %swap3A_213 = arith.constant 480 : index
    %swap3A_214 = tpu.vector_load %arg7[%swap3A_213] {strides = array<i32>} : memref<640xf32, #tpu.memory_space<vmem>>, vector<16xf32>,
    %swap3A_215 = vector.shape_cast %swap3A_214 : vector<16xf32> to vector<16xf32>
    %swap3A_216 = vector.shape_cast %broadcast_in_dim3A_212 : vector<16xf32> to vector<16xf32>
    tpu.vector_store %arg7[%swap3A_213], %swap3A_216 {strides = array<i32>} : memref<640xf32, #tpu.memory_space<vmem>>, vector<16xf32>,
    %broadcast_in_dim3A_217 = arith.constant 0.000000e+00 : f32
    %broadcast_in_dim3A_218 = vector.broadcast %broadcast_in_dim3A_217 : f32 to vector<16xf32>
    %swap3A_219 = arith.constant 496 : index
    %swap3A_220 = tpu.vector_load %arg7[%swap3A_219] {strides = array<i32>} : memref<640xf32, #tpu.memory_space<vmem>>, vector<16xf32>,
    %swap3A_221 = vector.shape_cast %swap3A_220 : vector<16xf32> to vector<16xf32>
    %swap3A_222 = vector.shape_cast %broadcast_in_dim3A_218 : vector<16xf32> to vector<16xf32>
    tpu.vector_store %arg7[%swap3A_219], %swap3A_222 {strides = array<i32>} : memref<640xf32, #tpu.memory_space<vmem>>, vector<16xf32>,
    %broadcast_in_dim3A_223 = arith.constant 0.000000e+00 : f32
    %broadcast_in_dim3A_224 = vector.broadcast %broadcast_in_dim3A_223 : f32 to vector<16xf32>
    %swap3A_225 = arith.constant 512 : index
    %swap3A_226 = tpu.vector_load %arg7[%swap3A_225] {strides = array<i32>} : memref<640xf32, #tpu.memory_space<vmem>>, vector<16xf32>,
    %swap3A_227 = vector.shape_cast %swap3A_226 : vector<16xf32> to vector<16xf32>
    %swap3A_228 = vector.shape_cast %broadcast_in_dim3A_224 : vector<16xf32> to vector<16xf32>
    tpu.vector_store %arg7[%swap3A_225], %swap3A_228 {strides = array<i32>} : memref<640xf32, #tpu.memory_space<vmem>>, vector<16xf32>,
    %broadcast_in_dim3A_229 = arith.constant 0.000000e+00 : f32
    %broadcast_in_dim3A_230 = vector.broadcast %broadcast_in_dim3A_229 : f32 to vector<16xf32>
    %swap3A_231 = arith.constant 528 : index
    %swap3A_232 = tpu.vector_load %arg7[%swap3A_231] {strides = array<i32>} : memref<640xf32, #tpu.memory_space<vmem>>, vector<16xf32>,
    %swap3A_233 = vector.shape_cast %swap3A_232 : vector<16xf32> to vector<16xf32>
    %swap3A_234 = vector.shape_cast %broadcast_in_dim3A_230 : vector<16xf32> to vector<16xf32>
    tpu.vector_store %arg7[%swap3A_231], %swap3A_234 {strides = array<i32>} : memref<640xf32, #tpu.memory_space<vmem>>, vector<16xf32>,
    %broadcast_in_dim3A_235 = arith.constant 0.000000e+00 : f32
    %broadcast_in_dim3A_236 = vector.broadcast %broadcast_in_dim3A_235 : f32 to vector<16xf32>
    %swap3A_237 = arith.constant 544 : index
    %swap3A_238 = tpu.vector_load %arg7[%swap3A_237] {strides = array<i32>} : memref<640xf32, #tpu.memory_space<vmem>>, vector<16xf32>,
    %swap3A_239 = vector.shape_cast %swap3A_238 : vector<16xf32> to vector<16xf32>
    %swap3A_240 = vector.shape_cast %broadcast_in_dim3A_236 : vector<16xf32> to vector<16xf32>
    tpu.vector_store %arg7[%swap3A_237], %swap3A_240 {strides = array<i32>} : memref<640xf32, #tpu.memory_space<vmem>>, vector<16xf32>,
    %broadcast_in_dim3A_241 = arith.constant 0.000000e+00 : f32
    %broadcast_in_dim3A_242 = vector.broadcast %broadcast_in_dim3A_241 : f32 to vector<16xf32>
    %swap3A_243 = arith.constant 560 : index
    %swap3A_244 = tpu.vector_load %arg7[%swap3A_243] {strides = array<i32>} : memref<640xf32, #tpu.memory_space<vmem>>, vector<16xf32>,
    %swap3A_245 = vector.shape_cast %swap3A_244 : vector<16xf32> to vector<16xf32>
    %swap3A_246 = vector.shape_cast %broadcast_in_dim3A_242 : vector<16xf32> to vector<16xf32>
    tpu.vector_store %arg7[%swap3A_243], %swap3A_246 {strides = array<i32>} : memref<640xf32, #tpu.memory_space<vmem>>, vector<16xf32>,
    %broadcast_in_dim3A_247 = arith.constant 0.000000e+00 : f32
    %broadcast_in_dim3A_248 = vector.broadcast %broadcast_in_dim3A_247 : f32 to vector<16xf32>
    %swap3A_249 = arith.constant 576 : index
    %swap3A_250 = tpu.vector_load %arg7[%swap3A_249] {strides = array<i32>} : memref<640xf32, #tpu.memory_space<vmem>>, vector<16xf32>,
    %swap3A_251 = vector.shape_cast %swap3A_250 : vector<16xf32> to vector<16xf32>
    %swap3A_252 = vector.shape_cast %broadcast_in_dim3A_248 : vector<16xf32> to vector<16xf32>
    tpu.vector_store %arg7[%swap3A_249], %swap3A_252 {strides = array<i32>} : memref<640xf32, #tpu.memory_space<vmem>>, vector<16xf32>,
    %broadcast_in_dim3A_253 = arith.constant 0.000000e+00 : f32
    %broadcast_in_dim3A_254 = vector.broadcast %broadcast_in_dim3A_253 : f32 to vector<16xf32>
    %swap3A_255 = arith.constant 592 : index
    %swap3A_256 = tpu.vector_load %arg7[%swap3A_255] {strides = array<i32>} : memref<640xf32, #tpu.memory_space<vmem>>, vector<16xf32>,
    %swap3A_257 = vector.shape_cast %swap3A_256 : vector<16xf32> to vector<16xf32>
    %swap3A_258 = vector.shape_cast %broadcast_in_dim3A_254 : vector<16xf32> to vector<16xf32>
    tpu.vector_store %arg7[%swap3A_255], %swap3A_258 {strides = array<i32>} : memref<640xf32, #tpu.memory_space<vmem>>, vector<16xf32>,
    %broadcast_in_dim3A_259 = arith.constant 0.000000e+00 : f32
    %broadcast_in_dim3A_260 = vector.broadcast %broadcast_in_dim3A_259 : f32 to vector<16xf32>
    %swap3A_261 = arith.constant 608 : index
    %swap3A_262 = tpu.vector_load %arg7[%swap3A_261] {strides = array<i32>} : memref<640xf32, #tpu.memory_space<vmem>>, vector<16xf32>,
    %swap3A_263 = vector.shape_cast %swap3A_262 : vector<16xf32> to vector<16xf32>
    %swap3A_264 = vector.shape_cast %broadcast_in_dim3A_260 : vector<16xf32> to vector<16xf32>
    tpu.vector_store %arg7[%swap3A_261], %swap3A_264 {strides = array<i32>} : memref<640xf32, #tpu.memory_space<vmem>>, vector<16xf32>,
    %broadcast_in_dim3A_265 = arith.constant 0.000000e+00 : f32
    %broadcast_in_dim3A_266 = vector.broadcast %broadcast_in_dim3A_265 : f32 to vector<16xf32>
    %swap3A_267 = arith.constant 624 : index
    %swap3A_268 = tpu.vector_load %arg7[%swap3A_267] {strides = array<i32>} : memref<640xf32, #tpu.memory_space<vmem>>, vector<16xf32>,
    %swap3A_269 = vector.shape_cast %swap3A_268 : vector<16xf32> to vector<16xf32>
    %swap3A_270 = vector.shape_cast %broadcast_in_dim3A_266 : vector<16xf32> to vector<16xf32>
    tpu.vector_store %arg7[%swap3A_267], %swap3A_270 {strides = array<i32>} : memref<640xf32, #tpu.memory_space<vmem>>, vector<16xf32>,
    %mul3A_271 = arith.constant 640 : i32
    %mul3A_272 = arith.muli %arg1, %mul3A_271 : i32
    "tpu.region"() ({
      %run_scoped3A = tpu.sem_alloc : memref<!tpu.dma_semaphore, #tpu.memory_space<semaphore_mem>>
      %dma_start3A = tpu.memref_slice %arg8[%mul3A_272] : memref<10240xf32, #tpu.memory_space<vmem_shared>> -> memref<640xf32, #tpu.memory_space<vmem_shared>>
      %dma_start3A_283 = tpu.memref_slice %arg8[%mul3A_272] : memref<10240xf32, #tpu.memory_space<vmem_shared>> -> memref<640xf32, #tpu.memory_space<vmem_shared>>
      tpu.enqueue_dma source(%arg7 : memref<640xf32, #tpu.memory_space<vmem>>) target(%dma_start3A_283 : memref<640xf32, #tpu.memory_space<vmem_shared>>) target_semaphore(%run_scoped3A : memref<!tpu.dma_semaphore, #tpu.memory_space<semaphore_mem>>)
      %dma_wait3A = tpu.memref_slice %arg8[%mul3A_272] : memref<10240xf32, #tpu.memory_space<vmem_shared>> -> memref<640xf32, #tpu.memory_space<vmem_shared>>
      %dma_wait3A_284 = tpu.memref_slice %arg8[%mul3A_272] : memref<10240xf32, #tpu.memory_space<vmem_shared>> -> memref<640xf32, #tpu.memory_space<vmem_shared>>
      tpu.wait_dma2 semaphore(%run_scoped3A : memref<!tpu.dma_semaphore, #tpu.memory_space<semaphore_mem>>) src(%arg7 : memref<640xf32, #tpu.memory_space<vmem>>) dst(%dma_wait3A_284 : memref<640xf32, #tpu.memory_space<vmem_shared>>)
      tpu.yield
    }) : () -> ()
    %barrier3A = arith.constant 0 : index
    tpu.barrier barrier_id(%barrier3A)
    %scan3A = arith.constant 0 : i32
    %scan3A_273 = arith.constant 0 : i32
    %scan3A_274 = arith.constant 126 : i32
    %scan3A_275 = arith.addi %scan3A_273, %scan3A_274 : i32
    %scan3A_276 = arith.constant 1 : i32
    scf.for %scan3A_283 = %scan3A_273 to %scan3A_275 step %scan3A_276  : i32 {
      %mul3A_284 = arith.constant 80 : i32
      %mul3A_285 = arith.muli %scan3A_283, %mul3A_284 : i32
      %add3A_286 = arith.constant 0 : i32
      %add3A_287 = arith.addi %mul3A_285, %add3A_286 : i32
      %get3A = arith.index_cast %add3A_287 : i32 to index
      %get3A_288 = tpu.vector_load %arg4[%get3A] {strides = array<i32>} : memref<10080xi32, #tpu.memory_space<vmem>>, vector<16xi32>,
      %get3A_289 = vector.shape_cast %get3A_288 : vector<16xi32> to vector<16xi32>
      %swap3A_290 = arith.constant 0 : index
      %swap3A_291 = tpu.vector_load %arg5[%swap3A_290] {strides = array<i32>} : memref<80xi32, #tpu.memory_space<vmem>>, vector<16xi32>,
      %swap3A_292 = vector.shape_cast %swap3A_291 : vector<16xi32> to vector<16xi32>
      %swap3A_293 = vector.shape_cast %get3A_289 : vector<16xi32> to vector<16xi32>
      tpu.vector_store %arg5[%swap3A_290], %swap3A_293 {strides = array<i32>} : memref<80xi32, #tpu.memory_space<vmem>>, vector<16xi32>,
      %add3A_294 = arith.constant 16 : i32
      %add3A_295 = arith.addi %mul3A_285, %add3A_294 : i32
      %get3A_296 = arith.index_cast %add3A_295 : i32 to index
      %get3A_297 = tpu.vector_load %arg4[%get3A_296] {strides = array<i32>} : memref<10080xi32, #tpu.memory_space<vmem>>, vector<16xi32>,
      %get3A_298 = vector.shape_cast %get3A_297 : vector<16xi32> to vector<16xi32>
      %swap3A_299 = arith.constant 16 : index
      %swap3A_300 = tpu.vector_load %arg5[%swap3A_299] {strides = array<i32>} : memref<80xi32, #tpu.memory_space<vmem>>, vector<16xi32>,
      %swap3A_301 = vector.shape_cast %swap3A_300 : vector<16xi32> to vector<16xi32>
      %swap3A_302 = vector.shape_cast %get3A_298 : vector<16xi32> to vector<16xi32>
      tpu.vector_store %arg5[%swap3A_299], %swap3A_302 {strides = array<i32>} : memref<80xi32, #tpu.memory_space<vmem>>, vector<16xi32>,
      %add3A_303 = arith.constant 32 : i32
      %add3A_304 = arith.addi %mul3A_285, %add3A_303 : i32
      %get3A_305 = arith.index_cast %add3A_304 : i32 to index
      %get3A_306 = tpu.vector_load %arg4[%get3A_305] {strides = array<i32>} : memref<10080xi32, #tpu.memory_space<vmem>>, vector<16xi32>,
      %get3A_307 = vector.shape_cast %get3A_306 : vector<16xi32> to vector<16xi32>
      %swap3A_308 = arith.constant 32 : index
      %swap3A_309 = tpu.vector_load %arg5[%swap3A_308] {strides = array<i32>} : memref<80xi32, #tpu.memory_space<vmem>>, vector<16xi32>,
      %swap3A_310 = vector.shape_cast %swap3A_309 : vector<16xi32> to vector<16xi32>
      %swap3A_311 = vector.shape_cast %get3A_307 : vector<16xi32> to vector<16xi32>
      tpu.vector_store %arg5[%swap3A_308], %swap3A_311 {strides = array<i32>} : memref<80xi32, #tpu.memory_space<vmem>>, vector<16xi32>,
      %add3A_312 = arith.constant 48 : i32
      %add3A_313 = arith.addi %mul3A_285, %add3A_312 : i32
      %get3A_314 = arith.index_cast %add3A_313 : i32 to index
      %get3A_315 = tpu.vector_load %arg4[%get3A_314] {strides = array<i32>} : memref<10080xi32, #tpu.memory_space<vmem>>, vector<16xi32>,
      %get3A_316 = vector.shape_cast %get3A_315 : vector<16xi32> to vector<16xi32>
      %swap3A_317 = arith.constant 48 : index
      %swap3A_318 = tpu.vector_load %arg5[%swap3A_317] {strides = array<i32>} : memref<80xi32, #tpu.memory_space<vmem>>, vector<16xi32>,
      %swap3A_319 = vector.shape_cast %swap3A_318 : vector<16xi32> to vector<16xi32>
      %swap3A_320 = vector.shape_cast %get3A_316 : vector<16xi32> to vector<16xi32>
      tpu.vector_store %arg5[%swap3A_317], %swap3A_320 {strides = array<i32>} : memref<80xi32, #tpu.memory_space<vmem>>, vector<16xi32>,
      %add3A_321 = arith.constant 64 : i32
      %add3A_322 = arith.addi %mul3A_285, %add3A_321 : i32
      %get3A_323 = arith.index_cast %add3A_322 : i32 to index
      %get3A_324 = tpu.vector_load %arg4[%get3A_323] {strides = array<i32>} : memref<10080xi32, #tpu.memory_space<vmem>>, vector<16xi32>,
      %get3A_325 = vector.shape_cast %get3A_324 : vector<16xi32> to vector<16xi32>
      %swap3A_326 = arith.constant 64 : index
      %swap3A_327 = tpu.vector_load %arg5[%swap3A_326] {strides = array<i32>} : memref<80xi32, #tpu.memory_space<vmem>>, vector<16xi32>,
      %swap3A_328 = vector.shape_cast %swap3A_327 : vector<16xi32> to vector<16xi32>
      %swap3A_329 = vector.shape_cast %get3A_325 : vector<16xi32> to vector<16xi32>
      tpu.vector_store %arg5[%swap3A_326], %swap3A_329 {strides = array<i32>} : memref<80xi32, #tpu.memory_space<vmem>>, vector<16xi32>,
      "tpu.region"() ({
        %run_scoped3A = tpu.sem_alloc : memref<!tpu.dma_semaphore, #tpu.memory_space<semaphore_mem>>
        %dma_start3A = arith.constant 0 : i32
        %dma_start3A_330 = tpu.memref_slice %arg8[%dma_start3A] : memref<10240xf32, #tpu.memory_space<vmem_shared>> -> memref<10240xf32, #tpu.memory_space<vmem_shared>>
        tpu.enqueue_indirect_dma source(%arg6 : memref<80xf32, #tpu.memory_space<vmem>>) target(%dma_start3A_330 : memref<10240xf32, #tpu.memory_space<vmem_shared>>) offsets(%arg5 : memref<80xi32, #tpu.memory_space<vmem>>) semaphore(%run_scoped3A : memref<!tpu.dma_semaphore, #tpu.memory_space<semaphore_mem>>) {add = true}
        %dma_wait3A = arith.constant 0 : i32
        %dma_wait3A_331 = tpu.memref_slice %arg8[%dma_wait3A] : memref<10240xf32, #tpu.memory_space<vmem_shared>> -> memref<10240xf32, #tpu.memory_space<vmem_shared>>
        tpu.wait_indirect_dma semaphore(%run_scoped3A : memref<!tpu.dma_semaphore, #tpu.memory_space<semaphore_mem>>) src(%arg6 : memref<80xf32, #tpu.memory_space<vmem>>) dst(%dma_wait3A_331 : memref<10240xf32, #tpu.memory_space<vmem_shared>>)
        tpu.yield
      }) : () -> ()
    }
    %scan3A_277 = arith.constant 126 : i32
    %barrier3A_278 = arith.constant 0 : index
    tpu.barrier barrier_id(%barrier3A_278)
    %mul3A_279 = arith.constant 640 : i32
    %mul3A_280 = arith.muli %arg1, %mul3A_279 : i32
    %mul3A_281 = arith.constant 640 : i32
    %mul3A_282 = arith.muli %arg1, %mul3A_281 : i32
    "tpu.region"() ({
      %run_scoped3A = tpu.sem_alloc : memref<!tpu.dma_semaphore, #tpu.memory_space<semaphore_mem>>
      %dma_start3A = tpu.memref_slice %arg3[%arg0, %mul3A_282] : memref<2x10240xf32, #tpu.memory_space<hbm>> -> memref<1x640xf32, #tpu.memory_space<hbm>>
      %dma_start3A_283 = tpu.memref_squeeze %dma_start3A : memref<1x640xf32, #tpu.memory_space<hbm>> -> memref<640xf32, #tpu.memory_space<hbm>>
      %dma_start3A_284 = tpu.memref_slice %arg8[%mul3A_280] : memref<10240xf32, #tpu.memory_space<vmem_shared>> -> memref<640xf32, #tpu.memory_space<vmem_shared>>
      tpu.enqueue_dma source(%dma_start3A_284 : memref<640xf32, #tpu.memory_space<vmem_shared>>) target(%dma_start3A_283 : memref<640xf32, #tpu.memory_space<hbm>>) target_semaphore(%run_scoped3A : memref<!tpu.dma_semaphore, #tpu.memory_space<semaphore_mem>>)
      %dma_wait3A = tpu.memref_slice %arg3[%arg0, %mul3A_282] : memref<2x10240xf32, #tpu.memory_space<hbm>> -> memref<1x640xf32, #tpu.memory_space<hbm>>
      %dma_wait3A_285 = tpu.memref_squeeze %dma_wait3A : memref<1x640xf32, #tpu.memory_space<hbm>> -> memref<640xf32, #tpu.memory_space<hbm>>
      %dma_wait3A_286 = tpu.memref_slice %arg8[%mul3A_280] : memref<10240xf32, #tpu.memory_space<vmem_shared>> -> memref<640xf32, #tpu.memory_space<vmem_shared>>
      tpu.wait_dma2 semaphore(%run_scoped3A : memref<!tpu.dma_semaphore, #tpu.memory_space<semaphore_mem>>) src(%dma_wait3A_286 : memref<640xf32, #tpu.memory_space<vmem_shared>>) dst(%dma_wait3A_285 : memref<640xf32, #tpu.memory_space<hbm>>)
      tpu.yield
    }) : () -> ()
    return
  }
}

module attributes {stable_mosaic.version = 14 : i64} {
  func.func @_prep_body(%arg0: i32, %arg1: memref<1000x128xf32, #tpu.memory_space<vmem>>, %arg2: memref<128x32xf32, #tpu.memory_space<vmem>>, %arg3: memref<1x32xf32, #tpu.memory_space<vmem>>, %arg4: memref<32x32xf32, #tpu.memory_space<vmem>>, %arg5: memref<1x32xf32, #tpu.memory_space<vmem>>, %arg6: memref<32x32xf32, #tpu.memory_space<vmem>>, %arg7: memref<1x32xf32, #tpu.memory_space<vmem>>, %arg8: memref<32x8xf32, #tpu.memory_space<vmem>>, %arg9: memref<1x8xf32, #tpu.memory_space<vmem>>, %arg10: memref<32x256xf32, #tpu.memory_space<vmem>>, %arg11: memref<8x256xf32, #tpu.memory_space<vmem>>, %arg12: memref<1000x1xf32, #tpu.memory_space<vmem>>, %arg13: memref<1000x1xf32, #tpu.memory_space<vmem>>, %arg14: memref<1x3xf32, #tpu.memory_space<vmem>>, %arg15: memref<1000x288xf32, #tpu.memory_space<vmem>>, %arg16: memref<1000x32xf32, #tpu.memory_space<vmem>>, %arg17: memref<1000x8xf32, #tpu.memory_space<vmem>>, %arg18: memref<1000x1xf32, #tpu.memory_space<vmem>>) attributes {dimension_semantics = [#tpu.dimension_semantics<arbitrary>], iteration_bounds = array<i64: 10>, scalar_prefetch = 0 : i64, scratch_operands = 0 : i64, tpu.core_type = #tpu.core_type<tc>, window_params = [{transform_indices = @transform_0, window_bounds = array<i64: 1000, 128>}, {pipeline_mode = #tpu.pipeline_mode<synchronous>, transform_indices = @transform_1, window_bounds = array<i64: 128, 32>}, {pipeline_mode = #tpu.pipeline_mode<synchronous>, transform_indices = @transform_2, window_bounds = array<i64: 1, 32>}, {pipeline_mode = #tpu.pipeline_mode<synchronous>, transform_indices = @transform_3, window_bounds = array<i64: 32, 32>}, {pipeline_mode = #tpu.pipeline_mode<synchronous>, transform_indices = @transform_4, window_bounds = array<i64: 1, 32>}, {pipeline_mode = #tpu.pipeline_mode<synchronous>, transform_indices = @transform_5, window_bounds = array<i64: 32, 32>}, {pipeline_mode = #tpu.pipeline_mode<synchronous>, transform_indices = @transform_6, window_bounds = array<i64: 1, 32>}, {pipeline_mode = #tpu.pipeline_mode<synchronous>, transform_indices = @transform_7, window_bounds = array<i64: 32, 8>}, {pipeline_mode = #tpu.pipeline_mode<synchronous>, transform_indices = @transform_8, window_bounds = array<i64: 1, 8>}, {pipeline_mode = #tpu.pipeline_mode<synchronous>, transform_indices = @transform_9, window_bounds = array<i64: 32, 256>}, {pipeline_mode = #tpu.pipeline_mode<synchronous>, transform_indices = @transform_10, window_bounds = array<i64: 8, 256>}, {transform_indices = @transform_11, window_bounds = array<i64: 1000, 1>}, {transform_indices = @transform_12, window_bounds = array<i64: 1000, 1>}, {pipeline_mode = #tpu.pipeline_mode<synchronous>, transform_indices = @transform_13, window_bounds = array<i64: 1, 3>}, {transform_indices = @transform_14, window_bounds = array<i64: 1000, 288>}, {transform_indices = @transform_15, window_bounds = array<i64: 1000, 32>}, {transform_indices = @transform_16, window_bounds = array<i64: 1000, 8>}, {transform_indices = @transform_17, window_bounds = array<i64: 1000, 1>}]} {
    %get3A = arith.constant 0 : index
    %get3A_0 = arith.constant 0 : index
    %get3A_1 = vector.load %arg1[%get3A, %get3A_0] : memref<1000x128xf32, #tpu.memory_space<vmem>>, vector<1000x128xf32>
    %get3A_2 = arith.constant 0 : index
    %get3A_3 = arith.constant 0 : index
    %get3A_4 = vector.load %arg2[%get3A_2, %get3A_3] : memref<128x32xf32, #tpu.memory_space<vmem>>, vector<128x32xf32>
    %dot_general3A = arith.constant dense<0.000000e+00> : vector<1000x32xf32>
    %dot_general3A_5 = tpu.matmul %get3A_1, %get3A_4, %dot_general3A {dimension_numbers = #tpu.dot_dimension_numbers<[1], [0], [0], [1], [0, 0, 1, 1], [], []>, transpose_lhs_hint = false} : vector<1000x128xf32>, vector<128x32xf32>, vector<1000x32xf32> -> vector<1000x32xf32>
    %get3A_6 = arith.constant 0 : index
    %get3A_7 = arith.constant 0 : index
    %get3A_8 = vector.load %arg3[%get3A_6, %get3A_7] : memref<1x32xf32, #tpu.memory_space<vmem>>, vector<1x32xf32>
    %add3A = vector.broadcast %get3A_8 : vector<1x32xf32> to vector<1000x32xf32>
    %add3A_9 = arith.addf %dot_general3A_5, %add3A : vector<1000x32xf32>
    %max3A = arith.constant 0.000000e+00 : f32
    %max3A_10 = vector.broadcast %max3A : f32 to vector<1000x32xf32>
    %max3A_11 = arith.maximumf %add3A_9, %max3A_10 : vector<1000x32xf32>
    %get3A_12 = arith.constant 0 : index
    %get3A_13 = arith.constant 0 : index
    %get3A_14 = vector.load %arg4[%get3A_12, %get3A_13] : memref<32x32xf32, #tpu.memory_space<vmem>>, vector<32x32xf32>
    %dot_general3A_15 = arith.constant dense<0.000000e+00> : vector<1000x32xf32>
    %dot_general3A_16 = tpu.matmul %max3A_11, %get3A_14, %dot_general3A_15 {dimension_numbers = #tpu.dot_dimension_numbers<[1], [0], [0], [1], [0, 0, 1, 1], [], []>, transpose_lhs_hint = false} : vector<1000x32xf32>, vector<32x32xf32>, vector<1000x32xf32> -> vector<1000x32xf32>
    %get3A_17 = arith.constant 0 : index
    %get3A_18 = arith.constant 0 : index
    %get3A_19 = vector.load %arg5[%get3A_17, %get3A_18] : memref<1x32xf32, #tpu.memory_space<vmem>>, vector<1x32xf32>
    %add3A_20 = vector.broadcast %get3A_19 : vector<1x32xf32> to vector<1000x32xf32>
    %add3A_21 = arith.addf %dot_general3A_16, %add3A_20 : vector<1000x32xf32>
    %gt3A = arith.constant 0.000000e+00 : f32
    %gt3A_22 = vector.broadcast %gt3A : f32 to vector<1000x32xf32>
    %gt3A_23 = arith.cmpf ogt, %add3A_21, %gt3A_22 : vector<1000x32xf32>
    %exp3A = math.exp %add3A_21 : vector<1000x32xf32>
    %sub3A = arith.constant 1.000000e+00 : f32
    %sub3A_24 = vector.broadcast %sub3A : f32 to vector<1000x32xf32>
    %sub3A_25 = arith.subf %exp3A, %sub3A_24 : vector<1000x32xf32>
    %select_n3A = arith.select %gt3A_23, %add3A_21, %sub3A_25 : vector<1000x32xi1>, vector<1000x32xf32>
    %add3A_26 = arith.constant 1.000000e+00 : f32
    %add3A_27 = vector.broadcast %add3A_26 : f32 to vector<1000x32xf32>
    %add3A_28 = arith.addf %add3A_27, %select_n3A : vector<1000x32xf32>
    %get3A_29 = arith.constant 0 : index
    %get3A_30 = arith.constant 0 : index
    %get3A_31 = vector.load %arg6[%get3A_29, %get3A_30] : memref<32x32xf32, #tpu.memory_space<vmem>>, vector<32x32xf32>
    %dot_general3A_32 = arith.constant dense<0.000000e+00> : vector<1000x32xf32>
    %dot_general3A_33 = tpu.matmul %max3A_11, %get3A_31, %dot_general3A_32 {dimension_numbers = #tpu.dot_dimension_numbers<[1], [0], [0], [1], [0, 0, 1, 1], [], []>, transpose_lhs_hint = false} : vector<1000x32xf32>, vector<32x32xf32>, vector<1000x32xf32> -> vector<1000x32xf32>
    %get3A_34 = arith.constant 0 : index
    %get3A_35 = arith.constant 0 : index
    %get3A_36 = vector.load %arg7[%get3A_34, %get3A_35] : memref<1x32xf32, #tpu.memory_space<vmem>>, vector<1x32xf32>
    %add3A_37 = vector.broadcast %get3A_36 : vector<1x32xf32> to vector<1000x32xf32>
    %add3A_38 = arith.addf %dot_general3A_33, %add3A_37 : vector<1000x32xf32>
    %gt3A_39 = arith.constant 0.000000e+00 : f32
    %gt3A_40 = vector.broadcast %gt3A_39 : f32 to vector<1000x32xf32>
    %gt3A_41 = arith.cmpf ogt, %add3A_38, %gt3A_40 : vector<1000x32xf32>
    %exp3A_42 = math.exp %add3A_38 : vector<1000x32xf32>
    %sub3A_43 = arith.constant 1.000000e+00 : f32
    %sub3A_44 = vector.broadcast %sub3A_43 : f32 to vector<1000x32xf32>
    %sub3A_45 = arith.subf %exp3A_42, %sub3A_44 : vector<1000x32xf32>
    %select_n3A_46 = arith.select %gt3A_41, %add3A_38, %sub3A_45 : vector<1000x32xi1>, vector<1000x32xf32>
    %add3A_47 = arith.constant 1.000000e+00 : f32
    %add3A_48 = vector.broadcast %add3A_47 : f32 to vector<1000x32xf32>
    %add3A_49 = arith.addf %add3A_48, %select_n3A_46 : vector<1000x32xf32>
    %get3A_50 = arith.constant 0 : index
    %get3A_51 = arith.constant 0 : index
    %get3A_52 = vector.load %arg8[%get3A_50, %get3A_51] : memref<32x8xf32, #tpu.memory_space<vmem>>, vector<32x8xf32>
    %dot_general3A_53 = arith.constant dense<0.000000e+00> : vector<1000x8xf32>
    %dot_general3A_54 = tpu.matmul %max3A_11, %get3A_52, %dot_general3A_53 {dimension_numbers = #tpu.dot_dimension_numbers<[1], [0], [0], [1], [0, 0, 1, 1], [], []>, transpose_lhs_hint = false} : vector<1000x32xf32>, vector<32x8xf32>, vector<1000x8xf32> -> vector<1000x8xf32>
    %get3A_55 = arith.constant 0 : index
    %get3A_56 = arith.constant 0 : index
    %get3A_57 = vector.load %arg9[%get3A_55, %get3A_56] : memref<1x8xf32, #tpu.memory_space<vmem>>, vector<1x8xf32>
    %add3A_58 = vector.broadcast %get3A_57 : vector<1x8xf32> to vector<1000x8xf32>
    %add3A_59 = arith.addf %dot_general3A_54, %add3A_58 : vector<1000x8xf32>
    %get3A_60 = arith.constant 0 : index
    %get3A_61 = arith.constant 0 : index
    %get3A_62 = vector.load %arg12[%get3A_60, %get3A_61] : memref<1000x1xf32, #tpu.memory_space<vmem>>, vector<1000x1xf32>
    %get3A_63 = arith.constant 0 : index
    %get3A_64 = arith.constant 0 : index
    %get3A_65 = vector.load %arg13[%get3A_63, %get3A_64] : memref<1000x1xf32, #tpu.memory_space<vmem>>, vector<1000x1xf32>
    %add3A_66 = arith.addf %get3A_62, %get3A_65 : vector<1000x1xf32>
    %add3A_67 = arith.constant 1.000000e+00 : f32
    %add3A_68 = vector.broadcast %add3A_67 : f32 to vector<1000x1xf32>
    %add3A_69 = arith.addf %add3A_66, %add3A_68 : vector<1000x1xf32>
    %rsqrt3A = math.rsqrt %add3A_69 : vector<1000x1xf32>
    %get3A_70 = arith.constant 0 : index
    %get3A_71 = arith.constant 0 : index
    %get3A_72 = vector.load %arg10[%get3A_70, %get3A_71] : memref<32x256xf32, #tpu.memory_space<vmem>>, vector<32x256xf32>
    %dot_general3A_73 = arith.constant dense<0.000000e+00> : vector<1000x256xf32>
    %dot_general3A_74 = tpu.matmul %add3A_49, %get3A_72, %dot_general3A_73 {dimension_numbers = #tpu.dot_dimension_numbers<[1], [0], [0], [1], [0, 0, 1, 1], [], []>, transpose_lhs_hint = false} : vector<1000x32xf32>, vector<32x256xf32>, vector<1000x256xf32> -> vector<1000x256xf32>
    %get3A_75 = arith.constant 0 : index
    %get3A_76 = arith.constant 0 : index
    %get3A_77 = vector.load %arg11[%get3A_75, %get3A_76] : memref<8x256xf32, #tpu.memory_space<vmem>>, vector<8x256xf32>
    %dot_general3A_78 = arith.constant dense<0.000000e+00> : vector<1000x256xf32>
    %dot_general3A_79 = tpu.matmul %add3A_59, %get3A_77, %dot_general3A_78 {dimension_numbers = #tpu.dot_dimension_numbers<[1], [0], [0], [1], [0, 0, 1, 1], [], []>, transpose_lhs_hint = false} : vector<1000x8xf32>, vector<8x256xf32>, vector<1000x256xf32> -> vector<1000x256xf32>
    %mul3A = arith.mulf %dot_general3A_74, %dot_general3A_79 : vector<1000x256xf32>
    %concatenate3A = tpu.concatenate %mul3A, %add3A_49 in 1 : vector<1000x256xf32>, vector<1000x32xf32> -> vector<1000x288xf32>
    %mul3A_80 = vector.broadcast %rsqrt3A : vector<1000x1xf32> to vector<1000x288xf32>
    %mul3A_81 = arith.mulf %concatenate3A, %mul3A_80 : vector<1000x288xf32>
    %swap3A = arith.constant 0 : index
    %swap3A_82 = arith.constant 0 : index
    %swap3A_83 = vector.load %arg15[%swap3A, %swap3A_82] : memref<1000x288xf32, #tpu.memory_space<vmem>>, vector<1000x288xf32>
    tpu.vector_store %arg15[%swap3A, %swap3A_82], %mul3A_81 {strides = array<i32>} : memref<1000x288xf32, #tpu.memory_space<vmem>>, vector<1000x288xf32>,
    %swap3A_84 = arith.constant 0 : index
    %swap3A_85 = arith.constant 0 : index
    %swap3A_86 = vector.load %arg16[%swap3A_84, %swap3A_85] : memref<1000x32xf32, #tpu.memory_space<vmem>>, vector<1000x32xf32>
    tpu.vector_store %arg16[%swap3A_84, %swap3A_85], %add3A_28 {strides = array<i32>} : memref<1000x32xf32, #tpu.memory_space<vmem>>, vector<1000x32xf32>,
    %get3A_87 = arith.constant 0 : index
    %get3A_88 = arith.constant 0 : index
    %get3A_89 = vector.load %arg14[%get3A_87, %get3A_88] : memref<1x3xf32, #tpu.memory_space<vmem>>, vector<1x1xf32>
    %get3A_90 = vector.extract %get3A_89[0, 0] : f32 from vector<1x1xf32>
    %mul3A_91 = vector.broadcast %get3A_90 : f32 to vector<1000x8xf32>
    %mul3A_92 = arith.mulf %add3A_59, %mul3A_91 : vector<1000x8xf32>
    %swap3A_93 = arith.constant 0 : index
    %swap3A_94 = arith.constant 0 : index
    %swap3A_95 = vector.load %arg17[%swap3A_93, %swap3A_94] : memref<1000x8xf32, #tpu.memory_space<vmem>>, vector<1000x8xf32>
    tpu.vector_store %arg17[%swap3A_93, %swap3A_94], %mul3A_92 {strides = array<i32>} : memref<1000x8xf32, #tpu.memory_space<vmem>>, vector<1000x8xf32>,
    %swap3A_96 = arith.constant 0 : index
    %swap3A_97 = arith.constant 0 : index
    %swap3A_98 = vector.load %arg18[%swap3A_96, %swap3A_97] : memref<1000x1xf32, #tpu.memory_space<vmem>>, vector<1000x1xf32>
    tpu.vector_store %arg18[%swap3A_96, %swap3A_97], %rsqrt3A {strides = array<i32>} : memref<1000x1xf32, #tpu.memory_space<vmem>>, vector<1000x1xf32>,
    return
  }
  func.func @transform_0(%arg0: i32) -> (i32, i32) {
    %c0_i32 = arith.constant 0 : i32
    %c0_i32_0 = arith.constant 0 : i32
    return %arg0, %c0_i32 : i32, i32
  }
  func.func @transform_1(%arg0: i32) -> (i32, i32) {
    %c0_i32 = arith.constant 0 : i32
    %c0_i32_0 = arith.constant 0 : i32
    %c0_i32_1 = arith.constant 0 : i32
    return %c0_i32, %c0_i32_0 : i32, i32
  }
  func.func @transform_2(%arg0: i32) -> (i32, i32) {
    %c0_i32 = arith.constant 0 : i32
    %c0_i32_0 = arith.constant 0 : i32
    %c0_i32_1 = arith.constant 0 : i32
    return %c0_i32, %c0_i32_0 : i32, i32
  }
  func.func @transform_3(%arg0: i32) -> (i32, i32) {
    %c0_i32 = arith.constant 0 : i32
    %c0_i32_0 = arith.constant 0 : i32
    %c0_i32_1 = arith.constant 0 : i32
    return %c0_i32, %c0_i32_0 : i32, i32
  }
  func.func @transform_4(%arg0: i32) -> (i32, i32) {
    %c0_i32 = arith.constant 0 : i32
    %c0_i32_0 = arith.constant 0 : i32
    %c0_i32_1 = arith.constant 0 : i32
    return %c0_i32, %c0_i32_0 : i32, i32
  }
  func.func @transform_5(%arg0: i32) -> (i32, i32) {
    %c0_i32 = arith.constant 0 : i32
    %c0_i32_0 = arith.constant 0 : i32
    %c0_i32_1 = arith.constant 0 : i32
    return %c0_i32, %c0_i32_0 : i32, i32
  }
  func.func @transform_6(%arg0: i32) -> (i32, i32) {
    %c0_i32 = arith.constant 0 : i32
    %c0_i32_0 = arith.constant 0 : i32
    %c0_i32_1 = arith.constant 0 : i32
    return %c0_i32, %c0_i32_0 : i32, i32
  }
  func.func @transform_7(%arg0: i32) -> (i32, i32) {
    %c0_i32 = arith.constant 0 : i32
    %c0_i32_0 = arith.constant 0 : i32
    %c0_i32_1 = arith.constant 0 : i32
    return %c0_i32, %c0_i32_0 : i32, i32
  }
  func.func @transform_8(%arg0: i32) -> (i32, i32) {
    %c0_i32 = arith.constant 0 : i32
    %c0_i32_0 = arith.constant 0 : i32
    %c0_i32_1 = arith.constant 0 : i32
    return %c0_i32, %c0_i32_0 : i32, i32
  }
  func.func @transform_9(%arg0: i32) -> (i32, i32) {
    %c0_i32 = arith.constant 0 : i32
    %c0_i32_0 = arith.constant 0 : i32
    %c0_i32_1 = arith.constant 0 : i32
    return %c0_i32, %c0_i32_0 : i32, i32
  }
  func.func @transform_10(%arg0: i32) -> (i32, i32) {
    %c0_i32 = arith.constant 0 : i32
    %c0_i32_0 = arith.constant 0 : i32
    %c0_i32_1 = arith.constant 0 : i32
    return %c0_i32, %c0_i32_0 : i32, i32
  }
  func.func @transform_11(%arg0: i32) -> (i32, i32) {
    %c0_i32 = arith.constant 0 : i32
    %c0_i32_0 = arith.constant 0 : i32
    return %arg0, %c0_i32 : i32, i32
  }
  func.func @transform_12(%arg0: i32) -> (i32, i32) {
    %c0_i32 = arith.constant 0 : i32
    %c0_i32_0 = arith.constant 0 : i32
    return %arg0, %c0_i32 : i32, i32
  }
  func.func @transform_13(%arg0: i32) -> (i32, i32) {
    %c0_i32 = arith.constant 0 : i32
    %c0_i32_0 = arith.constant 0 : i32
    %c0_i32_1 = arith.constant 0 : i32
    return %c0_i32, %c0_i32_0 : i32, i32
  }
  func.func @transform_14(%arg0: i32) -> (i32, i32) {
    %c0_i32 = arith.constant 0 : i32
    %c0_i32_0 = arith.constant 0 : i32
    return %arg0, %c0_i32 : i32, i32
  }
  func.func @transform_15(%arg0: i32) -> (i32, i32) {
    %c0_i32 = arith.constant 0 : i32
    %c0_i32_0 = arith.constant 0 : i32
    return %arg0, %c0_i32 : i32, i32
  }
  func.func @transform_16(%arg0: i32) -> (i32, i32) {
    %c0_i32 = arith.constant 0 : i32
    %c0_i32_0 = arith.constant 0 : i32
    return %arg0, %c0_i32 : i32, i32
  }
  func.func @transform_17(%arg0: i32) -> (i32, i32) {
    %c0_i32 = arith.constant 0 : i32
    %c0_i32_0 = arith.constant 0 : i32
    return %arg0, %c0_i32 : i32, i32
  }
}

module attributes {stable_mosaic.version = 14 : i64} {
  func.func @_post_body(%arg0: i32, %arg1: memref<1x1000x144xf32, #tpu.memory_space<vmem>>, %arg2: memref<1x1000x144xf32, #tpu.memory_space<vmem>>, %arg3: memref<1000x32xf32, #tpu.memory_space<vmem>>, %arg4: memref<1000x1xf32, #tpu.memory_space<vmem>>, %arg5: memref<1000x8xf32, #tpu.memory_space<vmem>>, %arg6: memref<32x256xf32, #tpu.memory_space<vmem>>, %arg7: memref<256x8xf32, #tpu.memory_space<vmem>>, %arg8: memref<1x1xf32, #tpu.memory_space<vmem>>, %arg9: memref<1000x8xf32, #tpu.memory_space<vmem>>, %arg10: memref<1000x288xf32, #tpu.memory_space<vmem>>) attributes {dimension_semantics = [#tpu.dimension_semantics<arbitrary>], iteration_bounds = array<i64: 10>, scalar_prefetch = 0 : i64, scratch_operands = 0 : i64, tpu.core_type = #tpu.core_type<tc>, window_params = [{transform_indices = @transform_0, window_bounds = array<i64: 1, 1000, 144>}, {transform_indices = @transform_1, window_bounds = array<i64: 1, 1000, 144>}, {transform_indices = @transform_2, window_bounds = array<i64: 1000, 32>}, {transform_indices = @transform_3, window_bounds = array<i64: 1000, 1>}, {transform_indices = @transform_4, window_bounds = array<i64: 1000, 8>}, {pipeline_mode = #tpu.pipeline_mode<synchronous>, transform_indices = @transform_5, window_bounds = array<i64: 32, 256>}, {pipeline_mode = #tpu.pipeline_mode<synchronous>, transform_indices = @transform_6, window_bounds = array<i64: 256, 8>}, {pipeline_mode = #tpu.pipeline_mode<synchronous>, transform_indices = @transform_7, window_bounds = array<i64: 1, 1>}, {transform_indices = @transform_8, window_bounds = array<i64: 1000, 8>}, {transform_indices = @transform_9, window_bounds = array<i64: 1000, 288>}]} {
    %get3A = arith.constant 0 : index
    %get3A_0 = arith.constant 0 : index
    %get3A_1 = arith.constant 0 : index
    %get3A_2 = vector.load %arg1[%get3A, %get3A_0, %get3A_1] : memref<1x1000x144xf32, #tpu.memory_space<vmem>>, vector<1x1000x144xf32>
    %get3A_3 = vector.shape_cast %get3A_2 : vector<1x1000x144xf32> to vector<1000x144xf32>
    %get3A_4 = arith.constant 0 : index
    %get3A_5 = arith.constant 0 : index
    %get3A_6 = arith.constant 0 : index
    %get3A_7 = vector.load %arg2[%get3A_4, %get3A_5, %get3A_6] : memref<1x1000x144xf32, #tpu.memory_space<vmem>>, vector<1x1000x144xf32>
    %get3A_8 = vector.shape_cast %get3A_7 : vector<1x1000x144xf32> to vector<1000x144xf32>
    %concatenate3A = tpu.concatenate %get3A_3, %get3A_8 in 1 : vector<1000x144xf32>, vector<1000x144xf32> -> vector<1000x288xf32>
    %get3A_9 = arith.constant 0 : index
    %get3A_10 = arith.constant 0 : index
    %get3A_11 = vector.load %arg4[%get3A_9, %get3A_10] : memref<1000x1xf32, #tpu.memory_space<vmem>>, vector<1000x1xf32>
    %slice3A = vector.extract_strided_slice %concatenate3A {offsets = [0, 0], sizes = [1000, 256], strides = [1, 1]} : vector<1000x288xf32> to vector<1000x256xf32>
    %mul3A = vector.broadcast %get3A_11 : vector<1000x1xf32> to vector<1000x256xf32>
    %mul3A_12 = arith.mulf %slice3A, %mul3A : vector<1000x256xf32>
    %slice3A_13 = vector.extract_strided_slice %concatenate3A {offsets = [0, 256], sizes = [1000, 32], strides = [1, 1]} : vector<1000x288xf32> to vector<1000x32xf32>
    %mul3A_14 = vector.broadcast %get3A_11 : vector<1000x1xf32> to vector<1000x32xf32>
    %mul3A_15 = arith.mulf %slice3A_13, %mul3A_14 : vector<1000x32xf32>
    %get3A_16 = arith.constant 0 : index
    %get3A_17 = arith.constant 0 : index
    %get3A_18 = vector.load %arg3[%get3A_16, %get3A_17] : memref<1000x32xf32, #tpu.memory_space<vmem>>, vector<1000x32xf32>
    %get3A_19 = arith.constant 0 : index
    %get3A_20 = arith.constant 0 : index
    %get3A_21 = vector.load %arg6[%get3A_19, %get3A_20] : memref<32x256xf32, #tpu.memory_space<vmem>>, vector<32x256xf32>
    %dot_general3A = arith.constant dense<0.000000e+00> : vector<1000x256xf32>
    %dot_general3A_22 = tpu.matmul %get3A_18, %get3A_21, %dot_general3A {dimension_numbers = #tpu.dot_dimension_numbers<[1], [0], [0], [1], [0, 0, 1, 1], [], []>, transpose_lhs_hint = false} : vector<1000x32xf32>, vector<32x256xf32>, vector<1000x256xf32> -> vector<1000x256xf32>
    %mul3A_23 = arith.mulf %dot_general3A_22, %mul3A_12 : vector<1000x256xf32>
    %get3A_24 = arith.constant 0 : index
    %get3A_25 = arith.constant 0 : index
    %get3A_26 = vector.load %arg7[%get3A_24, %get3A_25] : memref<256x8xf32, #tpu.memory_space<vmem>>, vector<256x8xf32>
    %dot_general3A_27 = arith.constant dense<0.000000e+00> : vector<1000x8xf32>
    %dot_general3A_28 = tpu.matmul %mul3A_23, %get3A_26, %dot_general3A_27 {dimension_numbers = #tpu.dot_dimension_numbers<[1], [0], [0], [1], [0, 0, 1, 1], [], []>, transpose_lhs_hint = false} : vector<1000x256xf32>, vector<256x8xf32>, vector<1000x8xf32> -> vector<1000x8xf32>
    %mul3A_29 = arith.mulf %get3A_18, %mul3A_15 : vector<1000x32xf32>
    %reduce_sum3A = arith.constant dense<0.000000e+00> : vector<1000xf32>
    %reduce_sum3A_30 = vector.multi_reduction <add>, %mul3A_29, %reduce_sum3A [1] : vector<1000x32xf32> to vector<1000xf32>
    %broadcast_in_dim3A = vector.shape_cast %reduce_sum3A_30 : vector<1000xf32> to vector<1000x1xf32>
    %add3A = arith.constant 9.99999974E-6 : f32
    %add3A_31 = vector.broadcast %add3A : f32 to vector<1000x1xf32>
    %add3A_32 = arith.addf %broadcast_in_dim3A, %add3A_31 : vector<1000x1xf32>
    %get3A_33 = arith.constant 0 : index
    %get3A_34 = arith.constant 0 : index
    %get3A_35 = vector.load %arg5[%get3A_33, %get3A_34] : memref<1000x8xf32, #tpu.memory_space<vmem>>, vector<1000x8xf32>
    %get3A_36 = arith.constant 0 : index
    %get3A_37 = arith.constant 0 : index
    %get3A_38 = vector.load %arg8[%get3A_36, %get3A_37] : memref<1x1xf32, #tpu.memory_space<vmem>>, vector<1x1xf32>
    %get3A_39 = vector.extract %get3A_38[0, 0] : f32 from vector<1x1xf32>
    %div3A = vector.broadcast %add3A_32 : vector<1000x1xf32> to vector<1000x8xf32>
    %div3A_40 = arith.divf %dot_general3A_28, %div3A : vector<1000x8xf32>
    %mul3A_41 = vector.broadcast %get3A_39 : f32 to vector<1000x8xf32>
    %mul3A_42 = arith.mulf %mul3A_41, %div3A_40 : vector<1000x8xf32>
    %add3A_43 = arith.addf %get3A_35, %mul3A_42 : vector<1000x8xf32>
    %swap3A = arith.constant 0 : index
    %swap3A_44 = arith.constant 0 : index
    %swap3A_45 = vector.load %arg9[%swap3A, %swap3A_44] : memref<1000x8xf32, #tpu.memory_space<vmem>>, vector<1000x8xf32>
    tpu.vector_store %arg9[%swap3A, %swap3A_44], %add3A_43 {strides = array<i32>} : memref<1000x8xf32, #tpu.memory_space<vmem>>, vector<1000x8xf32>,
    %mul3A_46 = arith.mulf %get3A_11, %get3A_11 : vector<1000x1xf32>
    %mul3A_47 = vector.broadcast %mul3A_46 : vector<1000x1xf32> to vector<1000x288xf32>
    %mul3A_48 = arith.mulf %concatenate3A, %mul3A_47 : vector<1000x288xf32>
    %swap3A_49 = arith.constant 0 : index
    %swap3A_50 = arith.constant 0 : index
    %swap3A_51 = vector.load %arg10[%swap3A_49, %swap3A_50] : memref<1000x288xf32, #tpu.memory_space<vmem>>, vector<1000x288xf32>
    tpu.vector_store %arg10[%swap3A_49, %swap3A_50], %mul3A_48 {strides = array<i32>} : memref<1000x288xf32, #tpu.memory_space<vmem>>, vector<1000x288xf32>,
    return
  }
  func.func @transform_0(%arg0: i32) -> (i32, i32, i32) {
    %c0_i32 = arith.constant 0 : i32
    %c0_i32_0 = arith.constant 0 : i32
    %c0_i32_1 = arith.constant 0 : i32
    return %c0_i32, %arg0, %c0_i32_0 : i32, i32, i32
  }
  func.func @transform_1(%arg0: i32) -> (i32, i32, i32) {
    %c1_i32 = arith.constant 1 : i32
    %c0_i32 = arith.constant 0 : i32
    %c0_i32_0 = arith.constant 0 : i32
    return %c1_i32, %arg0, %c0_i32 : i32, i32, i32
  }
  func.func @transform_2(%arg0: i32) -> (i32, i32) {
    %c0_i32 = arith.constant 0 : i32
    %c0_i32_0 = arith.constant 0 : i32
    return %arg0, %c0_i32 : i32, i32
  }
  func.func @transform_3(%arg0: i32) -> (i32, i32) {
    %c0_i32 = arith.constant 0 : i32
    %c0_i32_0 = arith.constant 0 : i32
    return %arg0, %c0_i32 : i32, i32
  }
  func.func @transform_4(%arg0: i32) -> (i32, i32) {
    %c0_i32 = arith.constant 0 : i32
    %c0_i32_0 = arith.constant 0 : i32
    return %arg0, %c0_i32 : i32, i32
  }
  func.func @transform_5(%arg0: i32) -> (i32, i32) {
    %c0_i32 = arith.constant 0 : i32
    %c0_i32_0 = arith.constant 0 : i32
    %c0_i32_1 = arith.constant 0 : i32
    return %c0_i32, %c0_i32_0 : i32, i32
  }
  func.func @transform_6(%arg0: i32) -> (i32, i32) {
    %c0_i32 = arith.constant 0 : i32
    %c0_i32_0 = arith.constant 0 : i32
    %c0_i32_1 = arith.constant 0 : i32
    return %c0_i32, %c0_i32_0 : i32, i32
  }
  func.func @transform_7(%arg0: i32) -> (i32, i32) {
    %c0_i32 = arith.constant 0 : i32
    %c0_i32_0 = arith.constant 0 : i32
    %c0_i32_1 = arith.constant 0 : i32
    return %c0_i32, %c0_i32_0 : i32, i32
  }
  func.func @transform_8(%arg0: i32) -> (i32, i32) {
    %c0_i32 = arith.constant 0 : i32
    %c0_i32_0 = arith.constant 0 : i32
    return %arg0, %c0_i32 : i32, i32
  }
  func.func @transform_9(%arg0: i32) -> (i32, i32) {
    %c0_i32 = arith.constant 0 : i32
    %c0_i32_0 = arith.constant 0 : i32
    return %arg0, %c0_i32 : i32, i32
  }
}

</mosaic_0001>

<sc_bundles>
// kernel: closed_call.13.cloned.1.call-start
scs
__scs_entry_jumppad:
0x0: {  	(pc) =	sbr.rel $0x88, $3  }
0x1: {  	(tag) =	ssettag $0x0;
	lr =	simm.s32 $0x1  }
0x2: {  	[smem:$0x3F96] =	sst lr;
	_ =	strace $0xD0000000  }
0x3: {  	_ = 	snop  }
0x4: {  	_ = 	snop  }
0x5: {  	_ = 	snop  }
0x6: {  	_ = 	snop  }
0x7: {  	_ = 	snop  }
__scs_overlays_trampoline_lowered:
0x8: {  	[smem:$0x3FA5] =	sst s0  }
0x9: {  	[smem:$0x3FA6] =	sst s1  }
0xa: {  	[smem:$0x3FA7] =	sst s2  }
0xb: {  	[smem:$0x3FA8] =	sst s3  }
0xc: {  	[smem:$0x3FA9] =	sst s4  }
0xd: {  	[smem:$0x3FAA] =	sst s5  }
0xe: {  	[smem:$0x3FAB] =	sst s6  }
0xf: {  	[smem:$0x3FAC] =	sst s7  }
0x10: {  	[smem:$0x3FAD] =	sst s8  }
0x11: {  	[smem:$0x3FAE] =	sst s9;
	s0 =	simm.s32 @!p0 $0x0  }
0x12: {  	s1 =	sld [smem:$0x3F94];
	s0 =	simm.s32 @p0 $0x1  }
0x13: {  	[smem:$0x3FAF] =	sst s0;
	s0 =	simm.s32 @!p1 $0x0  }
0x14: {  	s2 =	sld [smem:$0x3F93];
	s0 =	simm.s32 @p1 $0x1  }
0x15: {  	[smem:$0x3FB0] =	sst s0;
	s0 =	simm.s32 @!p2 $0x0  }
0x16: {  	s3 =	sld [smem:$0x3FDB];
	s0 =	simm.s32 @p2 $0x1  }
0x17: {  	s4 =	simm.s32 $0x1BF5;
	[smem:$0x3FB2] =	sst s0  }
0x18: {  	s0 =	sld [smem:$0x3F95];
	_ =	swait.ge [sflag:s4], $0x0  }
0x19: {  	s7 =	sld [smem:$0x3F96]  }
0x1a: {  	s8 =	sadd.s32 $0xFFFFE003, lr  }
0x1b: {  	s9 =	sadd.s32 $0xFFFFFEF7, lr;
	s5 =	simm.s32 $0xFFFFFFFF;
	p2 =	slt.u32 s8, $0xFFFFF086  }
0x1c: {  	p1 =	slt.u32 s9, $0xF7A;
	s5 =	simm.s32 @!p2 $0x0  }
0x1d: {  	s5 =	simm.s32 @p1 $0x1;
	p0 =	seq.s32 s7, s2  }
0x1e: {  	s7 =	smul.u32 @!p0 $0xF7A, s2;
	p2 =	seq.s32 @!p0 s5, $0x0  }
0x1f: {  	s9 =	smul.u32 $0xF7A, s1;
	s8 =	simm.s32 @!p0 $0x1BF5;
	p2 =	por !p2, p0  }
0x20: {  	[sflag:s8] =	ssyncset.s32 @!p0 $0xFFFFF086;
	s6 =	sadd.s32 @!p0 s3, s7;
	s7 =	simm.s32 @!p0 $0x108  }
0x21: {  	s3 =	sadd.s32 s3, s9;
	s6 =	sadd.s32 @!p0 $0x88, s6;
	s7 =	simm.s32 @p2 $0x1082  }
0x22: {  	[simem:s7], [sflag:s8] =	dma.local @!p0 [hbm:s6], $0xF7A  }
0x23: {  	s9 =	sor.u32 $0xD0000000, s2;
	s6 =	simm.s32 $0x108;
	_ =	swait.ge @!p0 [sflag:s8], $0x0  }
0x24: {  	s3 =	sadd.s32 $0x88, s3;
	s6 =	simm.s32 @!p1 $0x1082;
	[sflag:s4] =	ssyncset.s32 $0xFFFFF086  }
0x25: {  	[simem:s6], [sflag:s4] =	dma.local [hbm:s3], $0xF7A  }
0x26: {  	[smem:$0x3F96] =	sst s1;
	(tag) =	ssettag s2;
	_ =	strace s9  }
0x27: {  	s1 =	sld [smem:$0x3FA6]  }
0x28: {  	s2 =	sld [smem:$0x3FA7]  }
0x29: {  	s4 =	sld [smem:$0x3FA9]  }
0x2a: {  	p0 =	seq.s32 s5, $0x0;
	s5 =	sld [smem:$0x3FAA]  }
0x2b: {  	s6 =	sld [smem:$0x3FAB]  }
0x2c: {  	s7 =	sld [smem:$0x3FAC]  }
0x2d: {  	s3 =	simm.s32 $0x108;
	s8 =	sld [smem:$0x3FAD]  }
0x2e: {  	s3 =	simm.s32 @!p0 $0x1082;
	s9 =	sld [smem:$0x3FAE]  }
0x2f: {  	lr =	sadd.s32 s0, s3;
	s0 =	sld [smem:$0x3FA5]  }
0x30: {  	s3 =	sld [smem:$0x3FA8]  }
0x31: {  	[smem:$0x3FB1] =	sst s10  }
0x32: {  	s10 =	sld [smem:$0x3FAF];
	_ =	sdelay $0x3  }
0x33: {  	p0 =	seq.s32 s10, $0x1;
	s10 =	sld [smem:$0x3FB1];
	_ =	sdelay $0x3  }
0x34: {  	[smem:$0x3FB1] =	sst s10  }
0x35: {  	s10 =	sld [smem:$0x3FB0];
	_ =	sdelay $0x3  }
0x36: {  	p1 =	seq.s32 s10, $0x1;
	s10 =	sld [smem:$0x3FB1];
	_ =	sdelay $0x3  }
0x37: {  	[smem:$0x3FB1] =	sst s10  }
0x38: {  	s10 =	sld [smem:$0x3FB2]  }
0x39: {  	_ = 	snop;
	(pc) =	sbr.ind lr, $3  }
0x3a: {  	_ = 	snop  }
0x3b: {  	_ = 	snop  }
0x3c: {  	p2 =	seq.s32 s10, $0x1;
	s10 =	sld [smem:$0x3FB1]  }
0x3d: {  	_ =	shalt  }
0x3e: {  	_ =	shalt  }
0x3f: {  	_ =	shalt  }
0x40: {  	_ =	shalt  }
0x41: {  	_ =	shalt  }
0x42: {  	_ =	shalt  }
0x43: {  	_ =	shalt  }
0x44: {  	_ =	shalt  }
0x45: {  	_ =	shalt  }
0x46: {  	_ =	shalt  }
0x47: {  	_ =	shalt  }
0x48: {  	_ =	shalt  }
0x49: {  	_ =	shalt  }
0x4a: {  	_ =	shalt  }
0x4b: {  	_ =	shalt  }
0x4c: {  	_ =	shalt  }
0x4d: {  	_ =	shalt  }
0x4e: {  	_ =	shalt  }
0x4f: {  	_ =	shalt  }
0x50: {  	_ =	shalt  }
0x51: {  	_ =	shalt  }
0x52: {  	_ =	shalt  }
0x53: {  	_ =	shalt  }
0x54: {  	_ =	shalt  }
0x55: {  	_ =	shalt  }
0x56: {  	_ =	shalt  }
0x57: {  	_ =	shalt  }
0x58: {  	_ =	shalt  }
0x59: {  	_ =	shalt  }
0x5a: {  	_ =	shalt  }
0x5b: {  	_ =	shalt  }
0x5c: {  	_ =	shalt  }
0x5d: {  	_ =	shalt  }
0x5e: {  	_ =	shalt  }
0x5f: {  	_ =	shalt  }
0x60: {  	_ =	shalt  }
0x61: {  	_ =	shalt  }
0x62: {  	_ =	shalt  }
0x63: {  	_ =	shalt  }
0x64: {  	_ =	shalt  }
0x65: {  	_ =	shalt  }
0x66: {  	_ =	shalt  }
0x67: {  	_ =	shalt  }
0x68: {  	_ =	shalt  }
0x69: {  	_ =	shalt  }
0x6a: {  	_ =	shalt  }
0x6b: {  	_ =	shalt  }
0x6c: {  	_ =	shalt  }
0x6d: {  	_ =	shalt  }
0x6e: {  	_ =	shalt  }
0x6f: {  	_ =	shalt  }
0x70: {  	_ =	shalt  }
0x71: {  	_ =	shalt  }
0x72: {  	_ =	shalt  }
0x73: {  	_ =	shalt  }
0x74: {  	_ =	shalt  }
0x75: {  	_ =	shalt  }
0x76: {  	_ =	shalt  }
0x77: {  	_ =	shalt  }
0x78: {  	_ =	shalt  }
0x79: {  	_ =	shalt  }
0x7a: {  	_ =	shalt  }
0x7b: {  	_ =	shalt  }
0x7c: {  	_ =	shalt  }
0x7d: {  	_ =	shalt  }
0x7e: {  	_ =	shalt  }
0x7f: {  	_ =	shalt  }
0x80: {  	_ =	shalt  }
0x81: {  	_ =	shalt  }
0x82: {  	_ =	shalt  }
0x83: {  	_ =	shalt  }
0x84: {  	_ =	shalt  }
0x85: {  	_ =	shalt  }
0x86: {  	_ =	shalt  }
0x87: {  	_ =	shalt  }
.Lfunc_end0:
.L_simem_size_0:
called_computation_lowered:
.L_overlay_start_0:
0x88: {  	s2 =	sld [smem:$0x3FD9]  }
0x89: {  	s3 =	sld [smem:$0x3FFE];
	_ =	sdelay $0x1  }
0x8a: {  	s1 =	srdreg.scid  }
0x8b: {  	s0 =	sand.u32 $0x1, s1  }
0x8c: {  	s16 =	sshll.u32 s0, $0xA;
	s2 =	sadd.s32 s3, s2  }
0x8d: {  	s2 =	sadd.s32 s2, s16  }
0x8e: {  	[smem:$0x3FBD] =	sst s2  }
0x8f: {  	_ = 	snop  }
0x90: {  	(tm) =	ssettm $0x1  }
0x91: {  	s17 =	sld [smem:$0x3FFB];
	_ =	sdelay $0x3  }
0x92: {  	_ =	strace s17  }
0x93: {  	s2 =	sld [smem:$0x3FFC];
	_ =	sdelay $0x3  }
0x94: {  	_ =	strace s2  }
0x95: {  	s2 =	sld [smem:$0x3FFD];
	_ =	sdelay $0x3  }
0x96: {  	_ =	strace s2  }
0x97: {  	_ =	strace $0x8FFFFFFF  }
0x98: {  	s18 =	sld [smem:$0x3FDB];
	_ =	sdelay $0x1  }
0x99: {  	s19 =	simm.s32 $_scs_section_size  }
0x9a: {  	s4 =	simm.s32 $_size__tile_overlayer_lowered;
	s5 =	simm.s32 $_tile_overlayer_lowered  }
0x9b: {  	s22 =	simm.s32 $0x1BFF;
	s21 =	sshll.u32 s5, $0x1;
	s2 =	sadd.s32 s19, s18  }
0x9c: {  	s6 =	simm.s32 $0x0;
	s20 =	sshll.u32 s4, $0x1;
	s4 =	sadd.s32 s21, s2  }
0x9d: {  	[timem:s6], [sflag:s22] =	dma.local [hbm:s4], s20  }
0x9e: {  	_ =	swait.ge [sflag:s22], s20  }
0x9f: {  	s3 =	ssub.s32 $0x0, s20;
	[sflag:s22] =	ssyncset.done $0x0  }
0xa0: {  	[sflag:s22] =	ssyncadd.s32 s3;
	_ =	sdelay $0x1  }
0xa1: {  	s23 =	simm.s32 $0x1B8B  }
0xa2: {  	_ =	swait.ge [sflag:s23], $0x1  }
0xa3: {  	[sflag:s23] =	ssyncset.done $0x0  }
0xa4: {  	s25 =	simm.s32 $0x1B8E;
	s24 =	sld [smem:$0x3FFE];
	[sflag:s23] =	ssyncadd.s32 $0xFFFFFFFF  }
0xa5: {  	s26 =	simm.s32 $execute0_lowered;
	[smem:$0x3FD2] =	sst s25  }
0xa6: {  	s4 =	sshll.u32 s26, $0x1;
	_ =	strace $0x80000049;
	[dreg:$0x1] =	wrdreg $0xFFFFFFFF  }
0xa7: {  	s28 =	simm.s32 $_size_execute0_lowered;
	s2 =	sadd.s32 s2, s4;
	[dreg:$0x0] =	wrdreg $0x0  }
0xa8: {  	s4 =	sshll.u32 s28, $0x1;
	[dreg:$0x2] =	wrdreg s2  }
0xa9: {  	[dreg:$0x3] =	wrdreg s4  }
0xaa: {  	[dreg:$0x4] =	wrdreg $0xC0  }
0xab: {  	_ =	task [dreg:s6], $0x5FFFF  }
0xac: {  	[dreg:$0x1] =	wrdreg $0xFFFFFFFF  }
0xad: {  	[dreg:$0x0] =	wrdreg $0x60  }
0xae: {  	[dreg:$0x2] =	wrdreg s24  }
0xaf: {  	[dreg:$0x3] =	wrdreg $0x92E00  }
0xb0: {  	[dreg:$0x4] =	wrdreg $0x9  }
0xb1: {  	_ =	task.clear_ibuf [dreg:s6], $0x5FFFF;
	_ =	strace $0x90000049  }
0xb2: {  	s29 =	simm.s32 $0x9;
	_ =	strace $0x8000004B  }
0xb3: {  	_ =	swait.ge [sflag:s29], $0x1  }
0xb4: {  	[sflag:s29] =	ssyncadd.s32 $0xFFFFFFFF  }
0xb5: {  	_ =	strace $0x9000004B  }
0xb6: {  	_ =	sfence  }
0xb7: {  	s30 =	sld [smem:$0x0];
	_ =	sdelay $0x2  }
0xb8: {  	s31 =	sshll.u32 s1, $0xD;
	s1 =	sshrl.u32 s1, $0x2  }
0xb9: {  	s3 =	sand.u32 $0x4000, s31;
	s1 =	sadd.s32 s1, s30  }
0xba: {  	s0 =	sor.u32 s3, s0;
	s1 =	sshll.u32 s1, $0x11  }
0xbb: {  	s0 =	sor.u32 s1, s0  }
0xbc: {  	s0 =	sadd.s32 $0x8F2B, s0  }
0xbd: {  	[sflag:s0] =	ssyncadd.remote.s32 $0x1  }
0xbe: {  	_ =	sfence.sel $0xFFFF  }
0xbf: {  	[dreg:$0x0] =	wrdreg $0xFFFFFFFF;
	(pc) =	sbr.abs _section_cstart, $3  }
0xc0: {  	[dreg:$0x1] =	wrdreg $0xFFFFFFFF  }
0xc1: {  	_ =	task.clear_ibuf [dreg:s6], $0x2FFFF;
	_ =	strace $0x9FFFFFFF  }
0xc2: {  	(tm) =	ssettm $0x7FFFFFFF  }
0xc3: {  	_ =	shalt  }
tec
execute0_lowered:
.L_overlay_start_1:
0x0: {  	(tag) =	ssettag $0x1  }
0x1: {  	s18 =	stileid.u32  }
0x2: {  	s1 =	smul.u32 $0x280, s18  }
0x3: {  	v35 =	vlaneseq.u32  }
0x4: {  	s2 =	srdreg.scid;
	s22 =	simm.s32 $0x0;
	v0 =	vor.u32 s1, v35  }
0x5: {  	s0 =	sor.u32 $0x10, s1;
	s3 =	sor.u32 $0x30, s1;
	s8 =	sor.u32 $0x40, s1;
	v0 =	vmin.u32 v0, $0x270F  }
0x6: {  	s9 =	sor.u32 $0x60, s1;
	s10 =	sor.u32 $0x70, s1;
	s11 =	sadd.s32 $0x80, s1;
	v1 =	vor.u32 s0, v35;
	v4 =	vor.u32 s3, v35;
	v5 =	vor.u32 s8, v35  }
0x7: {  	s12 =	sadd.s32 $0x90, s1;
	s13 =	sadd.s32 $0xB0, s1;
	s14 =	sadd.s32 $0xC0, s1;
	v7 =	vor.u32 s9, v35;
	v8 =	vor.u32 s10, v35;
	v9 =	vor.u32 s11, v35  }
0x8: {  	s15 =	sadd.s32 $0xD0, s1;
	s16 =	sadd.s32 $0xE0, s1;
	s17 =	sadd.s32 $0xF0, s1;
	v10 =	vor.u32 s12, v35;
	v12 =	vor.u32 s13, v35;
	v13 =	vor.u32 s14, v35  }
0x9: {  	s19 =	sadd.s32 $0x100, s1;
	s4 =	sadd.s32 $0x110, s1;
	s5 =	sadd.s32 $0x120, s1;
	v14 =	vor.u32 s15, v35;
	v15 =	vor.u32 s16, v35;
	v16 =	vor.u32 s17, v35  }
0xa: {  	s21 =	sadd.s32 $0x130, s1;
	s6 =	sadd.s32 $0x140, s1;
	s24 =	sadd.s32 $0x170, s1;
	v17 =	vor.u32 s19, v35;
	v18 =	vor.u32 s4, v35;
	v19 =	vor.u32 s5, v35  }
0xb: {  	[smem:$0x7FF] =	sst s22;
	s25 =	sadd.s32 $0x190, s1;
	s22 =	sadd.s32 $0x1E0, s1;
	v20 =	vor.u32 s21, v35;
	v21 =	vor.u32 s6, v35;
	v24 =	vor.u32 s24, v35  }
0xc: {  	s0 =	sand.u32 $0x1, s2;
	v26 =	vor.u32 s25, v35;
	v31 =	vor.u32 s22, v35;
	v2 =	vshll.u32 v0, $0x1  }
0xd: {  	v3 =	vmin.u32 v1, $0x270F;
	v0 =	vmov s0;
	v4 =	vmin.u32 v4, $0x270F  }
0xe: {  	s8 =	sadd.s32 $0xA0, s1;
	v5 =	vmin.u32 v5, $0x270F;
	v7 =	vmin.u32 v7, $0x270F;
	v8 =	vmin.u32 v8, $0x270F  }
0xf: {  	v9 =	vmin.u32 v9, $0x270F;
	v10 =	vmin.u32 v10, $0x270F;
	v11 =	vor.u32 s8, v35  }
0x10: {  	v12 =	vmin.u32 v12, $0x270F;
	v13 =	vmin.u32 v13, $0x270F;
	v14 =	vmin.u32 v14, $0x270F  }
0x11: {  	s20 =	rddreg [dreg:$0x0];
	s9 =	sadd.s32 $0x150, s1;
	v15 =	vmin.u32 v15, $0x270F;
	v16 =	vmin.u32 v16, $0x270F;
	v17 =	vmin.u32 v17, $0x270F  }
0x12: {  	s4 =	sadd.s32 $0x8D600, s20;
	s5 =	sadd.s32 $0x83600, s20;
	s10 =	sadd.s32 $0x160, s1;
	v18 =	vmin.u32 v18, $0x270F;
	v19 =	vmin.u32 v19, $0x270F;
	v20 =	vmin.u32 v20, $0x270F  }
0x13: {  	s6 =	sadd.s32 $0x3E00, s20;
	s3 =	sadd.s32 $0xE5600, s20;
	s13 =	sadd.s32 $0x180, s1;
	v22 =	vor.u32 s9, v35;
	v21 =	vmin.u32 v21, $0x270F;
	v23 =	vor.u32 s10, v35  }
0x14: {  	s17 =	sadd.s32 $0x1A0, s1;
	s19 =	sadd.s32 $0x1B0, s1;
	s20 =	sadd.s32 $0x1C0, s1;
	v25 =	vor.u32 s13, v35;
	v24 =	vmin.u32 v24, $0x270F;
	v26 =	vmin.u32 v26, $0x270F  }
0x15: {  	s21 =	sadd.s32 $0x1D0, s1;
	v27 =	vor.u32 s17, v35;
	v28 =	vor.u32 s19, v35;
	v29 =	vor.u32 s20, v35  }
0x16: {  	s7 =	sor.u32 $0x20, s1;
	v30 =	vor.u32 s21, v35;
	v31 =	vmin.u32 v31, $0x270F;
	v1 =	vor.u32 s0, v2  }
0x17: {  	v2 =	vshll.u32 v3, $0x1;
	v3 =	vor.u32 s7, v35;
	v4 =	vshll.u32 v4, $0x1  }
0x18: {  	v5 =	vshll.u32 v5, $0x1;
	v7 =	vshll.u32 v7, $0x1;
	v8 =	vshll.u32 v8, $0x1  }
0x19: {  	v9 =	vshll.u32 v9, $0x1;
	v10 =	vshll.u32 v10, $0x1;
	v11 =	vmin.u32 v11, $0x270F  }
0x1a: {  	v12 =	vshll.u32 v12, $0x1;
	v13 =	vshll.u32 v13, $0x1;
	v14 =	vshll.u32 v14, $0x1  }
0x1b: {  	v15 =	vshll.u32 v15, $0x1;
	v16 =	vshll.u32 v16, $0x1;
	v17 =	vshll.u32 v17, $0x1  }
0x1c: {  	v18 =	vshll.u32 v18, $0x1;
	v19 =	vshll.u32 v19, $0x1;
	v20 =	vshll.u32 v20, $0x1  }
0x1d: {  	v22 =	vmin.u32 v22, $0x270F;
	v21 =	vshll.u32 v21, $0x1;
	v23 =	vmin.u32 v23, $0x270F  }
0x1e: {  	v25 =	vmin.u32 v25, $0x270F;
	v24 =	vshll.u32 v24, $0x1;
	v26 =	vshll.u32 v26, $0x1  }
0x1f: {  	s17 =	sadd.s32 $0x220, s1;
	v27 =	vmin.u32 v27, $0x270F;
	v28 =	vmin.u32 v28, $0x270F;
	v29 =	vmin.u32 v29, $0x270F  }
0x20: {  	s13 =	sadd.s32 $0x250, s1;
	s20 =	sadd.s32 $0x260, s1;
	v30 =	vmin.u32 v30, $0x270F;
	v31 =	vshll.u32 v31, $0x1;
	v36 =	vor.u32 s17, v35  }
0x21: {  	s28 =	simm.s32 $0x1;
	s29 =	simm.s32 $0x7;
	v39 =	vor.u32 s13, v35;
	v40 =	vor.u32 s20, v35;
	v2 =	vor.u32 s0, v2  }
0x22: {  	s30 =	simm.s32 $0x2;
	s9 =	smul.u32 $0x16800, s18;
	s7 =	sor.u32 $0x50, s1;
	v3 =	vmin.u32 v3, $0x270F;
	v4 =	vor.u32 s0, v4;
	v5 =	vor.u32 s0, v5  }
0x23: {  	s31 =	simm.s32 $0x3;
	p0 =	seq.s32 s18, $0xF;
	s14 =	smul.u32 $0x240, s8;
	v6 =	vor.u32 s7, v35;
	v7 =	vor.u32 s0, v7;
	v8 =	vor.u32 s0, v8  }
0x24: {  	s2 =	rddreg [dreg:$0x1];
	s11 =	ssub.s32 $0x2, s0;
	s10 =	smul.u32 $0x5A000, s18;
	v9 =	vor.u32 s0, v9;
	v10 =	vor.u32 s0, v10;
	v11 =	vshll.u32 v11, $0x1  }
0x25: {  	_ =	strace $0x8000004A;
	s19 =	smul.u32 $0x168000, s0;
	s23 =	sshrl.u32 s11, $0x1;
	v12 =	vor.u32 s0, v12;
	v13 =	vor.u32 s0, v13;
	v14 =	vor.u32 s0, v14  }
0x26: {  	s20 =	simm.s32 $0xA00;
	v15 =	vor.u32 s0, v15;
	v16 =	vor.u32 s0, v16;
	v17 =	vor.u32 s0, v17;
	s12 =	smul.u32 $0x240, s7;
	s8 =	ssub.s32 s11, s23  }
0x27: {  	v18 =	vor.u32 s0, v18;
	v19 =	vor.u32 s0, v19;
	v20 =	vor.u32 s0, v20;
	s7 =	sadd.s32 s9, s2;
	s26 =	sshrl.u32 s14, $0x2;
	s16 =	sadd.s32 $0x21C00, s10  }
0x28: {  	v22 =	vshll.u32 v22, $0x1;
	v21 =	vor.u32 s0, v21;
	v23 =	vshll.u32 v23, $0x1;
	s23 =	sadd.s32 $0x1F0, s1;
	s24 =	sadd.s32 $0x2D000, s10;
	s25 =	sadd.s32 $0x38400, s10  }
0x29: {  	v25 =	vshll.u32 v25, $0x1;
	v24 =	vor.u32 s0, v24;
	v26 =	vor.u32 s0, v26;
	s9 =	sadd.s32 s9, s19;
	s22 =	sshrl.u32 s19, $0x3;
	s19 =	simm.s32 $0x50  }
0x2a: {  	v27 =	vshll.u32 v27, $0x1;
	v28 =	vshll.u32 v28, $0x1;
	v29 =	vshll.u32 v29, $0x1;
	s15 =	sadd.s32 s26, s2;
	s11 =	sshrl.u32 s16, $0x2;
	s16 =	sadd.s32 $0x210, s1  }
0x2b: {  	v30 =	vshll.u32 v30, $0x1;
	v31 =	vor.u32 s0, v31;
	v36 =	vmin.u32 v36, $0x270F;
	s26 =	sadd.s32 $0x43800, s10;
	s10 =	sadd.s32 $0x4EC00, s10;
	s9 =	sshrl.u32 s9, $0x3  }
0x2c: {  	v61 =	vmin.u32 v39, $0x270F;
	v62 =	vmin.u32 v40, $0x270F;
	v32 =	vor.u32 s23, v35;
	s23 =	sadd.s32 s3, s22;
	s8 =	smax.u32 s8, $0x1;
	s22 =	simm.s32 $0xA50  }
0x2d: {  	v3 =	vshll.u32 v3, $0x1;
	v6 =	vmin.u32 v6, $0x270F;
	v11 =	vor.u32 s0, v11;
	s12 =	sshrl.u32 s12, $0x2;
	[dreg:$0x6] =	wrdreg s15;
	s11 =	sadd.s32 s11, s2  }
0x2e: {  	v22 =	vor.u32 s0, v22;
	v23 =	vor.u32 s0, v23;
	v25 =	vor.u32 s0, v25;
	s15 =	sadd.s32 $0x200, s1;
	s10 =	sshrl.u32 s10, $0x2;
	s3 =	sadd.s32 s3, s9  }
0x2f: {  	v27 =	vor.u32 s0, v27;
	v28 =	vor.u32 s0, v28;
	v29 =	vor.u32 s0, v29;
	[dreg:$0xe] =	wrdreg s8;
	s8 =	simm.s32 $0x0;
	s14 =	sadd.s32 s12, s2  }
0x30: {  	v30 =	vor.u32 s0, v30;
	v58 =	vshll.u32 v36, $0x1;
	v39 =	vshll.u32 v62, $0x1;
	[dreg:$0x7] =	wrdreg s11;
	s11 =	sadd.s32 $0x240, s1;
	s12 =	sshrl.u32 s25, $0x2  }
0x31: {  	v3 =	vor.u32 s0, v3;
	v6 =	vshll.u32 v6, $0x1;
	v33 =	vor.u32 s15, v35;
	s15 =	sshrl.u32 s26, $0x2;
	s10 =	sadd.s32 s10, s2;
	[dreg:$0xc] =	wrdreg s3  }
0x32: {  	v34 =	vor.u32 s16, v35;
	v32 =	vmin.u32 v32, $0x270F;
	v39 =	vor.u32 s0, v39;
	s3 =	sadd.s32 $0x151800, s2;
	s25 =	simm.s32 $0xAF0;
	[dreg:$0x5] =	wrdreg s14  }
0x33: {  	v6 =	vor.u32 s0, v6;
	v32 =	vshll.u32 v32, $0x1;
	v34 =	vmin.u32 v34, $0x270F;
	s26 =	simm.s32 $0xB40;
	s14 =	sshrl.u32 s24, $0x2;
	[dreg:$0xb] =	wrdreg s10  }
0x34: {  	s12 =	sadd.s32 s12, s2;
	s21 =	sadd.s32 s15, s2;
	v33 =	vmin.u32 v33, $0x270F;
	v32 =	vor.u32 s0, v32;
	v38 =	vor.u32 s11, v35;
	[dreg:$0x3] =	wrdreg s25  }
0x35: {  	v34 =	vshll.u32 v34, $0x1;
	s15 =	smul.u32 $0x4EC0, s18;
	[dreg:$0x4] =	wrdreg s26;
	s14 =	sadd.s32 s14, s2;
	v33 =	vshll.u32 v33, $0x1;
	v38 =	vmin.u32 v38, $0x270F  }
0x36: {  	v34 =	vor.u32 s0, v34;
	[dreg:$0x8] =	wrdreg s14;
	s14 =	sadd.s32 $0x230, s1;
	s1 =	sadd.s32 $0x270, s1;
	v33 =	vor.u32 s0, v33;
	v60 =	vshll.u32 v38, $0x1  }
0x37: {  	s24 =	sadd.s32 $0x2A300, s23;
	s23 =	simm.s32 $0x38E0;
	[dreg:$0x9] =	wrdreg s12;
	v38 =	vshll.u32 v61, $0x1;
	v37 =	vor.u32 s14, v35;
	v41 =	vor.u32 s1, v35  }
0x38: {  	s25 =	simm.s32 $0xAA0;
	s26 =	simm.s32 $0x65E0;
	[dreg:$0xa] =	wrdreg s21;
	v35 =	vor.u32 s0, v58;
	v37 =	vmin.u32 v37, $0x270F;
	v63 =	vmin.u32 v41, $0x270F  }
0x39: {  	[dreg:$0xd] =	wrdreg s24;
	s21 =	simm.s32 $0xBE0;
	s1 =	sshrl.u32 @p0 s3, $0x3;
	v38 =	vor.u32 s0, v38;
	v59 =	vshll.u32 v37, $0x1;
	v40 =	vshll.u32 v63, $0x1  }
0x3a: {  	[dreg:$0xf] =	wrdreg s1;
	s1 =	simm.s32 $0x6;
	v37 =	vor.u32 s0, v60;
	v36 =	vor.u32 s0, v59;
	v40 =	vor.u32 s0, v40;
	s0 =	simm.s32 $0x5  }
.LBB2_1:
0x3b: {  	[tilespmem:$0xA00] =	vst v1  }
0x3c: {  	[tilespmem:$0xA10] =	vst v2  }
0x3d: {  	[tilespmem:$0xA20] =	vst v3  }
0x3e: {  	[tilespmem:$0xA30] =	vst v4  }
0x3f: {  	[tilespmem:$0xA40] =	vst v5  }
0x40: {  	[tilespmem:s21], [sflag:$0x1] =	stream.indirect.gather [hbm4b:s4+s19], $0x90, s20, s19, $0xb8;
	[tilespmem:$0x1FAE0] =	vst v63  }
0x41: {  	[tilespmem:$0xA50] =	vst v6  }
0x42: {  	[tilespmem:$0xA60] =	vst v7  }
0x43: {  	[tilespmem:$0xA70] =	vst v8  }
0x44: {  	[tilespmem:$0xA80] =	vst v9  }
0x45: {  	[tilespmem:$0xA90] =	vst v10  }
0x46: {  	[tilespmem:s23], [sflag:$0x2] =	stream.indirect.gather [hbm4b:s4+s19], $0x90, s22, s19, $0xb8;
	[tilespmem:$0x1FAE0] =	vst v63  }
0x47: {  	[tilespmem:$0xAA0] =	vst v11  }
0x48: {  	[tilespmem:$0xAB0] =	vst v12  }
0x49: {  	[tilespmem:$0xAC0] =	vst v13  }
0x4a: {  	[tilespmem:$0xAD0] =	vst v14  }
0x4b: {  	[tilespmem:$0xAE0] =	vst v15  }
0x4c: {  	[tilespmem:s26], [sflag:$0x3] =	stream.indirect.gather [hbm4b:s4+s19], $0x90, s25, s19, $0xb8;
	[tilespmem:$0x1FAE0] =	vst v63  }
0x4d: {  	_ =	swait.ge [sflag:s28], $0x2D00  }
0x4e: {  	[sflag:s28] =	ssyncset.done $0x0  }
0x4f: {  	[sflag:s28] =	ssyncadd.s32 $0xFFFFD300  }
0x50: {  	[spmem:s7] =	stream.linear.scatter [tilespmem:s21], [sflag:$0x7], $0x2D00, $0x38;
	[tilespmem:$0x1FAE0] =	vst v63  }
0x51: {  	_ =	swait.ge [sflag:s29], $0x2D00  }
0x52: {  	[sflag:s29] =	ssyncset.done $0x0  }
0x53: {  	[sflag:s29] =	ssyncadd.s32 $0xFFFFD300  }
0x54: {  	[tilespmem:$0xA00] =	vst v16  }
0x55: {  	[tilespmem:$0xA10] =	vst v17  }
0x56: {  	[tilespmem:$0xA20] =	vst v18  }
0x57: {  	[tilespmem:$0xA30] =	vst v19  }
0x58: {  	[tilespmem:$0xA40] =	vst v20  }
0x59: {  	[tilespmem:s21], [sflag:$0x1] =	stream.indirect.gather [hbm4b:s4+s19], $0x90, s20, s19, $0xb8;
	[tilespmem:$0x1FAE0] =	vst v63  }
0x5a: {  	_ =	swait.ge [sflag:s30], $0x2D00  }
0x5b: {  	[sflag:s30] =	ssyncset.done $0x0  }
0x5c: {  	s3 =	rddreg [dreg:$0x5];
	[sflag:s30] =	ssyncadd.s32 $0xFFFFD300  }
0x5d: {  	[spmem:s3] =	stream.linear.scatter [tilespmem:s23], [sflag:$0x7], $0x2D00, $0x38;
	[tilespmem:$0x1FAE0] =	vst v63  }
0x5e: {  	_ =	swait.ge [sflag:s29], $0x2D00  }
0x5f: {  	[sflag:s29] =	ssyncset.done $0x0  }
0x60: {  	[sflag:s29] =	ssyncadd.s32 $0xFFFFD300  }
0x61: {  	[tilespmem:$0xA50] =	vst v21  }
0x62: {  	[tilespmem:$0xA60] =	vst v22  }
0x63: {  	[tilespmem:$0xA70] =	vst v23  }
0x64: {  	[tilespmem:$0xA80] =	vst v24  }
0x65: {  	[tilespmem:$0xA90] =	vst v25  }
0x66: {  	[tilespmem:s23], [sflag:$0x2] =	stream.indirect.gather [hbm4b:s4+s19], $0x90, s22, s19, $0xb8;
	[tilespmem:$0x1FAE0] =	vst v63  }
0x67: {  	_ =	swait.ge [sflag:s31], $0x2D00  }
0x68: {  	[sflag:s31] =	ssyncset.done $0x0  }
0x69: {  	s9 =	rddreg [dreg:$0x6];
	[sflag:s31] =	ssyncadd.s32 $0xFFFFD300  }
0x6a: {  	[spmem:s9] =	stream.linear.scatter [tilespmem:s26], [sflag:$0x7], $0x2D00, $0x38;
	[tilespmem:$0x1FAE0] =	vst v63  }
0x6b: {  	_ =	swait.ge [sflag:s29], $0x2D00  }
0x6c: {  	[sflag:s29] =	ssyncset.done $0x0  }
0x6d: {  	[sflag:s29] =	ssyncadd.s32 $0xFFFFD300  }
0x6e: {  	[tilespmem:$0xAA0] =	vst v26  }
0x6f: {  	[tilespmem:$0xAB0] =	vst v27  }
0x70: {  	[tilespmem:$0xAC0] =	vst v28  }
0x71: {  	[tilespmem:$0xAD0] =	vst v29  }
0x72: {  	[tilespmem:$0xAE0] =	vst v30  }
0x73: {  	[tilespmem:s26], [sflag:$0x3] =	stream.indirect.gather [hbm4b:s4+s19], $0x90, s25, s19, $0xb8;
	[tilespmem:$0x1FAE0] =	vst v63  }
0x74: {  	_ =	swait.ge [sflag:s28], $0x2D00  }
0x75: {  	[sflag:s28] =	ssyncset.done $0x0  }
0x76: {  	s10 =	rddreg [dreg:$0x7];
	[sflag:s28] =	ssyncadd.s32 $0xFFFFD300  }
0x77: {  	[spmem:s10] =	stream.linear.scatter [tilespmem:s21], [sflag:$0x7], $0x2D00, $0x38;
	[tilespmem:$0x1FAE0] =	vst v63  }
0x78: {  	_ =	swait.ge [sflag:s29], $0x2D00  }
0x79: {  	[sflag:s29] =	ssyncset.done $0x0  }
0x7a: {  	[sflag:s29] =	ssyncadd.s32 $0xFFFFD300  }
0x7b: {  	[tilespmem:$0xA00] =	vst v31  }
0x7c: {  	[tilespmem:$0xA10] =	vst v32  }
0x7d: {  	[tilespmem:$0xA20] =	vst v33  }
0x7e: {  	[tilespmem:$0xA30] =	vst v34  }
0x7f: {  	[tilespmem:$0xA40] =	vst v35  }
0x80: {  	[tilespmem:s21], [sflag:$0x1] =	stream.indirect.gather [hbm4b:s4+s19], $0x90, s20, s19, $0xb8;
	[tilespmem:$0x1FAE0] =	vst v63  }
0x81: {  	_ =	swait.ge [sflag:s30], $0x2D00  }
0x82: {  	[sflag:s30] =	ssyncset.done $0x0  }
0x83: {  	s11 =	rddreg [dreg:$0x8];
	[sflag:s30] =	ssyncadd.s32 $0xFFFFD300  }
0x84: {  	[spmem:s11] =	stream.linear.scatter [tilespmem:s23], [sflag:$0x7], $0x2D00, $0x38;
	[tilespmem:$0x1FAE0] =	vst v63  }
0x85: {  	_ =	swait.ge [sflag:s29], $0x2D00  }
0x86: {  	[sflag:s29] =	ssyncset.done $0x0  }
0x87: {  	[sflag:s29] =	ssyncadd.s32 $0xFFFFD300  }
0x88: {  	[tilespmem:$0xA50] =	vst v36  }
0x89: {  	[tilespmem:$0xA60] =	vst v37  }
0x8a: {  	[tilespmem:$0xA70] =	vst v38  }
0x8b: {  	[tilespmem:$0xA80] =	vst v39  }
0x8c: {  	[tilespmem:$0xA90] =	vst v40  }
0x8d: {  	[tilespmem:s23], [sflag:$0x2] =	stream.indirect.gather [hbm4b:s4+s19], $0x90, s22, s19, $0xb8;
	[tilespmem:$0x1FAE0] =	vst v63  }
0x8e: {  	_ =	swait.ge [sflag:s31], $0x2D00  }
0x8f: {  	[sflag:s31] =	ssyncset.done $0x0  }
0x90: {  	s12 =	rddreg [dreg:$0x9];
	[sflag:s31] =	ssyncadd.s32 $0xFFFFD300  }
0x91: {  	[spmem:s12] =	stream.linear.scatter [tilespmem:s26], [sflag:$0x7], $0x2D00, $0x38;
	[tilespmem:$0x1FAE0] =	vst v63  }
0x92: {  	_ =	swait.ge [sflag:s29], $0x2D00  }
0x93: {  	[sflag:s29] =	ssyncset.done $0x0  }
0x94: {  	[sflag:s29] =	ssyncadd.s32 $0xFFFFD300  }
0x95: {  	_ =	swait.ge [sflag:s28], $0x2D00  }
0x96: {  	[sflag:s28] =	ssyncset.done $0x0  }
0x97: {  	s13 =	rddreg [dreg:$0xa];
	[sflag:s28] =	ssyncadd.s32 $0xFFFFD300  }
0x98: {  	[spmem:s13] =	stream.linear.scatter [tilespmem:s21], [sflag:$0x7], $0x2D00, $0x38;
	[tilespmem:$0x1FAE0] =	vst v63  }
0x99: {  	_ =	swait.ge [sflag:s29], $0x2D00  }
0x9a: {  	s16 =	simm.s32 $0x0;
	[sflag:s29] =	ssyncset.done $0x0  }
0x9b: {  	s9 =	sand.u32 $0xF, s16;
	[sflag:s29] =	ssyncadd.s32 $0xFFFFD300  }
0x9c: {  	p2 =	sne.s32 s9, $0x0;
	_ =	swait.ge [sflag:s30], $0x2D00  }
0x9d: {  	s10 =	simm.s32 @!p2 $0x0;
	[sflag:s30] =	ssyncset.done $0x0  }
0x9e: {  	s10 =	smul.u32 @!p2 $0x500, s10;
	s14 =	rddreg [dreg:$0xb];
	[sflag:s30] =	ssyncadd.s32 $0xFFFFD300  }
0x9f: {  	[spmem:s14] =	stream.linear.scatter [tilespmem:s23], [sflag:$0x7], $0x2D00, $0x38;
	[tilespmem:$0x1FAE0] =	vst v63  }
0xa0: {  	s10 =	sadd.s32 @!p2 s15, s10;
	_ =	swait.ge [sflag:s29], $0x2D00  }
0xa1: {  	s10 =	sshrl.u32 @!p2 s10, $0x3;
	[sflag:s29] =	ssyncset.done $0x0  }
0xa2: {  	s11 =	sadd.s32 @!p2 s5, s10;
	[sflag:s29] =	ssyncadd.s32 $0xFFFFD300  }
0xa3: {  	s12 =	simm.s32 @!p2 $0x0;
	s13 =	simm.s32 @!p2 $0x7;
	[bflag:$0x0] =	sbarrier.arrive $0xFFFF  }
0xa4: {  	[tilespmem:s12], [sflag:$0x7] =	stream.linear.gather @!p2 [hbm4b:s11+s12], $0x500, $0x38;
	[tilespmem:$0x1FAE0] =	vst v63  }
0xa5: {  	_ =	swait.ge @!p2 [sflag:s13], $0x500  }
0xa6: {  	[sflag:s13] =	ssyncset.done @!p2 $0x0  }
0xa7: {  	s10 =	sadd.s32 @!p2 s6, s10;
	s11 =	simm.s32 @!p2 $0x500;
	[sflag:s13] =	ssyncadd.s32 @!p2 $0xFFFFFB00  }
0xa8: {  	[tilespmem:s11], [sflag:$0x7] =	stream.linear.gather @!p2 [hbm4b:s10+s12], $0x500, $0x38;
	[tilespmem:$0x1FAE0] =	vst v63  }
0xa9: {  	_ =	swait.ge @!p2 [sflag:s13], $0x500  }
0xaa: {  	p1 =	por $0x1, $0x1;
	[sflag:s13] =	ssyncset.done @!p2 $0x0  }
0xab: {  	s10 =	simm.s32 @!p1 $0x4;
	[sflag:s13] =	ssyncadd.s32 @!p2 $0xFFFFFB00  }
0xac: {  	_ =	swait.ge @!p1 [sflag:s10], $0x2D00  }
0xad: {  	s9 =	smul.u32 $0x50, s9;
	[sflag:s10] =	ssyncset.done @!p1 $0x0  }
0xae: {  	[sflag:s10] =	ssyncadd.s32 @!p1 $0xFFFFD300  }
0xaf: {  	v41 =	vld [tilespmem:s9+$0x0];
	_ =	sdelay $0x4  }
0xb0: {  	v41 =	vshll.u32 v41, $0x1  }
0xb1: {  	v41 =	vor.u32 v0, v41  }
0xb2: {  	[tilespmem:$0xA00] =	vst v41  }
0xb3: {  	v41 =	vld [tilespmem:s9+$0x500];
	_ =	sdelay $0x4  }
0xb4: {  	[tilespmem:$0xAF0] =	vst v41  }
0xb5: {  	v41 =	vld [tilespmem:s9+$0x10];
	_ =	sdelay $0x4  }
0xb6: {  	v41 =	vshll.u32 v41, $0x1  }
0xb7: {  	v41 =	vor.u32 v0, v41  }
0xb8: {  	[tilespmem:$0xA10] =	vst v41  }
0xb9: {  	v41 =	vld [tilespmem:s9+$0x510];
	_ =	sdelay $0x4  }
0xba: {  	[tilespmem:$0xB00] =	vst v41  }
0xbb: {  	v41 =	vld [tilespmem:s9+$0x20];
	_ =	sdelay $0x4  }
0xbc: {  	v41 =	vshll.u32 v41, $0x1  }
0xbd: {  	v41 =	vor.u32 v0, v41  }
0xbe: {  	[tilespmem:$0xA20] =	vst v41  }
0xbf: {  	v41 =	vld [tilespmem:s9+$0x520];
	_ =	sdelay $0x4  }
0xc0: {  	[tilespmem:$0xB10] =	vst v41  }
0xc1: {  	v41 =	vld [tilespmem:s9+$0x30];
	_ =	sdelay $0x4  }
0xc2: {  	v41 =	vshll.u32 v41, $0x1  }
0xc3: {  	v41 =	vor.u32 v0, v41  }
0xc4: {  	[tilespmem:$0xA30] =	vst v41  }
0xc5: {  	v41 =	vld [tilespmem:s9+$0x530];
	_ =	sdelay $0x4  }
0xc6: {  	[tilespmem:$0xB20] =	vst v41  }
0xc7: {  	v41 =	vld [tilespmem:s9+$0x40];
	_ =	sdelay $0x4  }
0xc8: {  	v41 =	vshll.u32 v41, $0x1  }
0xc9: {  	v41 =	vor.u32 v0, v41  }
0xca: {  	[tilespmem:$0xA40] =	vst v41  }
0xcb: {  	s10 =	simm.s32 @!p1 $0x1;
	v41 =	vld [tilespmem:s9+$0x540]  }
0xcc: {  	s9 =	sand.u32 @!p1 $0xF, s10  }
0xcd: {  	p2 =	sne.s32 @!p1 s9, $0x0  }
0xce: {  	p2 =	por p2, p1  }
0xcf: {  	s10 =	simm.s32 @!p2 $0x0  }
0xd0: {  	s11 =	simm.s32 @!p1 $0x3;
	s10 =	smul.u32 @!p2 $0x500, s10;
	[tilespmem:$0xB30] =	vst v41  }
0xd1: {  	[tilespmem:s21], [sflag:$0x1] =	stream.indirect.gather [hbm4b:s4+s19], $0x90, s20, s19, $0xb8;
	[tilespmem:$0x1FAE0] =	vst v63  }
0xd2: {  	s12 =	simm.s32 @!p1 $0xB90;
	_ =	swait.ge @!p1 [sflag:s11], $0x2D00  }
0xd3: {  	s13 =	simm.s32 @!p1 $0x65E0;
	s10 =	sadd.s32 @!p2 s15, s10;
	[sflag:s11] =	ssyncset.done @!p1 $0x0  }
0xd4: {  	s10 =	sshrl.u32 @!p2 s10, $0x3;
	[sflag:s11] =	ssyncadd.s32 @!p1 $0xFFFFD300;
	s11 =	simm.s32 @!p1 $0x50  }
0xd5: {  	[spmem:s2] =	stream.indirect.scatter.add.f32 @!p1 [tilespmem:s13], [sflag:$0x6], $0x90, s12, s11, $0xb8;
	[tilespmem:$0x1FAE0] =	vst v63  }
0xd6: {  	s11 =	simm.s32 @!p2 $0x7;
	s12 =	simm.s32 @!p2 $0x0;
	s13 =	sadd.s32 @!p2 s5, s10  }
0xd7: {  	[tilespmem:s12], [sflag:$0x7] =	stream.linear.gather @!p2 [hbm4b:s13+s12], $0x500, $0x38;
	[tilespmem:$0x1FAE0] =	vst v63  }
0xd8: {  	_ =	swait.ge @!p2 [sflag:s11], $0x500  }
0xd9: {  	[sflag:s11] =	ssyncset.done @!p2 $0x0  }
0xda: {  	s10 =	sadd.s32 @!p2 s6, s10;
	s13 =	simm.s32 @!p2 $0x500;
	[sflag:s11] =	ssyncadd.s32 @!p2 $0xFFFFFB00  }
0xdb: {  	[tilespmem:s13], [sflag:$0x7] =	stream.linear.gather @!p2 [hbm4b:s10+s12], $0x500, $0x38;
	[tilespmem:$0x1FAE0] =	vst v63  }
0xdc: {  	_ =	swait.ge @!p2 [sflag:s11], $0x500  }
0xdd: {  	[sflag:s11] =	ssyncset.done @!p2 $0x0  }
0xde: {  	s10 =	simm.s32 @!p1 $0x5;
	[sflag:s11] =	ssyncadd.s32 @!p2 $0xFFFFFB00  }
0xdf: {  	s9 =	smul.u32 @!p1 $0x50, s9;
	_ =	swait.ge @!p1 [sflag:s10], $0x2D00  }
0xe0: {  	[sflag:s10] =	ssyncset.done @!p1 $0x0  }
0xe1: {  	s9 =	simm.s32 @p1 $0x50;
	[sflag:s10] =	ssyncadd.s32 @!p1 $0xFFFFD300  }
0xe2: {  	v62 =	vld [tilespmem:s9+$0x0];
	_ =	sdelay $0x4  }
0xe3: {  	v41 =	vshll.u32 v62, $0x1  }
0xe4: {  	v41 =	vor.u32 v0, v41  }
0xe5: {  	[tilespmem:$0xA50] =	vst v41  }
0xe6: {  	v41 =	vld [tilespmem:s9+$0x500];
	_ =	sdelay $0x4  }
0xe7: {  	[tilespmem:$0xB40] =	vst v41  }
0xe8: {  	v41 =	vld [tilespmem:s9+$0x10];
	_ =	sdelay $0x4  }
0xe9: {  	v41 =	vshll.u32 v41, $0x1  }
0xea: {  	v41 =	vor.u32 v0, v41  }
0xeb: {  	[tilespmem:$0xA60] =	vst v41  }
0xec: {  	v41 =	vld [tilespmem:s9+$0x510];
	_ =	sdelay $0x4  }
0xed: {  	[tilespmem:$0xB50] =	vst v41  }
0xee: {  	v41 =	vld [tilespmem:s9+$0x20];
	_ =	sdelay $0x4  }
0xef: {  	v41 =	vshll.u32 v41, $0x1  }
0xf0: {  	v41 =	vor.u32 v0, v41  }
0xf1: {  	[tilespmem:$0xA70] =	vst v41  }
0xf2: {  	v41 =	vld [tilespmem:s9+$0x520];
	_ =	sdelay $0x4  }
0xf3: {  	[tilespmem:$0xB60] =	vst v41  }
0xf4: {  	v41 =	vld [tilespmem:s9+$0x30];
	_ =	sdelay $0x4  }
0xf5: {  	v41 =	vshll.u32 v41, $0x1  }
0xf6: {  	v41 =	vor.u32 v0, v41  }
0xf7: {  	[tilespmem:$0xA80] =	vst v41  }
0xf8: {  	v41 =	vld [tilespmem:s9+$0x530];
	_ =	sdelay $0x4  }
0xf9: {  	[tilespmem:$0xB70] =	vst v41  }
0xfa: {  	v41 =	vld [tilespmem:s9+$0x40];
	_ =	sdelay $0x4  }
0xfb: {  	v41 =	vshll.u32 v41, $0x1  }
0xfc: {  	v41 =	vor.u32 v0, v41  }
0xfd: {  	[tilespmem:$0xA90] =	vst v41  }
0xfe: {  	v41 =	vld [tilespmem:s9+$0x540]  }
0xff: {  	s17 =	simm.s32 $0x2  }
0x100: {  	s9 =	sand.u32 $0xF, s17  }
0x101: {  	p2 =	sne.s32 s9, $0x0  }
0x102: {  	s10 =	simm.s32 @!p2 $0x0  }
0x103: {  	s10 =	smul.u32 @!p2 $0x500, s10;
	[tilespmem:$0xB80] =	vst v41  }
0x104: {  	[tilespmem:s23], [sflag:$0x2] =	stream.indirect.gather [hbm4b:s4+s19], $0x90, s22, s19, $0xb8;
	[tilespmem:$0x1FAE0] =	vst v63  }
0x105: {  	_ =	swait.ge [sflag:s28], $0x2D00  }
0x106: {  	s10 =	sadd.s32 @!p2 s15, s10;
	[sflag:s28] =	ssyncset.done $0x0  }
0x107: {  	s10 =	sshrl.u32 @!p2 s10, $0x3;
	s18 =	rddreg [dreg:$0x3];
	[sflag:s28] =	ssyncadd.s32 $0xFFFFD300  }
0x108: {  	[spmem:s2] =	stream.indirect.scatter.add.f32 [tilespmem:s21], [sflag:$0x4], $0x90, s18, s19, $0xb8;
	[tilespmem:$0x1FAE0] =	vst v63  }
0x109: {  	s11 =	simm.s32 @!p2 $0x7;
	s13 =	simm.s32 @!p2 $0x0;
	s12 =	sadd.s32 @!p2 s5, s10  }
0x10a: {  	[tilespmem:s13], [sflag:$0x7] =	stream.linear.gather @!p2 [hbm4b:s12+s13], $0x500, $0x38;
	[tilespmem:$0x1FAE0] =	vst v63  }
0x10b: {  	_ =	swait.ge @!p2 [sflag:s11], $0x500  }
0x10c: {  	[sflag:s11] =	ssyncset.done @!p2 $0x0  }
0x10d: {  	s10 =	sadd.s32 @!p2 s6, s10;
	s12 =	simm.s32 @!p2 $0x500;
	[sflag:s11] =	ssyncadd.s32 @!p2 $0xFFFFFB00  }
0x10e: {  	[tilespmem:s12], [sflag:$0x7] =	stream.linear.gather @!p2 [hbm4b:s10+s13], $0x500, $0x38;
	[tilespmem:$0x1FAE0] =	vst v63  }
0x10f: {  	_ =	swait.ge @!p2 [sflag:s11], $0x500  }
0x110: {  	[sflag:s11] =	ssyncset.done @!p2 $0x0  }
0x111: {  	s10 =	simm.s32 @!p1 $0x6;
	[sflag:s11] =	ssyncadd.s32 @!p2 $0xFFFFFB00  }
0x112: {  	_ =	swait.ge @!p1 [sflag:s10], $0x2D00  }
0x113: {  	s24 =	smul.u32 $0x50, s9;
	[sflag:s10] =	ssyncset.done @!p1 $0x0  }
0x114: {  	[sflag:s10] =	ssyncadd.s32 @!p1 $0xFFFFD300  }
0x115: {  	v63 =	vld [tilespmem:s24+$0x0];
	_ =	sdelay $0x4  }
0x116: {  	v41 =	vshll.u32 v63, $0x1  }
0x117: {  	v41 =	vor.u32 v0, v41  }
0x118: {  	[tilespmem:$0xAA0] =	vst v41  }
0x119: {  	v41 =	vld [tilespmem:s24+$0x500];
	_ =	sdelay $0x4  }
0x11a: {  	[tilespmem:$0xB90] =	vst v41  }
0x11b: {  	v41 =	vld [tilespmem:s24+$0x10];
	_ =	sdelay $0x4  }
0x11c: {  	v41 =	vshll.u32 v41, $0x1  }
0x11d: {  	v41 =	vor.u32 v0, v41  }
0x11e: {  	[tilespmem:$0xAB0] =	vst v41  }
0x11f: {  	v41 =	vld [tilespmem:s24+$0x510];
	_ =	sdelay $0x4  }
0x120: {  	[tilespmem:$0xBA0] =	vst v41  }
0x121: {  	v41 =	vld [tilespmem:s24+$0x20];
	_ =	sdelay $0x4  }
0x122: {  	v41 =	vshll.u32 v41, $0x1  }
0x123: {  	v41 =	vor.u32 v0, v41  }
0x124: {  	[tilespmem:$0xAC0] =	vst v41  }
0x125: {  	v41 =	vld [tilespmem:s24+$0x520];
	_ =	sdelay $0x4  }
0x126: {  	[tilespmem:$0xBB0] =	vst v41  }
0x127: {  	v41 =	vld [tilespmem:s24+$0x30];
	_ =	sdelay $0x4  }
0x128: {  	v41 =	vshll.u32 v41, $0x1  }
0x129: {  	v41 =	vor.u32 v0, v41  }
0x12a: {  	[tilespmem:$0xAD0] =	vst v41  }
0x12b: {  	v41 =	vld [tilespmem:s24+$0x530];
	_ =	sdelay $0x4  }
0x12c: {  	[tilespmem:$0xBC0] =	vst v41  }
0x12d: {  	v41 =	vld [tilespmem:s24+$0x40];
	_ =	sdelay $0x3  }
0x12e: {  	s9 =	simm.s32 $0x3  }
0x12f: {  	s12 =	sand.u32 $0xF, s9;
	v41 =	vshll.u32 v41, $0x1  }
0x130: {  	p3 =	sne.s32 s12, $0x0;
	v41 =	vor.u32 v0, v41  }
0x131: {  	s13 =	simm.s32 @!p3 $0x0;
	[tilespmem:$0xAE0] =	vst v41  }
0x132: {  	s11 =	smul.u32 @!p3 $0x500, s13;
	s10 =	simm.s32 $0x6;
	v41 =	vld [tilespmem:s24+$0x540]  }
.LBB2_2:
0x133: {  	_ =	sdelay $0x3  }
0x134: {  	[tilespmem:$0xBD0] =	vst v41  }
0x135: {  	[tilespmem:s26], [sflag:$0x3] =	stream.indirect.gather [hbm4b:s4+s19], $0x90, s25, s19, $0xb8;
	[tilespmem:$0x1FAE0] =	vst v63  }
0x136: {  	_ =	swait.ge [sflag:s30], $0x2D00  }
0x137: {  	s13 =	sadd.s32 @!p3 s15, s11;
	[sflag:s30] =	ssyncset.done $0x0  }
0x138: {  	s13 =	sshrl.u32 @!p3 s13, $0x3;
	s16 =	rddreg [dreg:$0x4];
	[sflag:s30] =	ssyncadd.s32 $0xFFFFD300  }
0x139: {  	[spmem:s2] =	stream.indirect.scatter.add.f32 [tilespmem:s23], [sflag:$0x5], $0x90, s16, s19, $0xb8;
	[tilespmem:$0x1FAE0] =	vst v63  }
0x13a: {  	s17 =	simm.s32 @!p3 $0x0;
	s18 =	simm.s32 @!p3 $0x7;
	s14 =	sadd.s32 @!p3 s5, s13  }
0x13b: {  	[tilespmem:s17], [sflag:$0x7] =	stream.linear.gather @!p3 [hbm4b:s14+s17], $0x500, $0x38;
	[tilespmem:$0x1FAE0] =	vst v63  }
0x13c: {  	_ =	swait.ge @!p3 [sflag:s18], $0x500  }
0x13d: {  	[sflag:s18] =	ssyncset.done @!p3 $0x0  }
0x13e: {  	s13 =	sadd.s32 @!p3 s6, s13;
	s14 =	simm.s32 @!p3 $0x500;
	[sflag:s18] =	ssyncadd.s32 @!p3 $0xFFFFFB00  }
0x13f: {  	[tilespmem:s14], [sflag:$0x7] =	stream.linear.gather @!p3 [hbm4b:s13+s17], $0x500, $0x38;
	[tilespmem:$0x1FAE0] =	vst v63  }
0x140: {  	_ =	swait.ge @!p3 [sflag:s18], $0x500  }
0x141: {  	p2 =	seq.s32 s9, $0x0;
	[sflag:s18] =	ssyncset.done @!p3 $0x0  }
0x142: {  	s16 =	simm.s32 @!p2 $0x4;
	[sflag:s18] =	ssyncadd.s32 @!p3 $0xFFFFFB00  }
0x143: {  	_ =	swait.ge @!p2 [sflag:s16], $0x2D00  }
0x144: {  	s3 =	smul.u32 $0x50, s12;
	[sflag:s16] =	ssyncset.done @!p2 $0x0  }
0x145: {  	[sflag:s16] =	ssyncadd.s32 @!p2 $0xFFFFD300  }
0x146: {  	v61 =	vld [tilespmem:s3+$0x0];
	_ =	sdelay $0x4  }
0x147: {  	v41 =	vshll.u32 v61, $0x1  }
0x148: {  	v41 =	vor.u32 v0, v41  }
0x149: {  	[tilespmem:$0xA00] =	vst v41  }
0x14a: {  	v41 =	vld [tilespmem:s3+$0x500];
	_ =	sdelay $0x4  }
0x14b: {  	[tilespmem:$0xAF0] =	vst v41  }
0x14c: {  	v41 =	vld [tilespmem:s3+$0x10];
	_ =	sdelay $0x4  }
0x14d: {  	v41 =	vshll.u32 v41, $0x1  }
0x14e: {  	v41 =	vor.u32 v0, v41  }
0x14f: {  	[tilespmem:$0xA10] =	vst v41  }
0x150: {  	v41 =	vld [tilespmem:s3+$0x510];
	_ =	sdelay $0x4  }
0x151: {  	[tilespmem:$0xB00] =	vst v41  }
0x152: {  	v41 =	vld [tilespmem:s3+$0x20];
	_ =	sdelay $0x4  }
0x153: {  	v41 =	vshll.u32 v41, $0x1  }
0x154: {  	v41 =	vor.u32 v0, v41  }
0x155: {  	[tilespmem:$0xA20] =	vst v41  }
0x156: {  	v41 =	vld [tilespmem:s3+$0x520];
	_ =	sdelay $0x4  }
0x157: {  	[tilespmem:$0xB10] =	vst v41  }
0x158: {  	v41 =	vld [tilespmem:s3+$0x30];
	_ =	sdelay $0x4  }
0x159: {  	v41 =	vshll.u32 v41, $0x1  }
0x15a: {  	v41 =	vor.u32 v0, v41  }
0x15b: {  	[tilespmem:$0xA30] =	vst v41  }
0x15c: {  	v41 =	vld [tilespmem:s3+$0x530];
	_ =	sdelay $0x4  }
0x15d: {  	[tilespmem:$0xB20] =	vst v41  }
0x15e: {  	v41 =	vld [tilespmem:s3+$0x40];
	_ =	sdelay $0x4  }
0x15f: {  	v41 =	vshll.u32 v41, $0x1  }
0x160: {  	v41 =	vor.u32 v0, v41  }
0x161: {  	[tilespmem:$0xA40] =	vst v41  }
0x162: {  	s13 =	sadd.s32 @!p2 $0x1, s9;
	v41 =	vld [tilespmem:s3+$0x540]  }
0x163: {  	s17 =	sand.u32 @!p2 $0xF, s13  }
0x164: {  	p3 =	sne.s32 @!p2 s17, $0x0  }
0x165: {  	p3 =	por p3, p2  }
0x166: {  	s12 =	smul.u32 @!p2 $0x50, s17;
	s13 =	sshrl.u32 @!p3 s13, $0x4  }
0x167: {  	s17 =	simm.s32 @!p2 $0x3;
	s13 =	smul.u32 @!p3 $0x500, s13;
	[tilespmem:$0xB30] =	vst v41  }
0x168: {  	[tilespmem:s21], [sflag:$0x1] =	stream.indirect.gather [hbm4b:s4+s19], $0x90, s20, s19, $0xb8;
	[tilespmem:$0x1FAE0] =	vst v63  }
0x169: {  	s14 =	simm.s32 @!p2 $0xB90;
	_ =	swait.ge @!p2 [sflag:s17], $0x2D00  }
0x16a: {  	s18 =	simm.s32 @!p2 $0x50;
	s13 =	sadd.s32 @!p3 s15, s13;
	[sflag:s17] =	ssyncset.done @!p2 $0x0  }
0x16b: {  	s16 =	simm.s32 @!p2 $0x65E0;
	s13 =	sshrl.u32 @!p3 s13, $0x3;
	[sflag:s17] =	ssyncadd.s32 @!p2 $0xFFFFD300  }
0x16c: {  	[spmem:s2] =	stream.indirect.scatter.add.f32 @!p2 [tilespmem:s16], [sflag:$0x6], $0x90, s14, s18, $0xb8;
	[tilespmem:$0x1FAE0] =	vst v63  }
0x16d: {  	s24 =	simm.s32 @!p3 $0x7;
	s3 =	simm.s32 @!p3 $0x0;
	s17 =	sadd.s32 @!p3 s5, s13  }
0x16e: {  	[tilespmem:s3], [sflag:$0x7] =	stream.linear.gather @!p3 [hbm4b:s17+s3], $0x500, $0x38;
	[tilespmem:$0x1FAE0] =	vst v63  }
0x16f: {  	_ =	swait.ge @!p3 [sflag:s24], $0x500  }
0x170: {  	[sflag:s24] =	ssyncset.done @!p3 $0x0  }
0x171: {  	s13 =	sadd.s32 @!p3 s6, s13;
	s14 =	simm.s32 @!p3 $0x500;
	[sflag:s24] =	ssyncadd.s32 @!p3 $0xFFFFFB00  }
0x172: {  	[tilespmem:s14], [sflag:$0x7] =	stream.linear.gather @!p3 [hbm4b:s13+s3], $0x500, $0x38;
	[tilespmem:$0x1FAE0] =	vst v63  }
0x173: {  	_ =	swait.ge @!p3 [sflag:s24], $0x500  }
0x174: {  	[sflag:s24] =	ssyncset.done @!p3 $0x0  }
0x175: {  	s3 =	simm.s32 @!p2 $0x5;
	[sflag:s24] =	ssyncadd.s32 @!p3 $0xFFFFFB00  }
0x176: {  	_ =	swait.ge @!p2 [sflag:s3], $0x2D00  }
0x177: {  	[sflag:s3] =	ssyncset.done @!p2 $0x0  }
0x178: {  	s12 =	simm.s32 @p2 $0x50;
	[sflag:s3] =	ssyncadd.s32 @!p2 $0xFFFFD300  }
0x179: {  	v62 =	vld [tilespmem:s12+$0x0];
	_ =	sdelay $0x4  }
0x17a: {  	v41 =	vshll.u32 v62, $0x1  }
0x17b: {  	v41 =	vor.u32 v0, v41  }
0x17c: {  	[tilespmem:$0xA50] =	vst v41  }
0x17d: {  	v41 =	vld [tilespmem:s12+$0x500];
	_ =	sdelay $0x4  }
0x17e: {  	[tilespmem:$0xB40] =	vst v41  }
0x17f: {  	v41 =	vld [tilespmem:s12+$0x10];
	_ =	sdelay $0x4  }
0x180: {  	v41 =	vshll.u32 v41, $0x1  }
0x181: {  	v41 =	vor.u32 v0, v41  }
0x182: {  	[tilespmem:$0xA60] =	vst v41  }
0x183: {  	v41 =	vld [tilespmem:s12+$0x510];
	_ =	sdelay $0x4  }
0x184: {  	[tilespmem:$0xB50] =	vst v41  }
0x185: {  	v41 =	vld [tilespmem:s12+$0x20];
	_ =	sdelay $0x4  }
0x186: {  	v41 =	vshll.u32 v41, $0x1  }
0x187: {  	v41 =	vor.u32 v0, v41  }
0x188: {  	[tilespmem:$0xA70] =	vst v41  }
0x189: {  	v41 =	vld [tilespmem:s12+$0x520];
	_ =	sdelay $0x4  }
0x18a: {  	[tilespmem:$0xB60] =	vst v41  }
0x18b: {  	v41 =	vld [tilespmem:s12+$0x30];
	_ =	sdelay $0x4  }
0x18c: {  	v41 =	vshll.u32 v41, $0x1  }
0x18d: {  	v41 =	vor.u32 v0, v41  }
0x18e: {  	[tilespmem:$0xA80] =	vst v41  }
0x18f: {  	v41 =	vld [tilespmem:s12+$0x530];
	_ =	sdelay $0x4  }
0x190: {  	[tilespmem:$0xB70] =	vst v41  }
0x191: {  	v41 =	vld [tilespmem:s12+$0x40];
	_ =	sdelay $0x4  }
0x192: {  	v41 =	vshll.u32 v41, $0x1  }
0x193: {  	v41 =	vor.u32 v0, v41  }
0x194: {  	[tilespmem:$0xA90] =	vst v41  }
0x195: {  	v41 =	vld [tilespmem:s12+$0x540]  }
0x196: {  	s3 =	sadd.s32 $0x2, s9  }
0x197: {  	s18 =	sand.u32 $0xF, s3  }
0x198: {  	p3 =	sne.s32 s18, $0x0  }
0x199: {  	s3 =	sshrl.u32 @!p3 s3, $0x4  }
0x19a: {  	s3 =	smul.u32 @!p3 $0x500, s3;
	[tilespmem:$0xB80] =	vst v41  }
0x19b: {  	[tilespmem:s23], [sflag:$0x2] =	stream.indirect.gather [hbm4b:s4+s19], $0x90, s22, s19, $0xb8;
	[tilespmem:$0x1FAE0] =	vst v63  }
0x19c: {  	_ =	swait.ge [sflag:s28], $0x2D00  }
0x19d: {  	s3 =	sadd.s32 @!p3 s15, s3;
	[sflag:s28] =	ssyncset.done $0x0  }
0x19e: {  	s3 =	sshrl.u32 @!p3 s3, $0x3;
	s24 =	rddreg [dreg:$0x3];
	[sflag:s28] =	ssyncadd.s32 $0xFFFFD300  }
0x19f: {  	[spmem:s2] =	stream.indirect.scatter.add.f32 [tilespmem:s21], [sflag:$0x4], $0x90, s24, s19, $0xb8;
	[tilespmem:$0x1FAE0] =	vst v63  }
0x1a0: {  	s13 =	simm.s32 @!p3 $0x7;
	s14 =	simm.s32 @!p3 $0x0;
	s12 =	sadd.s32 @!p3 s5, s3  }
0x1a1: {  	[tilespmem:s14], [sflag:$0x7] =	stream.linear.gather @!p3 [hbm4b:s12+s14], $0x500, $0x38;
	[tilespmem:$0x1FAE0] =	vst v63  }
0x1a2: {  	_ =	swait.ge @!p3 [sflag:s13], $0x500  }
0x1a3: {  	[sflag:s13] =	ssyncset.done @!p3 $0x0  }
0x1a4: {  	s3 =	sadd.s32 @!p3 s6, s3;
	s12 =	simm.s32 @!p3 $0x500;
	[sflag:s13] =	ssyncadd.s32 @!p3 $0xFFFFFB00  }
0x1a5: {  	[tilespmem:s12], [sflag:$0x7] =	stream.linear.gather @!p3 [hbm4b:s3+s14], $0x500, $0x38;
	[tilespmem:$0x1FAE0] =	vst v63  }
0x1a6: {  	_ =	swait.ge @!p3 [sflag:s13], $0x500  }
0x1a7: {  	[sflag:s13] =	ssyncset.done @!p3 $0x0  }
0x1a8: {  	s3 =	simm.s32 @!p2 $0x6;
	[sflag:s13] =	ssyncadd.s32 @!p3 $0xFFFFFB00  }
0x1a9: {  	s11 =	smov.u32 s10;
	_ =	swait.ge @!p2 [sflag:s3], $0x2D00  }
0x1aa: {  	s9 =	smov.u32 s11;
	s11 =	smul.u32 $0x50, s18;
	[sflag:s3] =	ssyncset.done @!p2 $0x0  }
0x1ab: {  	[sflag:s3] =	ssyncadd.s32 @!p2 $0xFFFFD300  }
0x1ac: {  	v63 =	vld [tilespmem:s11+$0x0];
	_ =	sdelay $0x4  }
0x1ad: {  	v41 =	vshll.u32 v63, $0x1  }
0x1ae: {  	v41 =	vor.u32 v0, v41  }
0x1af: {  	[tilespmem:$0xAA0] =	vst v41  }
0x1b0: {  	v41 =	vld [tilespmem:s11+$0x500];
	_ =	sdelay $0x4  }
0x1b1: {  	[tilespmem:$0xB90] =	vst v41  }
0x1b2: {  	v41 =	vld [tilespmem:s11+$0x10];
	_ =	sdelay $0x4  }
0x1b3: {  	v41 =	vshll.u32 v41, $0x1  }
0x1b4: {  	v41 =	vor.u32 v0, v41  }
0x1b5: {  	[tilespmem:$0xAB0] =	vst v41  }
0x1b6: {  	v41 =	vld [tilespmem:s11+$0x510];
	_ =	sdelay $0x4  }
0x1b7: {  	[tilespmem:$0xBA0] =	vst v41  }
0x1b8: {  	v41 =	vld [tilespmem:s11+$0x20];
	_ =	sdelay $0x4  }
0x1b9: {  	v41 =	vshll.u32 v41, $0x1  }
0x1ba: {  	v41 =	vor.u32 v0, v41  }
0x1bb: {  	[tilespmem:$0xAC0] =	vst v41  }
0x1bc: {  	v41 =	vld [tilespmem:s11+$0x520];
	_ =	sdelay $0x4  }
0x1bd: {  	[tilespmem:$0xBB0] =	vst v41  }
0x1be: {  	v41 =	vld [tilespmem:s11+$0x30];
	_ =	sdelay $0x4  }
0x1bf: {  	v41 =	vshll.u32 v41, $0x1  }
0x1c0: {  	v41 =	vor.u32 v0, v41  }
0x1c1: {  	[tilespmem:$0xAD0] =	vst v41  }
0x1c2: {  	v41 =	vld [tilespmem:s11+$0x530];
	_ =	sdelay $0x4  }
0x1c3: {  	[tilespmem:$0xBC0] =	vst v41  }
0x1c4: {  	v41 =	vld [tilespmem:s11+$0x40];
	_ =	sdelay $0x1  }
0x1c5: {  	s10 =	sadd.s32 $0x3, s10  }
0x1c6: {  	p1 =	sne.s32 s10, $0xFC  }
.Ltmp0:
0x1c7: {  	_ = 	snop;
	(pc) =	sbr.rel @p1 .LBB2_2-.Ltmp0, $4  }
0x1c8: {  	s12 =	sand.u32 $0xF, s9;
	v41 =	vshll.u32 v41, $0x1  }
0x1c9: {  	p3 =	sne.s32 s12, $0x0;
	v41 =	vor.u32 v0, v41  }
0x1ca: {  	s3 =	sshrl.u32 @!p3 s9, $0x4;
	[tilespmem:$0xAE0] =	vst v41  }
0x1cb: {  	v41 =	vld [tilespmem:s11+$0x540];
	s11 =	smul.u32 @!p3 $0x500, s3  }
0x1cc: {  	_ =	sdelay $0x3  }
0x1cd: {  	[tilespmem:$0xBD0] =	vst v41  }
0x1ce: {  	[tilespmem:s26], [sflag:$0x3] =	stream.indirect.gather [hbm4b:s4+s19], $0x90, s25, s19, $0xb8;
	[tilespmem:$0x1FAE0] =	vst v63  }
0x1cf: {  	_ =	swait.ge [sflag:s30], $0x2D00  }
0x1d0: {  	s10 =	sadd.s32 @!p3 s15, s11;
	[sflag:s30] =	ssyncset.done $0x0  }
0x1d1: {  	s10 =	sshrl.u32 @!p3 s10, $0x3;
	s3 =	rddreg [dreg:$0x4];
	[sflag:s30] =	ssyncadd.s32 $0xFFFFD300  }
0x1d2: {  	[spmem:s2] =	stream.indirect.scatter.add.f32 [tilespmem:s23], [sflag:$0x5], $0x90, s3, s19, $0xb8;
	[tilespmem:$0x1FAE0] =	vst v63  }
0x1d3: {  	s13 =	simm.s32 @!p3 $0x7;
	s11 =	simm.s32 @!p3 $0x0;
	s3 =	sadd.s32 @!p3 s5, s10  }
0x1d4: {  	[tilespmem:s11], [sflag:$0x7] =	stream.linear.gather @!p3 [hbm4b:s3+s11], $0x500, $0x38;
	[tilespmem:$0x1FAE0] =	vst v63  }
0x1d5: {  	_ =	swait.ge @!p3 [sflag:s13], $0x500  }
0x1d6: {  	[sflag:s13] =	ssyncset.done @!p3 $0x0  }
0x1d7: {  	s3 =	sadd.s32 @!p3 s6, s10;
	s10 =	simm.s32 @!p3 $0x500;
	[sflag:s13] =	ssyncadd.s32 @!p3 $0xFFFFFB00  }
0x1d8: {  	[tilespmem:s10], [sflag:$0x7] =	stream.linear.gather @!p3 [hbm4b:s3+s11], $0x500, $0x38;
	[tilespmem:$0x1FAE0] =	vst v63  }
0x1d9: {  	_ =	swait.ge @!p3 [sflag:s13], $0x500  }
0x1da: {  	p1 =	seq.s32 s9, $0x0;
	[sflag:s13] =	ssyncset.done @!p3 $0x0  }
0x1db: {  	s3 =	simm.s32 @!p1 $0x4;
	[sflag:s13] =	ssyncadd.s32 @!p3 $0xFFFFFB00  }
0x1dc: {  	_ =	swait.ge @!p1 [sflag:s3], $0x2D00  }
0x1dd: {  	s13 =	smul.u32 $0x50, s12;
	[sflag:s3] =	ssyncset.done @!p1 $0x0  }
0x1de: {  	[sflag:s3] =	ssyncadd.s32 @!p1 $0xFFFFD300  }
0x1df: {  	v61 =	vld [tilespmem:s13+$0x0];
	_ =	sdelay $0x4  }
0x1e0: {  	v41 =	vshll.u32 v61, $0x1  }
0x1e1: {  	v41 =	vor.u32 v0, v41  }
0x1e2: {  	[tilespmem:$0xA00] =	vst v41  }
0x1e3: {  	v41 =	vld [tilespmem:s13+$0x500];
	_ =	sdelay $0x4  }
0x1e4: {  	[tilespmem:$0xAF0] =	vst v41  }
0x1e5: {  	v41 =	vld [tilespmem:s13+$0x10];
	_ =	sdelay $0x4  }
0x1e6: {  	v41 =	vshll.u32 v41, $0x1  }
0x1e7: {  	v41 =	vor.u32 v0, v41  }
0x1e8: {  	[tilespmem:$0xA10] =	vst v41  }
0x1e9: {  	v41 =	vld [tilespmem:s13+$0x510];
	_ =	sdelay $0x4  }
0x1ea: {  	[tilespmem:$0xB00] =	vst v41  }
0x1eb: {  	v41 =	vld [tilespmem:s13+$0x20];
	_ =	sdelay $0x4  }
0x1ec: {  	v41 =	vshll.u32 v41, $0x1  }
0x1ed: {  	v41 =	vor.u32 v0, v41  }
0x1ee: {  	[tilespmem:$0xA20] =	vst v41  }
0x1ef: {  	v41 =	vld [tilespmem:s13+$0x520];
	_ =	sdelay $0x4  }
0x1f0: {  	[tilespmem:$0xB10] =	vst v41  }
0x1f1: {  	v41 =	vld [tilespmem:s13+$0x30];
	_ =	sdelay $0x4  }
0x1f2: {  	v41 =	vshll.u32 v41, $0x1  }
0x1f3: {  	v41 =	vor.u32 v0, v41  }
0x1f4: {  	[tilespmem:$0xA30] =	vst v41  }
0x1f5: {  	v41 =	vld [tilespmem:s13+$0x530];
	_ =	sdelay $0x4  }
0x1f6: {  	[tilespmem:$0xB20] =	vst v41  }
0x1f7: {  	v41 =	vld [tilespmem:s13+$0x40];
	_ =	sdelay $0x4  }
0x1f8: {  	v41 =	vshll.u32 v41, $0x1  }
0x1f9: {  	v41 =	vor.u32 v0, v41  }
0x1fa: {  	[tilespmem:$0xA40] =	vst v41  }
0x1fb: {  	s3 =	sadd.s32 @!p1 $0x1, s9;
	v41 =	vld [tilespmem:s13+$0x540]  }
0x1fc: {  	s10 =	sand.u32 @!p1 $0xF, s3  }
0x1fd: {  	p2 =	sne.s32 @!p1 s10, $0x0  }
0x1fe: {  	p2 =	por p2, p1  }
0x1ff: {  	s3 =	sshrl.u32 @!p2 s3, $0x4  }
0x200: {  	s11 =	simm.s32 @!p1 $0x3;
	s3 =	smul.u32 @!p2 $0x500, s3;
	[tilespmem:$0xB30] =	vst v41  }
0x201: {  	[tilespmem:s21], [sflag:$0x1] =	stream.indirect.gather [hbm4b:s4+s19], $0x90, s20, s19, $0xb8;
	[tilespmem:$0x1FAE0] =	vst v63  }
0x202: {  	s3 =	sadd.s32 @!p2 s15, s3;
	_ =	swait.ge @!p1 [sflag:s11], $0x2D00  }
0x203: {  	s12 =	simm.s32 @!p1 $0xB90;
	s3 =	sshrl.u32 @!p2 s3, $0x3;
	[sflag:s11] =	ssyncset.done @!p1 $0x0  }
0x204: {  	s13 =	simm.s32 @!p1 $0x65E0;
	[sflag:s11] =	ssyncadd.s32 @!p1 $0xFFFFD300;
	s11 =	simm.s32 @!p1 $0x50  }
0x205: {  	[spmem:s2] =	stream.indirect.scatter.add.f32 @!p1 [tilespmem:s13], [sflag:$0x6], $0x90, s12, s11, $0xb8;
	[tilespmem:$0x1FAE0] =	vst v63  }
0x206: {  	s11 =	simm.s32 @!p2 $0x7;
	s12 =	simm.s32 @!p2 $0x0;
	s13 =	sadd.s32 @!p2 s5, s3  }
0x207: {  	[tilespmem:s12], [sflag:$0x7] =	stream.linear.gather @!p2 [hbm4b:s13+s12], $0x500, $0x38;
	[tilespmem:$0x1FAE0] =	vst v63  }
0x208: {  	_ =	swait.ge @!p2 [sflag:s11], $0x500  }
0x209: {  	[sflag:s11] =	ssyncset.done @!p2 $0x0  }
0x20a: {  	s3 =	sadd.s32 @!p2 s6, s3;
	s13 =	simm.s32 @!p2 $0x500;
	[sflag:s11] =	ssyncadd.s32 @!p2 $0xFFFFFB00  }
0x20b: {  	[tilespmem:s13], [sflag:$0x7] =	stream.linear.gather @!p2 [hbm4b:s3+s12], $0x500, $0x38;
	[tilespmem:$0x1FAE0] =	vst v63  }
0x20c: {  	_ =	swait.ge @!p2 [sflag:s11], $0x500  }
0x20d: {  	[sflag:s11] =	ssyncset.done @!p2 $0x0  }
0x20e: {  	s3 =	simm.s32 @!p1 $0x5;
	[sflag:s11] =	ssyncadd.s32 @!p2 $0xFFFFFB00  }
0x20f: {  	s10 =	smul.u32 @!p1 $0x50, s10;
	_ =	swait.ge @!p1 [sflag:s3], $0x2D00  }
0x210: {  	[sflag:s3] =	ssyncset.done @!p1 $0x0  }
0x211: {  	s10 =	simm.s32 @p1 $0x50;
	[sflag:s3] =	ssyncadd.s32 @!p1 $0xFFFFD300  }
0x212: {  	v62 =	vld [tilespmem:s10+$0x0];
	_ =	sdelay $0x4  }
0x213: {  	v41 =	vshll.u32 v62, $0x1  }
0x214: {  	v41 =	vor.u32 v0, v41  }
0x215: {  	[tilespmem:$0xA50] =	vst v41  }
0x216: {  	v41 =	vld [tilespmem:s10+$0x500];
	_ =	sdelay $0x4  }
0x217: {  	[tilespmem:$0xB40] =	vst v41  }
0x218: {  	v41 =	vld [tilespmem:s10+$0x10];
	_ =	sdelay $0x4  }
0x219: {  	v41 =	vshll.u32 v41, $0x1  }
0x21a: {  	v41 =	vor.u32 v0, v41  }
0x21b: {  	[tilespmem:$0xA60] =	vst v41  }
0x21c: {  	v41 =	vld [tilespmem:s10+$0x510];
	_ =	sdelay $0x4  }
0x21d: {  	[tilespmem:$0xB50] =	vst v41  }
0x21e: {  	v41 =	vld [tilespmem:s10+$0x20];
	_ =	sdelay $0x4  }
0x21f: {  	v41 =	vshll.u32 v41, $0x1  }
0x220: {  	v41 =	vor.u32 v0, v41  }
0x221: {  	[tilespmem:$0xA70] =	vst v41  }
0x222: {  	v41 =	vld [tilespmem:s10+$0x520];
	_ =	sdelay $0x4  }
0x223: {  	[tilespmem:$0xB60] =	vst v41  }
0x224: {  	v41 =	vld [tilespmem:s10+$0x30];
	_ =	sdelay $0x4  }
0x225: {  	v41 =	vshll.u32 v41, $0x1  }
0x226: {  	v41 =	vor.u32 v0, v41  }
0x227: {  	[tilespmem:$0xA80] =	vst v41  }
0x228: {  	v41 =	vld [tilespmem:s10+$0x530];
	_ =	sdelay $0x4  }
0x229: {  	[tilespmem:$0xB70] =	vst v41  }
0x22a: {  	v41 =	vld [tilespmem:s10+$0x40];
	_ =	sdelay $0x4  }
0x22b: {  	v41 =	vshll.u32 v41, $0x1  }
0x22c: {  	v41 =	vor.u32 v0, v41  }
0x22d: {  	[tilespmem:$0xA90] =	vst v41  }
0x22e: {  	v41 =	vld [tilespmem:s10+$0x540]  }
0x22f: {  	s3 =	sadd.s32 $0x2, s9  }
0x230: {  	s9 =	sand.u32 $0xF, s3  }
0x231: {  	p2 =	sne.s32 s9, $0x0  }
0x232: {  	s3 =	sshrl.u32 @!p2 s3, $0x4  }
0x233: {  	s3 =	smul.u32 @!p2 $0x500, s3;
	[tilespmem:$0xB80] =	vst v41  }
0x234: {  	[tilespmem:s23], [sflag:$0x2] =	stream.indirect.gather [hbm4b:s4+s19], $0x90, s22, s19, $0xb8;
	[tilespmem:$0x1FAE0] =	vst v63  }
0x235: {  	_ =	swait.ge [sflag:s28], $0x2D00  }
0x236: {  	s3 =	sadd.s32 @!p2 s15, s3;
	[sflag:s28] =	ssyncset.done $0x0  }
0x237: {  	s3 =	sshrl.u32 @!p2 s3, $0x3;
	s14 =	rddreg [dreg:$0x3];
	[sflag:s28] =	ssyncadd.s32 $0xFFFFD300  }
0x238: {  	[spmem:s2] =	stream.indirect.scatter.add.f32 [tilespmem:s21], [sflag:$0x4], $0x90, s14, s19, $0xb8;
	[tilespmem:$0x1FAE0] =	vst v63  }
0x239: {  	s12 =	simm.s32 @!p2 $0x0;
	s11 =	sadd.s32 @!p2 s5, s3;
	s10 =	simm.s32 @!p2 $0x7  }
0x23a: {  	[tilespmem:s12], [sflag:$0x7] =	stream.linear.gather @!p2 [hbm4b:s11+s12], $0x500, $0x38;
	[tilespmem:$0x1FAE0] =	vst v63  }
0x23b: {  	_ =	swait.ge @!p2 [sflag:s10], $0x500  }
0x23c: {  	[sflag:s10] =	ssyncset.done @!p2 $0x0  }
0x23d: {  	s3 =	sadd.s32 @!p2 s6, s3;
	s11 =	simm.s32 @!p2 $0x500;
	[sflag:s10] =	ssyncadd.s32 @!p2 $0xFFFFFB00  }
0x23e: {  	[tilespmem:s11], [sflag:$0x7] =	stream.linear.gather @!p2 [hbm4b:s3+s12], $0x500, $0x38;
	[tilespmem:$0x1FAE0] =	vst v63  }
0x23f: {  	_ =	swait.ge @!p2 [sflag:s10], $0x500  }
0x240: {  	[sflag:s10] =	ssyncset.done @!p2 $0x0  }
0x241: {  	s3 =	simm.s32 @!p1 $0x6;
	[sflag:s10] =	ssyncadd.s32 @!p2 $0xFFFFFB00  }
0x242: {  	_ =	swait.ge @!p1 [sflag:s3], $0x2D00  }
0x243: {  	s9 =	smul.u32 $0x50, s9;
	[sflag:s3] =	ssyncset.done @!p1 $0x0  }
0x244: {  	[sflag:s3] =	ssyncadd.s32 @!p1 $0xFFFFD300  }
0x245: {  	v63 =	vld [tilespmem:s9+$0x0];
	_ =	sdelay $0x4  }
0x246: {  	v41 =	vshll.u32 v63, $0x1  }
0x247: {  	v41 =	vor.u32 v0, v41  }
0x248: {  	[tilespmem:$0xAA0] =	vst v41  }
0x249: {  	v41 =	vld [tilespmem:s9+$0x500];
	_ =	sdelay $0x4  }
0x24a: {  	[tilespmem:$0xB90] =	vst v41  }
0x24b: {  	v41 =	vld [tilespmem:s9+$0x10];
	_ =	sdelay $0x4  }
0x24c: {  	v41 =	vshll.u32 v41, $0x1  }
0x24d: {  	v41 =	vor.u32 v0, v41  }
0x24e: {  	[tilespmem:$0xAB0] =	vst v41  }
0x24f: {  	v41 =	vld [tilespmem:s9+$0x510];
	_ =	sdelay $0x4  }
0x250: {  	[tilespmem:$0xBA0] =	vst v41  }
0x251: {  	v41 =	vld [tilespmem:s9+$0x20];
	_ =	sdelay $0x4  }
0x252: {  	v41 =	vshll.u32 v41, $0x1  }
0x253: {  	v41 =	vor.u32 v0, v41  }
0x254: {  	[tilespmem:$0xAC0] =	vst v41  }
0x255: {  	v41 =	vld [tilespmem:s9+$0x520];
	_ =	sdelay $0x4  }
0x256: {  	[tilespmem:$0xBB0] =	vst v41  }
0x257: {  	v41 =	vld [tilespmem:s9+$0x30];
	_ =	sdelay $0x4  }
0x258: {  	v41 =	vshll.u32 v41, $0x1  }
0x259: {  	v41 =	vor.u32 v0, v41  }
0x25a: {  	[tilespmem:$0xAD0] =	vst v41  }
0x25b: {  	v41 =	vld [tilespmem:s9+$0x530];
	_ =	sdelay $0x4  }
0x25c: {  	[tilespmem:$0xBC0] =	vst v41  }
0x25d: {  	v41 =	vld [tilespmem:s9+$0x40];
	_ =	sdelay $0x4  }
0x25e: {  	v41 =	vshll.u32 v41, $0x1  }
0x25f: {  	v41 =	vor.u32 v0, v41  }
0x260: {  	[tilespmem:$0xAE0] =	vst v41  }
0x261: {  	v41 =	vld [tilespmem:s9+$0x540];
	_ =	sdelay $0x4  }
0x262: {  	[tilespmem:$0xBD0] =	vst v41  }
0x263: {  	[tilespmem:s26], [sflag:$0x3] =	stream.indirect.gather [hbm4b:s4+s19], $0x90, s25, s19, $0xb8;
	[tilespmem:$0x1FAE0] =	vst v63  }
0x264: {  	_ =	swait.ge [sflag:s30], $0x2D00  }
0x265: {  	[sflag:s30] =	ssyncset.done $0x0  }
0x266: {  	s16 =	rddreg [dreg:$0x4];
	[sflag:s30] =	ssyncadd.s32 $0xFFFFD300  }
0x267: {  	[spmem:s2] =	stream.indirect.scatter.add.f32 [tilespmem:s23], [sflag:$0x5], $0x90, s16, s19, $0xb8;
	[tilespmem:$0x1FAE0] =	vst v63  }
0x268: {  	_ =	swait.ge [sflag:s31], $0x2D00  }
0x269: {  	[sflag:s31] =	ssyncset.done $0x0  }
0x26a: {  	s17 =	simm.s32 $0xB90;
	s18 =	simm.s32 $0x4;
	[sflag:s31] =	ssyncadd.s32 $0xFFFFD300  }
0x26b: {  	[spmem:s2] =	stream.indirect.scatter.add.f32 [tilespmem:s26], [sflag:$0x6], $0x90, s17, s19, $0xb8;
	[tilespmem:$0x1FAE0] =	vst v63  }
0x26c: {  	_ =	swait.ge [sflag:s18], $0x2D00  }
0x26d: {  	[sflag:s18] =	ssyncset.done $0x0  }
0x26e: {  	[sflag:s18] =	ssyncadd.s32 $0xFFFFD300  }
0x26f: {  	_ =	swait.ge [sflag:s0], $0x2D00  }
0x270: {  	[sflag:s0] =	ssyncset.done $0x0  }
0x271: {  	[sflag:s0] =	ssyncadd.s32 $0xFFFFD300  }
0x272: {  	_ =	swait.ge [sflag:s1], $0x2D00  }
0x273: {  	[sflag:s1] =	ssyncset.done $0x0  }
0x274: {  	[sflag:s1] =	ssyncadd.s32 $0xFFFFD300  }
0x275: {  	[bflag:$0x0] =	sbarrier.arrive $0xFFFF  }
0x276: {  	s9 =	rddreg [dreg:$0xd]  }
0x277: {  	s3 =	simm.s32 @p0 $0x1FC7;
	s10 =	rddreg [dreg:$0xf]  }
0x278: {  	[hbm:s9], [sflag:s3] =	dma.local @p0 [spmem:s10], $0x1C20  }
0x279: {  	s3 =	simm.s32 @p0 $0x7  }
0x27a: {  	s9 =	stileid.u32;
	_ =	swait.ge @p0 [sflag:s3], $0x1C20  }
0x27b: {  	s9 =	sshll.u32 @!p0 s9, $0x6;
	[sflag:s3] =	ssyncset.done @p0 $0x0;
	s10 =	rddreg [dreg:$0xc]  }
0x27c: {  	[sflag:s3] =	ssyncadd.s32 @p0 $0xFFFFE3E0;
	s3 =	sor.u32 @!p0 $0x1C07, s9;
	s9 =	sshrl.u32 @!p0 s7, $0x3  }
0x27d: {  	[hbm:s10], [sflag:s3] =	dma.local @!p0 [spmem:s9], $0x2D00  }
0x27e: {  	s3 =	simm.s32 @!p0 $0x7  }
0x27f: {  	_ =	swait.ge @!p0 [sflag:s3], $0x2D00  }
0x280: {  	s8 =	sadd.s32 $0x1, s8;
	s24 =	rddreg [dreg:$0xe]  }
0x281: {  	p1 =	sne.s32 s8, s24  }
.Ltmp1:
0x282: {  	_ = 	snop;
	(pc) =	sbr.rel @p1 .LBB2_1-.Ltmp1, $3  }
0x283: {  	_ =	sdelay $0x1  }
0x284: {  	[sflag:s3] =	ssyncset.done @!p0 $0x0  }
0x285: {  	[sflag:s3] =	ssyncadd.s32 @!p0 $0xFFFFD300  }
0x286: {  	_ =	sfence.sel $0x180000  }
0x287: {  	[bflag:$0x0] =	sbarrier.arrive $0xFFFF  }
0x288: {  	_ =	strace $0x9000004A  }
0x289: {  	s0 =	stileid.u32;
	[bflag:$0x2] =	sbarrier.arrive $0xFFFF  }
0x28a: {  	p0 =	sne.s32 s0, $0x0;
	s0 =	rddreg [dreg:$0x2]  }
0x28b: {  	s0 =	sadd.s32 @!p0 $0x100000, s0  }
0x28c: {  	[sflag:s0] =	ssyncadd.tile.s32 @!p0 $0x1;
	_ =	shalt  }
.Lfunc_end2:
_tile_overlayer_lowered:
.L_overlay_start_2:
0x28d: {  	(tag) =	ssettag $0x2  }
0x28e: {  	s0 =	rddreg [dreg:$0x0];
	s2 =	stileid.u32  }
0x28f: {  	s1 =	rddreg [dreg:$0x1];
	p0 =	sne.s32 s2, $0x0  }
0x290: {  	s3 =	rddreg [dreg:$0x2];
	[bflag:$0x3] =	sbarrier.arrive $0xFFFF;
	s2 =	simm.s32 @!p0 $0x1C07  }
0x291: {  	[timem:s3], [sflag:s2] =	dma.local @!p0 [hbm:s0], s1  }
0x292: {  	s0 =	simm.s32 @!p0 $0x7  }
0x293: {  	_ =	swait.ge @!p0 [sflag:s0], s1  }
0x294: {  	s1 =	ssub.s32 @!p0 $0x0, s1;
	[sflag:s0] =	ssyncset.done @!p0 $0x0  }
0x295: {  	[sflag:s0] =	ssyncadd.s32 @!p0 s1  }
0x296: {  	[bflag:$0x3] =	sbarrier.arrive $0xFFFF  }
0x297: {  	_ =	shalt  }

// kernel: kernel.4.cloned.1.call-start
scs
__scs_entry_jumppad:
0x0: {  	(pc) =	sbr.rel $0x88, $3  }
0x1: {  	(tag) =	ssettag $0x0;
	lr =	simm.s32 $0x1  }
0x2: {  	[smem:$0x3F96] =	sst lr;
	_ =	strace $0xD0000000  }
0x3: {  	_ = 	snop  }
0x4: {  	_ = 	snop  }
0x5: {  	_ = 	snop  }
0x6: {  	_ = 	snop  }
0x7: {  	_ = 	snop  }
__scs_overlays_trampoline_lowered:
0x8: {  	[smem:$0x3FA5] =	sst s0  }
0x9: {  	[smem:$0x3FA6] =	sst s1  }
0xa: {  	[smem:$0x3FA7] =	sst s2  }
0xb: {  	[smem:$0x3FA8] =	sst s3  }
0xc: {  	[smem:$0x3FA9] =	sst s4  }
0xd: {  	[smem:$0x3FAA] =	sst s5  }
0xe: {  	[smem:$0x3FAB] =	sst s6  }
0xf: {  	[smem:$0x3FAC] =	sst s7  }
0x10: {  	[smem:$0x3FAD] =	sst s8  }
0x11: {  	[smem:$0x3FAE] =	sst s9;
	s0 =	simm.s32 @!p0 $0x0  }
0x12: {  	s1 =	sld [smem:$0x3F94];
	s0 =	simm.s32 @p0 $0x1  }
0x13: {  	[smem:$0x3FAF] =	sst s0;
	s0 =	simm.s32 @!p1 $0x0  }
0x14: {  	s2 =	sld [smem:$0x3F93];
	s0 =	simm.s32 @p1 $0x1  }
0x15: {  	[smem:$0x3FB0] =	sst s0;
	s0 =	simm.s32 @!p2 $0x0  }
0x16: {  	s3 =	sld [smem:$0x3FDB];
	s0 =	simm.s32 @p2 $0x1  }
0x17: {  	s4 =	simm.s32 $0x1BF5;
	[smem:$0x3FB2] =	sst s0  }
0x18: {  	s0 =	sld [smem:$0x3F95];
	_ =	swait.ge [sflag:s4], $0x0  }
0x19: {  	s7 =	sld [smem:$0x3F96]  }
0x1a: {  	s8 =	sadd.s32 $0xFFFFE003, lr  }
0x1b: {  	s9 =	sadd.s32 $0xFFFFFEF7, lr;
	s5 =	simm.s32 $0xFFFFFFFF;
	p2 =	slt.u32 s8, $0xFFFFF086  }
0x1c: {  	p1 =	slt.u32 s9, $0xF7A;
	s5 =	simm.s32 @!p2 $0x0  }
0x1d: {  	s5 =	simm.s32 @p1 $0x1;
	p0 =	seq.s32 s7, s2  }
0x1e: {  	s7 =	smul.u32 @!p0 $0xF7A, s2;
	p2 =	seq.s32 @!p0 s5, $0x0  }
0x1f: {  	s9 =	smul.u32 $0xF7A, s1;
	s8 =	simm.s32 @!p0 $0x1BF5;
	p2 =	por !p2, p0  }
0x20: {  	[sflag:s8] =	ssyncset.s32 @!p0 $0xFFFFF086;
	s6 =	sadd.s32 @!p0 s3, s7;
	s7 =	simm.s32 @!p0 $0x108  }
0x21: {  	s3 =	sadd.s32 s3, s9;
	s6 =	sadd.s32 @!p0 $0x88, s6;
	s7 =	simm.s32 @p2 $0x1082  }
0x22: {  	[simem:s7], [sflag:s8] =	dma.local @!p0 [hbm:s6], $0xF7A  }
0x23: {  	s9 =	sor.u32 $0xD0000000, s2;
	s6 =	simm.s32 $0x108;
	_ =	swait.ge @!p0 [sflag:s8], $0x0  }
0x24: {  	s3 =	sadd.s32 $0x88, s3;
	s6 =	simm.s32 @!p1 $0x1082;
	[sflag:s4] =	ssyncset.s32 $0xFFFFF086  }
0x25: {  	[simem:s6], [sflag:s4] =	dma.local [hbm:s3], $0xF7A  }
0x26: {  	[smem:$0x3F96] =	sst s1;
	(tag) =	ssettag s2;
	_ =	strace s9  }
0x27: {  	s1 =	sld [smem:$0x3FA6]  }
0x28: {  	s2 =	sld [smem:$0x3FA7]  }
0x29: {  	s4 =	sld [smem:$0x3FA9]  }
0x2a: {  	p0 =	seq.s32 s5, $0x0;
	s5 =	sld [smem:$0x3FAA]  }
0x2b: {  	s6 =	sld [smem:$0x3FAB]  }
0x2c: {  	s7 =	sld [smem:$0x3FAC]  }
0x2d: {  	s3 =	simm.s32 $0x108;
	s8 =	sld [smem:$0x3FAD]  }
0x2e: {  	s3 =	simm.s32 @!p0 $0x1082;
	s9 =	sld [smem:$0x3FAE]  }
0x2f: {  	lr =	sadd.s32 s0, s3;
	s0 =	sld [smem:$0x3FA5]  }
0x30: {  	s3 =	sld [smem:$0x3FA8]  }
0x31: {  	[smem:$0x3FB1] =	sst s10  }
0x32: {  	s10 =	sld [smem:$0x3FAF];
	_ =	sdelay $0x3  }
0x33: {  	p0 =	seq.s32 s10, $0x1;
	s10 =	sld [smem:$0x3FB1];
	_ =	sdelay $0x3  }
0x34: {  	[smem:$0x3FB1] =	sst s10  }
0x35: {  	s10 =	sld [smem:$0x3FB0];
	_ =	sdelay $0x3  }
0x36: {  	p1 =	seq.s32 s10, $0x1;
	s10 =	sld [smem:$0x3FB1];
	_ =	sdelay $0x3  }
0x37: {  	[smem:$0x3FB1] =	sst s10  }
0x38: {  	s10 =	sld [smem:$0x3FB2]  }
0x39: {  	_ = 	snop;
	(pc) =	sbr.ind lr, $3  }
0x3a: {  	_ = 	snop  }
0x3b: {  	_ = 	snop  }
0x3c: {  	p2 =	seq.s32 s10, $0x1;
	s10 =	sld [smem:$0x3FB1]  }
0x3d: {  	_ =	shalt  }
0x3e: {  	_ =	shalt  }
0x3f: {  	_ =	shalt  }
0x40: {  	_ =	shalt  }
0x41: {  	_ =	shalt  }
0x42: {  	_ =	shalt  }
0x43: {  	_ =	shalt  }
0x44: {  	_ =	shalt  }
0x45: {  	_ =	shalt  }
0x46: {  	_ =	shalt  }
0x47: {  	_ =	shalt  }
0x48: {  	_ =	shalt  }
0x49: {  	_ =	shalt  }
0x4a: {  	_ =	shalt  }
0x4b: {  	_ =	shalt  }
0x4c: {  	_ =	shalt  }
0x4d: {  	_ =	shalt  }
0x4e: {  	_ =	shalt  }
0x4f: {  	_ =	shalt  }
0x50: {  	_ =	shalt  }
0x51: {  	_ =	shalt  }
0x52: {  	_ =	shalt  }
0x53: {  	_ =	shalt  }
0x54: {  	_ =	shalt  }
0x55: {  	_ =	shalt  }
0x56: {  	_ =	shalt  }
0x57: {  	_ =	shalt  }
0x58: {  	_ =	shalt  }
0x59: {  	_ =	shalt  }
0x5a: {  	_ =	shalt  }
0x5b: {  	_ =	shalt  }
0x5c: {  	_ =	shalt  }
0x5d: {  	_ =	shalt  }
0x5e: {  	_ =	shalt  }
0x5f: {  	_ =	shalt  }
0x60: {  	_ =	shalt  }
0x61: {  	_ =	shalt  }
0x62: {  	_ =	shalt  }
0x63: {  	_ =	shalt  }
0x64: {  	_ =	shalt  }
0x65: {  	_ =	shalt  }
0x66: {  	_ =	shalt  }
0x67: {  	_ =	shalt  }
0x68: {  	_ =	shalt  }
0x69: {  	_ =	shalt  }
0x6a: {  	_ =	shalt  }
0x6b: {  	_ =	shalt  }
0x6c: {  	_ =	shalt  }
0x6d: {  	_ =	shalt  }
0x6e: {  	_ =	shalt  }
0x6f: {  	_ =	shalt  }
0x70: {  	_ =	shalt  }
0x71: {  	_ =	shalt  }
0x72: {  	_ =	shalt  }
0x73: {  	_ =	shalt  }
0x74: {  	_ =	shalt  }
0x75: {  	_ =	shalt  }
0x76: {  	_ =	shalt  }
0x77: {  	_ =	shalt  }
0x78: {  	_ =	shalt  }
0x79: {  	_ =	shalt  }
0x7a: {  	_ =	shalt  }
0x7b: {  	_ =	shalt  }
0x7c: {  	_ =	shalt  }
0x7d: {  	_ =	shalt  }
0x7e: {  	_ =	shalt  }
0x7f: {  	_ =	shalt  }
0x80: {  	_ =	shalt  }
0x81: {  	_ =	shalt  }
0x82: {  	_ =	shalt  }
0x83: {  	_ =	shalt  }
0x84: {  	_ =	shalt  }
0x85: {  	_ =	shalt  }
0x86: {  	_ =	shalt  }
0x87: {  	_ =	shalt  }
.Lfunc_end0:
.L_simem_size_0:
called_computation.1_lowered:
.L_overlay_start_0:
0x88: {  	s2 =	sld [smem:$0x3FD9]  }
0x89: {  	s3 =	sld [smem:$0x3FFE];
	_ =	sdelay $0x1  }
0x8a: {  	s1 =	srdreg.scid  }
0x8b: {  	s0 =	sand.u32 $0x1, s1  }
0x8c: {  	s17 =	sshll.u32 s0, $0xA;
	s2 =	sadd.s32 s3, s2  }
0x8d: {  	s2 =	sadd.s32 s2, s17  }
0x8e: {  	[smem:$0x3FBD] =	sst s2  }
0x8f: {  	_ = 	snop  }
0x90: {  	s2 =	sld [smem:$0x3FD0];
	(tm) =	ssettm $0x1  }
0x91: {  	s18 =	sld [smem:$0x3FFB];
	_ =	sdelay $0x3  }
0x92: {  	_ =	strace s18  }
0x93: {  	s3 =	sld [smem:$0x3FFC];
	_ =	sdelay $0x3  }
0x94: {  	_ =	strace s3  }
0x95: {  	s3 =	sld [smem:$0x3FFD];
	_ =	sdelay $0x3  }
0x96: {  	_ =	strace s3  }
0x97: {  	_ =	strace $0x8FFFFFFF  }
0x98: {  	s19 =	sld [smem:$0x3FDB];
	_ =	sdelay $0x1  }
0x99: {  	s4 =	simm.s32 $_scs_section_size  }
0x9a: {  	s5 =	simm.s32 $_size__tile_overlayer_lowered;
	s6 =	simm.s32 $_tile_overlayer_lowered  }
0x9b: {  	s22 =	simm.s32 $0x1BFF;
	s21 =	sshll.u32 s6, $0x1;
	s3 =	sadd.s32 s4, s19  }
0x9c: {  	s7 =	simm.s32 $0x0;
	s20 =	sshll.u32 s5, $0x1;
	s5 =	sadd.s32 s21, s3  }
0x9d: {  	[timem:s7], [sflag:s22] =	dma.local [hbm:s5], s20  }
0x9e: {  	_ =	swait.ge [sflag:s22], s20  }
0x9f: {  	s4 =	ssub.s32 $0x0, s20;
	[sflag:s22] =	ssyncset.done $0x0  }
0xa0: {  	[sflag:s22] =	ssyncadd.s32 s4;
	_ =	sdelay $0x1  }
0xa1: {  	s23 =	simm.s32 $0x1B8B  }
0xa2: {  	_ =	swait.ge [sflag:s23], $0x1  }
0xa3: {  	[sflag:s23] =	ssyncset.done $0x0  }
0xa4: {  	s25 =	simm.s32 $0x1B8E;
	s24 =	sld [smem:$0x3FFE];
	[sflag:s23] =	ssyncadd.s32 $0xFFFFFFFF  }
0xa5: {  	s26 =	simm.s32 $execute0_lowered;
	[smem:$0x3FD2] =	sst s25  }
0xa6: {  	s5 =	sshll.u32 s26, $0x1;
	_ =	strace $0x80000046;
	[dreg:$0x1] =	wrdreg $0xFFFFFFFF  }
0xa7: {  	s28 =	simm.s32 $_size_execute0_lowered;
	s3 =	sadd.s32 s3, s5;
	[dreg:$0x0] =	wrdreg $0x0  }
0xa8: {  	s5 =	sshll.u32 s28, $0x1;
	[dreg:$0x2] =	wrdreg s3  }
0xa9: {  	[dreg:$0x3] =	wrdreg s5  }
0xaa: {  	[dreg:$0x4] =	wrdreg $0xC0  }
0xab: {  	_ =	task [dreg:s7], $0x5FFFF  }
0xac: {  	[dreg:$0x1] =	wrdreg $0xFFFFFFFF  }
0xad: {  	[dreg:$0x0] =	wrdreg $0x60  }
0xae: {  	[dreg:$0x2] =	wrdreg s24  }
0xaf: {  	[dreg:$0x3] =	wrdreg s2  }
0xb0: {  	[dreg:$0x4] =	wrdreg $0x2A800  }
0xb1: {  	[dreg:$0x5] =	wrdreg $0x9  }
0xb2: {  	_ =	task.clear_ibuf [dreg:s7], $0x6FFFF;
	_ =	strace $0x90000046  }
0xb3: {  	s29 =	simm.s32 $0x9;
	_ =	strace $0x80000048  }
0xb4: {  	_ =	swait.ge [sflag:s29], $0x1  }
0xb5: {  	[sflag:s29] =	ssyncadd.s32 $0xFFFFFFFF  }
0xb6: {  	_ =	strace $0x90000048  }
0xb7: {  	_ =	sfence  }
0xb8: {  	s30 =	sld [smem:$0x0];
	_ =	sdelay $0x2  }
0xb9: {  	s31 =	sshll.u32 s1, $0xD;
	s1 =	sshrl.u32 s1, $0x2  }
0xba: {  	s3 =	sand.u32 $0x4000, s31;
	s1 =	sadd.s32 s1, s30  }
0xbb: {  	s0 =	sor.u32 s3, s0;
	s1 =	sshll.u32 s1, $0x11  }
0xbc: {  	s0 =	sor.u32 s1, s0  }
0xbd: {  	s0 =	sadd.s32 $0x8F2B, s0  }
0xbe: {  	[sflag:s0] =	ssyncadd.remote.s32 $0x1  }
0xbf: {  	_ =	sfence.sel $0xFFFF  }
0xc0: {  	[dreg:$0x0] =	wrdreg $0xFFFFFFFF;
	(pc) =	sbr.abs _section_cstart, $3  }
0xc1: {  	[dreg:$0x1] =	wrdreg $0xFFFFFFFF  }
0xc2: {  	_ =	task.clear_ibuf [dreg:s7], $0x2FFFF;
	_ =	strace $0x9FFFFFFF  }
0xc3: {  	(tm) =	ssettm $0x7FFFFFFF  }
tec
execute0_lowered:
.L_overlay_start_1:
0x0: {  	(tag) =	ssettag $0x1  }
0x1: {  	s1 =	srdreg.scid;
	s4 =	rddreg [dreg:$0x0]  }
0x2: {  	s0 =	stileid.u32;
	s6 =	rddreg [dreg:$0x1]  }
0x3: {  	s2 =	rddreg [dreg:$0x2];
	s3 =	simm.s32 $0x0;
	s10 =	simm.s32 $0x50  }
0x4: {  	s11 =	simm.s32 $0x2760;
	s12 =	simm.s32 $0x27B0;
	s15 =	simm.s32 $0x0  }
0x5: {  	s5 =	sand.u32 $0x1, s1;
	s30 =	sshll.u32 s0, $0x1;
	s8 =	smul.u32 $0x280, s0  }
0x6: {  	[smem:$0x7FF] =	sst s3;
	s1 =	sor.u32 s5, s30;
	s9 =	smul.u32 $0x2800, s5  }
0x7: {  	s13 =	sshll.u32 s0, $0x6;
	s5 =	ssub.s32 $0x2, s5;
	s7 =	smul.u32 $0x4EC, s1  }
0x8: {  	s13 =	sor.u32 $0x1C01, s13;
	s1 =	rddreg [dreg:$0x3];
	_ =	strace $0x80000047  }
0x9: {  	s31 =	sshrl.u32 s5, $0x1;
	s9 =	sadd.s32 s8, s9;
	s4 =	sadd.s32 s7, s4  }
0xa: {  	s7 =	ssub.s32 s5, s31;
	s9 =	sshrl.u32 s9, $0x3;
	s5 =	sadd.s32 s8, s2  }
0xb: {  	s8 =	simm.s32 $0x1;
	s4 =	sadd.s32 $0x3E00, s4;
	s6 =	sadd.s32 s6, s9  }
0xc: {  	v0 =	vimm.f32 $1.000000000e+00;
	v1 =	vimm.f32 $0.0e+00;
	s7 =	smax.u32 s7, $0x1;
	s9 =	simm.s32 $0x2800;
	s14 =	sshrl.u32 s5, $0x3  }
.LBB2_1:
0xd: {  	[tilespmem:s3], [sflag:$0x1] =	stream.linear.gather [hbm4b:s4+s3], $0x2760, $0x38;
	[tilespmem:$0x2D00] =	vst v63  }
0xe: {  	_ =	swait.ge [sflag:s8], $0x2760  }
0xf: {  	[sflag:s8] =	ssyncset.done $0x0  }
0x10: {  	[sflag:s8] =	ssyncadd.s32 $0xFFFFD8A0  }
0x11: {  	[tilespmem:$0x27B0] =	vst v0  }
0x12: {  	[tilespmem:$0x27C0] =	vst v0  }
0x13: {  	[tilespmem:$0x27D0] =	vst v0  }
0x14: {  	[tilespmem:$0x27E0] =	vst v0  }
0x15: {  	[tilespmem:$0x27F0] =	vst v0  }
0x16: {  	[tilespmem:$0x2800] =	vst v1  }
0x17: {  	[tilespmem:$0x2810] =	vst v1  }
0x18: {  	[tilespmem:$0x2820] =	vst v1  }
0x19: {  	[tilespmem:$0x2830] =	vst v1  }
0x1a: {  	[tilespmem:$0x2840] =	vst v1  }
0x1b: {  	[tilespmem:$0x2850] =	vst v1  }
0x1c: {  	[tilespmem:$0x2860] =	vst v1  }
0x1d: {  	[tilespmem:$0x2870] =	vst v1  }
0x1e: {  	[tilespmem:$0x2880] =	vst v1  }
0x1f: {  	[tilespmem:$0x2890] =	vst v1  }
0x20: {  	[tilespmem:$0x28A0] =	vst v1  }
0x21: {  	[tilespmem:$0x28B0] =	vst v1  }
0x22: {  	[tilespmem:$0x28C0] =	vst v1  }
0x23: {  	[tilespmem:$0x28D0] =	vst v1  }
0x24: {  	[tilespmem:$0x28E0] =	vst v1  }
0x25: {  	[tilespmem:$0x28F0] =	vst v1  }
0x26: {  	[tilespmem:$0x2900] =	vst v1  }
0x27: {  	[tilespmem:$0x2910] =	vst v1  }
0x28: {  	[tilespmem:$0x2920] =	vst v1  }
0x29: {  	[tilespmem:$0x2930] =	vst v1  }
0x2a: {  	[tilespmem:$0x2940] =	vst v1  }
0x2b: {  	[tilespmem:$0x2950] =	vst v1  }
0x2c: {  	[tilespmem:$0x2960] =	vst v1  }
0x2d: {  	[tilespmem:$0x2970] =	vst v1  }
0x2e: {  	[tilespmem:$0x2980] =	vst v1  }
0x2f: {  	[tilespmem:$0x2990] =	vst v1  }
0x30: {  	[tilespmem:$0x29A0] =	vst v1  }
0x31: {  	[tilespmem:$0x29B0] =	vst v1  }
0x32: {  	[tilespmem:$0x29C0] =	vst v1  }
0x33: {  	[tilespmem:$0x29D0] =	vst v1  }
0x34: {  	[tilespmem:$0x29E0] =	vst v1  }
0x35: {  	[tilespmem:$0x29F0] =	vst v1  }
0x36: {  	[tilespmem:$0x2A00] =	vst v1  }
0x37: {  	[tilespmem:$0x2A10] =	vst v1  }
0x38: {  	[tilespmem:$0x2A20] =	vst v1  }
0x39: {  	[tilespmem:$0x2A30] =	vst v1  }
0x3a: {  	[tilespmem:$0x2A40] =	vst v1  }
0x3b: {  	[tilespmem:$0x2A50] =	vst v1  }
0x3c: {  	[tilespmem:$0x2A60] =	vst v1  }
0x3d: {  	[tilespmem:$0x2A70] =	vst v1  }
0x3e: {  	[spmem:s5] =	stream.linear.scatter [tilespmem:s9], [sflag:$0x1], $0x280, $0x38;
	[tilespmem:$0x2D00] =	vst v63  }
0x3f: {  	_ =	swait.ge [sflag:s8], $0x280  }
0x40: {  	[sflag:s8] =	ssyncset.done $0x0  }
0x41: {  	[sflag:s8] =	ssyncadd.s32 $0xFFFFFD80  }
0x42: {  	s16 =	simm.s32 $0x0;
	[bflag:$0x0] =	sbarrier.arrive $0xFFFF  }
0x43: {  	v2 =	vld [tilespmem:s16+$0x0];
	_ =	sdelay $0x4  }
0x44: {  	[tilespmem:$0x2760] =	vst v2  }
0x45: {  	v2 =	vld [tilespmem:s16+$0x10];
	_ =	sdelay $0x4  }
0x46: {  	[tilespmem:$0x2770] =	vst v2  }
0x47: {  	v2 =	vld [tilespmem:s16+$0x20];
	_ =	sdelay $0x4  }
0x48: {  	[tilespmem:$0x2780] =	vst v2  }
0x49: {  	v2 =	vld [tilespmem:s16+$0x30];
	_ =	sdelay $0x4  }
0x4a: {  	[tilespmem:$0x2790] =	vst v2  }
0x4b: {  	v2 =	vld [tilespmem:s16+$0x40];
	_ =	sdelay $0x4  }
0x4c: {  	[tilespmem:$0x27A0] =	vst v2  }
0x4d: {  	[spmem:s2] =	stream.indirect.scatter.add.f32 [tilespmem:s12], [sflag:$0x1], $0x1, s11, s10, $0xb8;
	[tilespmem:$0x2D00] =	vst v63  }
0x4e: {  	_ =	swait.ge [sflag:s8], $0x50  }
0x4f: {  	s17 =	simm.s32 $0x280;
	s16 =	simm.s32 $0x140;
	[sflag:s8] =	ssyncset.done $0x0  }
.LBB2_2:
0x50: {  	s18 =	sshra.s32 s16, $0x2  }
0x51: {  	[sflag:s8] =	ssyncadd.s32 $0xFFFFFFB0;
	s16 =	smov.u32 s17;
	s19 =	sadd.s32 $0x140, s17  }
0x52: {  	p0 =	sne.s32 s17, $0x9C40;
	v2 =	vld [tilespmem:s18+$0x0];
	_ =	sdelay $0x4  }
0x53: {  	[tilespmem:$0x2760] =	vst v2  }
0x54: {  	v2 =	vld [tilespmem:s18+$0x10];
	_ =	sdelay $0x4  }
0x55: {  	[tilespmem:$0x2770] =	vst v2  }
0x56: {  	v2 =	vld [tilespmem:s18+$0x20];
	_ =	sdelay $0x4  }
0x57: {  	[tilespmem:$0x2780] =	vst v2  }
0x58: {  	v2 =	vld [tilespmem:s18+$0x30];
	_ =	sdelay $0x4  }
0x59: {  	[tilespmem:$0x2790] =	vst v2  }
0x5a: {  	v2 =	vld [tilespmem:s18+$0x40];
	_ =	sdelay $0x3  }
.Ltmp0:
0x5b: {  	(pc) =	sbr.rel @p0 .LBB2_2-.Ltmp0, $4  }
0x5c: {  	[tilespmem:$0x27A0] =	vst v2  }
0x5d: {  	[spmem:s2] =	stream.indirect.scatter.add.f32 [tilespmem:s12], [sflag:$0x1], $0x1, s11, s10, $0xb8;
	[tilespmem:$0x2D00] =	vst v63  }
0x5e: {  	_ =	swait.ge [sflag:s8], $0x50  }
0x5f: {  	s17 =	smov.u32 s19;
	[sflag:s8] =	ssyncset.done $0x0  }
0x60: {  	s16 =	sshra.s32 s16, $0x2;
	[sflag:s8] =	ssyncadd.s32 $0xFFFFFFB0  }
0x61: {  	v2 =	vld [tilespmem:s16+$0x0];
	_ =	sdelay $0x4  }
0x62: {  	[tilespmem:$0x2760] =	vst v2  }
0x63: {  	v2 =	vld [tilespmem:s16+$0x10];
	_ =	sdelay $0x4  }
0x64: {  	[tilespmem:$0x2770] =	vst v2  }
0x65: {  	v2 =	vld [tilespmem:s16+$0x20];
	_ =	sdelay $0x4  }
0x66: {  	[tilespmem:$0x2780] =	vst v2  }
0x67: {  	v2 =	vld [tilespmem:s16+$0x30];
	_ =	sdelay $0x4  }
0x68: {  	[tilespmem:$0x2790] =	vst v2  }
0x69: {  	v2 =	vld [tilespmem:s16+$0x40];
	_ =	sdelay $0x4  }
0x6a: {  	[tilespmem:$0x27A0] =	vst v2  }
0x6b: {  	[spmem:s2] =	stream.indirect.scatter.add.f32 [tilespmem:s12], [sflag:$0x1], $0x1, s11, s10, $0xb8;
	[tilespmem:$0x2D00] =	vst v63  }
0x6c: {  	_ =	swait.ge [sflag:s8], $0x50  }
0x6d: {  	s15 =	sadd.s32 $0x1, s15;
	[sflag:s8] =	ssyncset.done $0x0  }
0x6e: {  	p0 =	sne.s32 s15, s7;
	[sflag:s8] =	ssyncadd.s32 $0xFFFFFFB0  }
.Ltmp1:
0x6f: {  	[bflag:$0x0] =	sbarrier.arrive $0xFFFF;
	(pc) =	sbr.rel @p0 .LBB2_1-.Ltmp1, $4  }
0x70: {  	[hbm:s6], [sflag:s13] =	dma.local [spmem:s14], $0x50  }
0x71: {  	_ =	swait.ge [sflag:s8], $0x50  }
0x72: {  	[sflag:s8] =	ssyncset.done $0x0  }
0x73: {  	[sflag:s8] =	ssyncadd.s32 $0xFFFFFFB0  }
0x74: {  	_ =	sfence.sel $0x180000  }
0x75: {  	[bflag:$0x0] =	sbarrier.arrive $0xFFFF  }
0x76: {  	p0 =	sne.s32 s0, $0x0;
	_ =	strace $0x90000047  }
0x77: {  	s0 =	sadd.s32 @!p0 $0x100000, s1;
	[bflag:$0x2] =	sbarrier.arrive $0xFFFF  }
0x78: {  	[sflag:s0] =	ssyncadd.tile.s32 @!p0 $0x1;
	_ =	shalt  }
.Lfunc_end2:
_tile_overlayer_lowered:
.L_overlay_start_2:
0x79: {  	(tag) =	ssettag $0x2  }
0x7a: {  	s0 =	rddreg [dreg:$0x0];
	s2 =	stileid.u32  }
0x7b: {  	s1 =	rddreg [dreg:$0x1];
	p0 =	sne.s32 s2, $0x0  }
0x7c: {  	s3 =	rddreg [dreg:$0x2];
	[bflag:$0x3] =	sbarrier.arrive $0xFFFF;
	s2 =	simm.s32 @!p0 $0x1C01  }
0x7d: {  	[timem:s3], [sflag:s2] =	dma.local @!p0 [hbm:s0], s1  }
0x7e: {  	s0 =	simm.s32 @!p0 $0x1  }
0x7f: {  	_ =	swait.ge @!p0 [sflag:s0], s1  }
0x80: {  	s1 =	ssub.s32 @!p0 $0x0, s1;
	[sflag:s0] =	ssyncset.done @!p0 $0x0  }
0x81: {  	[sflag:s0] =	ssyncadd.s32 @!p0 s1  }
0x82: {  	[bflag:$0x3] =	sbarrier.arrive $0xFFFF  }
0x83: {  	_ =	shalt  }

</sc_bundles>
